<compile_context>
chip_gen: v7x
topology: tpu7x:2x2x1
jax: 0.10.2.dev20260603
libtpu: 0.0.44.dev20260713+nightly
codegen_flags: <defaults>
</compile_context>

<pallas_src>
import functools

import jax
import jax.numpy as jnp
from jax import lax
from jax.experimental import pallas as pl
from jax.experimental.pallas import tpu as pltpu
from jax.experimental.pallas import tpu_sc as plsc

B = 16384
D = 32
L = 16
NC, NS = 2, 16
NW = NC * NS
BPW = B // NW
GB = 16
NG = BPW // GB
W = 128
TAIL0 = 999872
RTAIL = TAIL0 + 64

_mesh = plsc.VectorSubcoreMesh(core_axis_name="c", subcore_axis_name="s")


@functools.partial(
    pl.kernel,
    mesh=_mesh,
    compiler_params=pltpu.CompilerParams(needs_layout_passes=False),
    out_type=jax.ShapeDtypeStruct((B,), jnp.float32),
    scratch_types=[
        pltpu.VMEM((2, BPW), jnp.int32),
        pltpu.VMEM((GB, D, W), jnp.float32),
        pltpu.VMEM((D, W), jnp.float32),
        pltpu.VMEM((D, W), jnp.float32),
        pltpu.VMEM((D, L), jnp.float32),
        pltpu.VMEM((D, L), jnp.float32),
        pltpu.VMEM((BPW,), jnp.float32),
        pltpu.SemaphoreType.DMA,
        pltpu.SemaphoreType.DMA,
    ],
)
def _mf_score(xt_hbm, ut_hbm, it_hbm, utail_hbm, itail_hbm,
              out_hbm, xidx_v, buf_v, utail_v,
              itail_v, upan_v, ipan_v, out_v, dsem, xsem):
    wid = lax.axis_index("s") * NC + lax.axis_index("c")
    base = wid * BPW

    pltpu.async_copy(xt_hbm.at[:, pl.ds(base, BPW)], xidx_v, xsem).wait()
    pltpu.async_copy(utail_hbm, utail_v, xsem).wait()
    pltpu.async_copy(itail_hbm, itail_v, xsem).wait()

    lane = lax.broadcasted_iota(jnp.int32, (L,), 0)

    def stage_and_extract(tab_hbm, tail_v, col, pan_v, g):
        rvec = xidx_v[col, pl.ds(g * GB, L)]
        for l in range(GB):
            r = rvec[l]
            q = lax.shift_right_logical(r, 7)
            q = jnp.where(r >= RTAIL, 0, q)
            qoff = pl.multiple_of(q * W, W)
            pltpu.async_copy(tab_hbm.at[:, pl.ds(qoff, W)],
                             buf_v.at[l], dsem)

        for l in range(GB):
            pltpu.make_async_copy(tab_hbm.at[:, pl.ds(0, W)],
                                  buf_v.at[l], dsem).wait()

        wvec = jnp.bitwise_and(rvec, W - 1)
        tmask = rvec >= RTAIL
        tcol = jnp.clip(rvec - TAIL0, 0, W - 1)
        for c in range(D):
            cvec = jnp.full((L,), c, jnp.int32)
            win = plsc.load_gather(buf_v, [lane, cvec, wvec])
            tl = plsc.load_gather(tail_v, [cvec, tcol])
            pan_v[c, pl.ds(0, L)] = jnp.where(tmask, tl, win)

    def group_body(g, carry):
        stage_and_extract(ut_hbm, utail_v, 0, upan_v, g)
        stage_and_extract(it_hbm, itail_v, 1, ipan_v, g)
        acc = jnp.zeros((L,), jnp.float32)
        for c in range(D):
            acc = acc + upan_v[c, pl.ds(0, L)] * ipan_v[c, pl.ds(0, L)]
        out_v[pl.ds(g * GB, L)] = acc
        return carry

    lax.fori_loop(0, NG, group_body, 0)
    pltpu.sync_copy(out_v, out_hbm.at[pl.ds(base, BPW)])


def kernel(x, uid_table, iid_table):
    utail = lax.slice(uid_table, (TAIL0, 0), (TAIL0 + W, D)).T
    itail = lax.slice(iid_table, (TAIL0, 0), (TAIL0 + W, D)).T
    return _mf_score(x.T, uid_table.T, iid_table.T, utail, itail)

# --- scband reference (transcript-rebuilt; emitter-appended) ---
"""Pipeline reference for scband-mfbased-model-2783138808351 (READ-ONLY COPY).

The authoritative reference and input builder live on the scoring server;
editing this copy changes nothing except your own understanding.
"""

import jax, jax.numpy as jnp
import numpy as np

UID_ALL = 1000000
IID_ALL = 1000000
EMB_DIM = 32
BATCH = 16384

def setup_inputs(seed: int = 0) -> dict:
    key = jax.random.key(seed)
    k1, k2, k3 = jax.random.split(key, 3)
    x = jax.random.randint(k1, (BATCH, 2), 0, UID_ALL, dtype=jnp.int64 if jax.config.jax_enable_x64 else jnp.int32)
    x = x.astype(jnp.int32)
    uid_table = jax.random.normal(k2, (UID_ALL, EMB_DIM), dtype=jnp.float32) * 0.02
    iid_table = jax.random.normal(k3, (IID_ALL + 1, EMB_DIM), dtype=jnp.float32) * 0.02
    return {"x": x, "uid_table": uid_table, "iid_table": iid_table}

def reference(x, uid_table, iid_table):
    # stage == 'train_src' path of MFBasedModel.forward:
    #   emb = LookupEmbedding(x): uid_emb = uid_embedding(x[:,0:1]); iid_emb = iid_embedding(x[:,1:2]); emb = cat -> [B,2,D]
    #   out = sum(emb[:,0,:] * emb[:,1,:], dim=1)
    uid_emb = jnp.take(uid_table, x[:, 0], axis=0)  # [B, D]
    iid_emb = jnp.take(iid_table, x[:, 1], axis=0)  # [B, D]
    out = jnp.sum(uid_emb * iid_emb, axis=1)  # [B]
    return out

if __name__ == "__main__":
    import jax
    _d = setup_inputs()
    print(jax.jit(kernel)(*tuple(_d.values())))

</pallas_src>

<mosaic_0001>
#map = affine_map<(d0, d1) -> (0, 0)>
#map1 = affine_map<(d0, d1) -> (0)>
module attributes {stable_mosaic.version = 14 : i64} {
  func.func @_mf_score(%arg0: i32, %arg1: i32, %arg2: memref<2x16384xi32, #tpu.memory_space<hbm>>, %arg3: memref<32x1000000xf32, #tpu.memory_space<hbm>>, %arg4: memref<32x1000001xf32, #tpu.memory_space<hbm>>, %arg5: memref<32x128xf32, #tpu.memory_space<hbm>>, %arg6: memref<32x128xf32, #tpu.memory_space<hbm>>, %arg7: memref<16384xf32, #tpu.memory_space<hbm>>, %arg8: memref<2x512xi32, #tpu.memory_space<vmem>>, %arg9: memref<16x32x128xf32, #tpu.memory_space<vmem>>, %arg10: memref<32x128xf32, #tpu.memory_space<vmem>>, %arg11: memref<32x128xf32, #tpu.memory_space<vmem>>, %arg12: memref<32x16xf32, #tpu.memory_space<vmem>>, %arg13: memref<32x16xf32, #tpu.memory_space<vmem>>, %arg14: memref<512xf32, #tpu.memory_space<vmem>>, %arg15: memref<!tpu.dma_semaphore, #tpu.memory_space<semaphore_mem>>, %arg16: memref<!tpu.dma_semaphore, #tpu.memory_space<semaphore_mem>>) attributes {dimension_semantics = [#tpu.dimension_semantics<core_parallel>, #tpu.dimension_semantics<subcore_parallel>], iteration_bounds = array<i64: 2, 16>, scalar_prefetch = 0 : i64, scratch_operands = 9 : i64, tpu.core_type = #tpu.core_type<sc_vector_subcore>, window_params = [{transform_indices = #map}, {transform_indices = #map}, {transform_indices = #map}, {transform_indices = #map}, {transform_indices = #map}, {transform_indices = #map1}]} {
    %mul3A = arith.constant 2 : i32
    %mul3A_0 = arith.muli %arg1, %mul3A : i32
    %add3A = arith.addi %mul3A_0, %arg0 : i32
    %mul3A_1 = arith.constant 512 : i32
    %mul3A_2 = arith.muli %add3A, %mul3A_1 : i32
    %dma_start3A = arith.constant 0 : i32
    %dma_start3A_3 = tpu.memref_slice %arg2[%dma_start3A, %mul3A_2] : memref<2x16384xi32, #tpu.memory_space<hbm>> -> memref<2x512xi32, #tpu.memory_space<hbm>>
    %dma_start3A_4 = arith.constant 0 : i32
    %dma_start3A_5 = tpu.memref_slice %arg2[%dma_start3A_4, %mul3A_2] : memref<2x16384xi32, #tpu.memory_space<hbm>> -> memref<2x512xi32, #tpu.memory_space<hbm>>
    tpu.enqueue_dma source(%dma_start3A_5 : memref<2x512xi32, #tpu.memory_space<hbm>>) target(%arg8 : memref<2x512xi32, #tpu.memory_space<vmem>>) target_semaphore(%arg16 : memref<!tpu.dma_semaphore, #tpu.memory_space<semaphore_mem>>)
    %dma_wait3A = arith.constant 0 : i32
    %dma_wait3A_6 = tpu.memref_slice %arg2[%dma_wait3A, %mul3A_2] : memref<2x16384xi32, #tpu.memory_space<hbm>> -> memref<2x512xi32, #tpu.memory_space<hbm>>
    %dma_wait3A_7 = arith.constant 0 : i32
    %dma_wait3A_8 = tpu.memref_slice %arg2[%dma_wait3A_7, %mul3A_2] : memref<2x16384xi32, #tpu.memory_space<hbm>> -> memref<2x512xi32, #tpu.memory_space<hbm>>
    tpu.wait_dma2 semaphore(%arg16 : memref<!tpu.dma_semaphore, #tpu.memory_space<semaphore_mem>>) src(%dma_wait3A_8 : memref<2x512xi32, #tpu.memory_space<hbm>>) dst(%arg8 : memref<2x512xi32, #tpu.memory_space<vmem>>)
    tpu.enqueue_dma source(%arg5 : memref<32x128xf32, #tpu.memory_space<hbm>>) target(%arg10 : memref<32x128xf32, #tpu.memory_space<vmem>>) target_semaphore(%arg16 : memref<!tpu.dma_semaphore, #tpu.memory_space<semaphore_mem>>)
    tpu.wait_dma2 semaphore(%arg16 : memref<!tpu.dma_semaphore, #tpu.memory_space<semaphore_mem>>) src(%arg5 : memref<32x128xf32, #tpu.memory_space<hbm>>) dst(%arg10 : memref<32x128xf32, #tpu.memory_space<vmem>>)
    tpu.enqueue_dma source(%arg6 : memref<32x128xf32, #tpu.memory_space<hbm>>) target(%arg11 : memref<32x128xf32, #tpu.memory_space<vmem>>) target_semaphore(%arg16 : memref<!tpu.dma_semaphore, #tpu.memory_space<semaphore_mem>>)
    tpu.wait_dma2 semaphore(%arg16 : memref<!tpu.dma_semaphore, #tpu.memory_space<semaphore_mem>>) src(%arg6 : memref<32x128xf32, #tpu.memory_space<hbm>>) dst(%arg11 : memref<32x128xf32, #tpu.memory_space<vmem>>)
    %iota3A = tpu.iota {dimensions = array<i32: 0>} : vector<16xi32>
    %scan3A = arith.constant 0 : i32
    %scan3A_9 = arith.constant 0 : i32
    %scan3A_10 = arith.constant 32 : i32
    %scan3A_11 = arith.addi %scan3A_9, %scan3A_10 : i32
    %scan3A_12 = arith.constant 1 : i32
    scf.for %scan3A_14 = %scan3A_9 to %scan3A_11 step %scan3A_12  : i32 {
      %mul3A_15 = arith.constant 16 : i32
      %mul3A_16 = arith.muli %scan3A_14, %mul3A_15 : i32
      %get3A = arith.constant 0 : i32
      %get3A_17 = arith.index_cast %get3A : i32 to index
      %get3A_18 = arith.index_cast %mul3A_16 : i32 to index
      %get3A_19 = tpu.vector_load %arg8[%get3A_17, %get3A_18] {strides = array<i32>} : memref<2x512xi32, #tpu.memory_space<vmem>>, vector<16xi32>,
      %slice3A = vector.extract_strided_slice %get3A_19 {offsets = [0], sizes = [1], strides = [1]} : vector<16xi32> to vector<1xi32>
      %squeeze3A = vector.extract %slice3A[0] : i32 from vector<1xi32>
      %shift_right_logical3A = arith.constant 7 : i32
      %shift_right_logical3A_20 = arith.shrui %squeeze3A, %shift_right_logical3A : i32
      %ge3A = arith.constant 999936 : i32
      %ge3A_21 = arith.cmpi sge, %squeeze3A, %ge3A : i32
      %jit3A = arith.constant 0 : i32
      %select_n3A = arith.select %ge3A_21, %jit3A, %shift_right_logical3A_20 : i32
      %mul3A_22 = arith.constant 128 : i32
      %mul3A_23 = arith.muli %select_n3A, %mul3A_22 : i32
      %multiple_of3A = tpu.assume_multiple %mul3A_23, 128 : i32
      %dma_start3A_24 = arith.constant 0 : i32
      %dma_start3A_25 = arith.constant 0 : i32
      %dma_start3A_26 = arith.constant 0 : i32
      %dma_start3A_27 = tpu.memref_slice %arg9[%dma_start3A_24, %dma_start3A_25, %dma_start3A_26] : memref<16x32x128xf32, #tpu.memory_space<vmem>> -> memref<1x32x128xf32, #tpu.memory_space<vmem>>
      %dma_start3A_28 = tpu.memref_squeeze %dma_start3A_27 : memref<1x32x128xf32, #tpu.memory_space<vmem>> -> memref<32x128xf32, #tpu.memory_space<vmem>>
      %dma_start3A_29 = arith.constant 0 : i32
      %dma_start3A_30 = tpu.memref_slice %arg3[%dma_start3A_29, %multiple_of3A] : memref<32x1000000xf32, #tpu.memory_space<hbm>> -> memref<32x128xf32, #tpu.memory_space<hbm>>
      %dma_start3A_31 = arith.constant 0 : i32
      %dma_start3A_32 = arith.constant 0 : i32
      %dma_start3A_33 = tpu.memref_slice %arg9[%dma_start3A_24, %dma_start3A_31, %dma_start3A_32] : memref<16x32x128xf32, #tpu.memory_space<vmem>> -> memref<1x32x128xf32, #tpu.memory_space<vmem>>
      %dma_start3A_34 = tpu.memref_squeeze %dma_start3A_33 : memref<1x32x128xf32, #tpu.memory_space<vmem>> -> memref<32x128xf32, #tpu.memory_space<vmem>>
      %dma_start3A_35 = arith.constant 0 : i32
      %dma_start3A_36 = tpu.memref_slice %arg3[%dma_start3A_35, %multiple_of3A] : memref<32x1000000xf32, #tpu.memory_space<hbm>> -> memref<32x128xf32, #tpu.memory_space<hbm>>
      tpu.enqueue_dma source(%dma_start3A_36 : memref<32x128xf32, #tpu.memory_space<hbm>>) target(%dma_start3A_34 : memref<32x128xf32, #tpu.memory_space<vmem>>) target_semaphore(%arg15 : memref<!tpu.dma_semaphore, #tpu.memory_space<semaphore_mem>>)
      %slice3A_37 = vector.extract_strided_slice %get3A_19 {offsets = [1], sizes = [1], strides = [1]} : vector<16xi32> to vector<1xi32>
      %squeeze3A_38 = vector.extract %slice3A_37[0] : i32 from vector<1xi32>
      %shift_right_logical3A_39 = arith.constant 7 : i32
      %shift_right_logical3A_40 = arith.shrui %squeeze3A_38, %shift_right_logical3A_39 : i32
      %ge3A_41 = arith.constant 999936 : i32
      %ge3A_42 = arith.cmpi sge, %squeeze3A_38, %ge3A_41 : i32
      %jit3A_43 = arith.constant 0 : i32
      %select_n3A_44 = arith.select %ge3A_42, %jit3A_43, %shift_right_logical3A_40 : i32
      %mul3A_45 = arith.constant 128 : i32
      %mul3A_46 = arith.muli %select_n3A_44, %mul3A_45 : i32
      %multiple_of3A_47 = tpu.assume_multiple %mul3A_46, 128 : i32
      %dma_start3A_48 = arith.constant 1 : i32
      %dma_start3A_49 = arith.constant 0 : i32
      %dma_start3A_50 = arith.constant 0 : i32
      %dma_start3A_51 = tpu.memref_slice %arg9[%dma_start3A_48, %dma_start3A_49, %dma_start3A_50] : memref<16x32x128xf32, #tpu.memory_space<vmem>> -> memref<1x32x128xf32, #tpu.memory_space<vmem>>
      %dma_start3A_52 = tpu.memref_squeeze %dma_start3A_51 : memref<1x32x128xf32, #tpu.memory_space<vmem>> -> memref<32x128xf32, #tpu.memory_space<vmem>>
      %dma_start3A_53 = arith.constant 0 : i32
      %dma_start3A_54 = tpu.memref_slice %arg3[%dma_start3A_53, %multiple_of3A_47] : memref<32x1000000xf32, #tpu.memory_space<hbm>> -> memref<32x128xf32, #tpu.memory_space<hbm>>
      %dma_start3A_55 = arith.constant 0 : i32
      %dma_start3A_56 = arith.constant 0 : i32
      %dma_start3A_57 = tpu.memref_slice %arg9[%dma_start3A_48, %dma_start3A_55, %dma_start3A_56] : memref<16x32x128xf32, #tpu.memory_space<vmem>> -> memref<1x32x128xf32, #tpu.memory_space<vmem>>
      %dma_start3A_58 = tpu.memref_squeeze %dma_start3A_57 : memref<1x32x128xf32, #tpu.memory_space<vmem>> -> memref<32x128xf32, #tpu.memory_space<vmem>>
      %dma_start3A_59 = arith.constant 0 : i32
      %dma_start3A_60 = tpu.memref_slice %arg3[%dma_start3A_59, %multiple_of3A_47] : memref<32x1000000xf32, #tpu.memory_space<hbm>> -> memref<32x128xf32, #tpu.memory_space<hbm>>
      tpu.enqueue_dma source(%dma_start3A_60 : memref<32x128xf32, #tpu.memory_space<hbm>>) target(%dma_start3A_58 : memref<32x128xf32, #tpu.memory_space<vmem>>) target_semaphore(%arg15 : memref<!tpu.dma_semaphore, #tpu.memory_space<semaphore_mem>>)
      %slice3A_61 = vector.extract_strided_slice %get3A_19 {offsets = [2], sizes = [1], strides = [1]} : vector<16xi32> to vector<1xi32>
      %squeeze3A_62 = vector.extract %slice3A_61[0] : i32 from vector<1xi32>
      %shift_right_logical3A_63 = arith.constant 7 : i32
      %shift_right_logical3A_64 = arith.shrui %squeeze3A_62, %shift_right_logical3A_63 : i32
      %ge3A_65 = arith.constant 999936 : i32
      %ge3A_66 = arith.cmpi sge, %squeeze3A_62, %ge3A_65 : i32
      %jit3A_67 = arith.constant 0 : i32
      %select_n3A_68 = arith.select %ge3A_66, %jit3A_67, %shift_right_logical3A_64 : i32
      %mul3A_69 = arith.constant 128 : i32
      %mul3A_70 = arith.muli %select_n3A_68, %mul3A_69 : i32
      %multiple_of3A_71 = tpu.assume_multiple %mul3A_70, 128 : i32
      %dma_start3A_72 = arith.constant 2 : i32
      %dma_start3A_73 = arith.constant 0 : i32
      %dma_start3A_74 = arith.constant 0 : i32
      %dma_start3A_75 = tpu.memref_slice %arg9[%dma_start3A_72, %dma_start3A_73, %dma_start3A_74] : memref<16x32x128xf32, #tpu.memory_space<vmem>> -> memref<1x32x128xf32, #tpu.memory_space<vmem>>
      %dma_start3A_76 = tpu.memref_squeeze %dma_start3A_75 : memref<1x32x128xf32, #tpu.memory_space<vmem>> -> memref<32x128xf32, #tpu.memory_space<vmem>>
      %dma_start3A_77 = arith.constant 0 : i32
      %dma_start3A_78 = tpu.memref_slice %arg3[%dma_start3A_77, %multiple_of3A_71] : memref<32x1000000xf32, #tpu.memory_space<hbm>> -> memref<32x128xf32, #tpu.memory_space<hbm>>
      %dma_start3A_79 = arith.constant 0 : i32
      %dma_start3A_80 = arith.constant 0 : i32
      %dma_start3A_81 = tpu.memref_slice %arg9[%dma_start3A_72, %dma_start3A_79, %dma_start3A_80] : memref<16x32x128xf32, #tpu.memory_space<vmem>> -> memref<1x32x128xf32, #tpu.memory_space<vmem>>
      %dma_start3A_82 = tpu.memref_squeeze %dma_start3A_81 : memref<1x32x128xf32, #tpu.memory_space<vmem>> -> memref<32x128xf32, #tpu.memory_space<vmem>>
      %dma_start3A_83 = arith.constant 0 : i32
      %dma_start3A_84 = tpu.memref_slice %arg3[%dma_start3A_83, %multiple_of3A_71] : memref<32x1000000xf32, #tpu.memory_space<hbm>> -> memref<32x128xf32, #tpu.memory_space<hbm>>
      tpu.enqueue_dma source(%dma_start3A_84 : memref<32x128xf32, #tpu.memory_space<hbm>>) target(%dma_start3A_82 : memref<32x128xf32, #tpu.memory_space<vmem>>) target_semaphore(%arg15 : memref<!tpu.dma_semaphore, #tpu.memory_space<semaphore_mem>>)
      %slice3A_85 = vector.extract_strided_slice %get3A_19 {offsets = [3], sizes = [1], strides = [1]} : vector<16xi32> to vector<1xi32>
      %squeeze3A_86 = vector.extract %slice3A_85[0] : i32 from vector<1xi32>
      %shift_right_logical3A_87 = arith.constant 7 : i32
      %shift_right_logical3A_88 = arith.shrui %squeeze3A_86, %shift_right_logical3A_87 : i32
      %ge3A_89 = arith.constant 999936 : i32
      %ge3A_90 = arith.cmpi sge, %squeeze3A_86, %ge3A_89 : i32
      %jit3A_91 = arith.constant 0 : i32
      %select_n3A_92 = arith.select %ge3A_90, %jit3A_91, %shift_right_logical3A_88 : i32
      %mul3A_93 = arith.constant 128 : i32
      %mul3A_94 = arith.muli %select_n3A_92, %mul3A_93 : i32
      %multiple_of3A_95 = tpu.assume_multiple %mul3A_94, 128 : i32
      %dma_start3A_96 = arith.constant 3 : i32
      %dma_start3A_97 = arith.constant 0 : i32
      %dma_start3A_98 = arith.constant 0 : i32
      %dma_start3A_99 = tpu.memref_slice %arg9[%dma_start3A_96, %dma_start3A_97, %dma_start3A_98] : memref<16x32x128xf32, #tpu.memory_space<vmem>> -> memref<1x32x128xf32, #tpu.memory_space<vmem>>
      %dma_start3A_100 = tpu.memref_squeeze %dma_start3A_99 : memref<1x32x128xf32, #tpu.memory_space<vmem>> -> memref<32x128xf32, #tpu.memory_space<vmem>>
      %dma_start3A_101 = arith.constant 0 : i32
      %dma_start3A_102 = tpu.memref_slice %arg3[%dma_start3A_101, %multiple_of3A_95] : memref<32x1000000xf32, #tpu.memory_space<hbm>> -> memref<32x128xf32, #tpu.memory_space<hbm>>
      %dma_start3A_103 = arith.constant 0 : i32
      %dma_start3A_104 = arith.constant 0 : i32
      %dma_start3A_105 = tpu.memref_slice %arg9[%dma_start3A_96, %dma_start3A_103, %dma_start3A_104] : memref<16x32x128xf32, #tpu.memory_space<vmem>> -> memref<1x32x128xf32, #tpu.memory_space<vmem>>
      %dma_start3A_106 = tpu.memref_squeeze %dma_start3A_105 : memref<1x32x128xf32, #tpu.memory_space<vmem>> -> memref<32x128xf32, #tpu.memory_space<vmem>>
      %dma_start3A_107 = arith.constant 0 : i32
      %dma_start3A_108 = tpu.memref_slice %arg3[%dma_start3A_107, %multiple_of3A_95] : memref<32x1000000xf32, #tpu.memory_space<hbm>> -> memref<32x128xf32, #tpu.memory_space<hbm>>
      tpu.enqueue_dma source(%dma_start3A_108 : memref<32x128xf32, #tpu.memory_space<hbm>>) target(%dma_start3A_106 : memref<32x128xf32, #tpu.memory_space<vmem>>) target_semaphore(%arg15 : memref<!tpu.dma_semaphore, #tpu.memory_space<semaphore_mem>>)
      %slice3A_109 = vector.extract_strided_slice %get3A_19 {offsets = [4], sizes = [1], strides = [1]} : vector<16xi32> to vector<1xi32>
      %squeeze3A_110 = vector.extract %slice3A_109[0] : i32 from vector<1xi32>
      %shift_right_logical3A_111 = arith.constant 7 : i32
      %shift_right_logical3A_112 = arith.shrui %squeeze3A_110, %shift_right_logical3A_111 : i32
      %ge3A_113 = arith.constant 999936 : i32
      %ge3A_114 = arith.cmpi sge, %squeeze3A_110, %ge3A_113 : i32
      %jit3A_115 = arith.constant 0 : i32
      %select_n3A_116 = arith.select %ge3A_114, %jit3A_115, %shift_right_logical3A_112 : i32
      %mul3A_117 = arith.constant 128 : i32
      %mul3A_118 = arith.muli %select_n3A_116, %mul3A_117 : i32
      %multiple_of3A_119 = tpu.assume_multiple %mul3A_118, 128 : i32
      %dma_start3A_120 = arith.constant 4 : i32
      %dma_start3A_121 = arith.constant 0 : i32
      %dma_start3A_122 = arith.constant 0 : i32
      %dma_start3A_123 = tpu.memref_slice %arg9[%dma_start3A_120, %dma_start3A_121, %dma_start3A_122] : memref<16x32x128xf32, #tpu.memory_space<vmem>> -> memref<1x32x128xf32, #tpu.memory_space<vmem>>
      %dma_start3A_124 = tpu.memref_squeeze %dma_start3A_123 : memref<1x32x128xf32, #tpu.memory_space<vmem>> -> memref<32x128xf32, #tpu.memory_space<vmem>>
      %dma_start3A_125 = arith.constant 0 : i32
      %dma_start3A_126 = tpu.memref_slice %arg3[%dma_start3A_125, %multiple_of3A_119] : memref<32x1000000xf32, #tpu.memory_space<hbm>> -> memref<32x128xf32, #tpu.memory_space<hbm>>
      %dma_start3A_127 = arith.constant 0 : i32
      %dma_start3A_128 = arith.constant 0 : i32
      %dma_start3A_129 = tpu.memref_slice %arg9[%dma_start3A_120, %dma_start3A_127, %dma_start3A_128] : memref<16x32x128xf32, #tpu.memory_space<vmem>> -> memref<1x32x128xf32, #tpu.memory_space<vmem>>
      %dma_start3A_130 = tpu.memref_squeeze %dma_start3A_129 : memref<1x32x128xf32, #tpu.memory_space<vmem>> -> memref<32x128xf32, #tpu.memory_space<vmem>>
      %dma_start3A_131 = arith.constant 0 : i32
      %dma_start3A_132 = tpu.memref_slice %arg3[%dma_start3A_131, %multiple_of3A_119] : memref<32x1000000xf32, #tpu.memory_space<hbm>> -> memref<32x128xf32, #tpu.memory_space<hbm>>
      tpu.enqueue_dma source(%dma_start3A_132 : memref<32x128xf32, #tpu.memory_space<hbm>>) target(%dma_start3A_130 : memref<32x128xf32, #tpu.memory_space<vmem>>) target_semaphore(%arg15 : memref<!tpu.dma_semaphore, #tpu.memory_space<semaphore_mem>>)
      %slice3A_133 = vector.extract_strided_slice %get3A_19 {offsets = [5], sizes = [1], strides = [1]} : vector<16xi32> to vector<1xi32>
      %squeeze3A_134 = vector.extract %slice3A_133[0] : i32 from vector<1xi32>
      %shift_right_logical3A_135 = arith.constant 7 : i32
      %shift_right_logical3A_136 = arith.shrui %squeeze3A_134, %shift_right_logical3A_135 : i32
      %ge3A_137 = arith.constant 999936 : i32
      %ge3A_138 = arith.cmpi sge, %squeeze3A_134, %ge3A_137 : i32
      %jit3A_139 = arith.constant 0 : i32
      %select_n3A_140 = arith.select %ge3A_138, %jit3A_139, %shift_right_logical3A_136 : i32
      %mul3A_141 = arith.constant 128 : i32
      %mul3A_142 = arith.muli %select_n3A_140, %mul3A_141 : i32
      %multiple_of3A_143 = tpu.assume_multiple %mul3A_142, 128 : i32
      %dma_start3A_144 = arith.constant 5 : i32
      %dma_start3A_145 = arith.constant 0 : i32
      %dma_start3A_146 = arith.constant 0 : i32
      %dma_start3A_147 = tpu.memref_slice %arg9[%dma_start3A_144, %dma_start3A_145, %dma_start3A_146] : memref<16x32x128xf32, #tpu.memory_space<vmem>> -> memref<1x32x128xf32, #tpu.memory_space<vmem>>
      %dma_start3A_148 = tpu.memref_squeeze %dma_start3A_147 : memref<1x32x128xf32, #tpu.memory_space<vmem>> -> memref<32x128xf32, #tpu.memory_space<vmem>>
      %dma_start3A_149 = arith.constant 0 : i32
      %dma_start3A_150 = tpu.memref_slice %arg3[%dma_start3A_149, %multiple_of3A_143] : memref<32x1000000xf32, #tpu.memory_space<hbm>> -> memref<32x128xf32, #tpu.memory_space<hbm>>
      %dma_start3A_151 = arith.constant 0 : i32
      %dma_start3A_152 = arith.constant 0 : i32
      %dma_start3A_153 = tpu.memref_slice %arg9[%dma_start3A_144, %dma_start3A_151, %dma_start3A_152] : memref<16x32x128xf32, #tpu.memory_space<vmem>> -> memref<1x32x128xf32, #tpu.memory_space<vmem>>
      %dma_start3A_154 = tpu.memref_squeeze %dma_start3A_153 : memref<1x32x128xf32, #tpu.memory_space<vmem>> -> memref<32x128xf32, #tpu.memory_space<vmem>>
      %dma_start3A_155 = arith.constant 0 : i32
      %dma_start3A_156 = tpu.memref_slice %arg3[%dma_start3A_155, %multiple_of3A_143] : memref<32x1000000xf32, #tpu.memory_space<hbm>> -> memref<32x128xf32, #tpu.memory_space<hbm>>
      tpu.enqueue_dma source(%dma_start3A_156 : memref<32x128xf32, #tpu.memory_space<hbm>>) target(%dma_start3A_154 : memref<32x128xf32, #tpu.memory_space<vmem>>) target_semaphore(%arg15 : memref<!tpu.dma_semaphore, #tpu.memory_space<semaphore_mem>>)
      %slice3A_157 = vector.extract_strided_slice %get3A_19 {offsets = [6], sizes = [1], strides = [1]} : vector<16xi32> to vector<1xi32>
      %squeeze3A_158 = vector.extract %slice3A_157[0] : i32 from vector<1xi32>
      %shift_right_logical3A_159 = arith.constant 7 : i32
      %shift_right_logical3A_160 = arith.shrui %squeeze3A_158, %shift_right_logical3A_159 : i32
      %ge3A_161 = arith.constant 999936 : i32
      %ge3A_162 = arith.cmpi sge, %squeeze3A_158, %ge3A_161 : i32
      %jit3A_163 = arith.constant 0 : i32
      %select_n3A_164 = arith.select %ge3A_162, %jit3A_163, %shift_right_logical3A_160 : i32
      %mul3A_165 = arith.constant 128 : i32
      %mul3A_166 = arith.muli %select_n3A_164, %mul3A_165 : i32
      %multiple_of3A_167 = tpu.assume_multiple %mul3A_166, 128 : i32
      %dma_start3A_168 = arith.constant 6 : i32
      %dma_start3A_169 = arith.constant 0 : i32
      %dma_start3A_170 = arith.constant 0 : i32
      %dma_start3A_171 = tpu.memref_slice %arg9[%dma_start3A_168, %dma_start3A_169, %dma_start3A_170] : memref<16x32x128xf32, #tpu.memory_space<vmem>> -> memref<1x32x128xf32, #tpu.memory_space<vmem>>
      %dma_start3A_172 = tpu.memref_squeeze %dma_start3A_171 : memref<1x32x128xf32, #tpu.memory_space<vmem>> -> memref<32x128xf32, #tpu.memory_space<vmem>>
      %dma_start3A_173 = arith.constant 0 : i32
      %dma_start3A_174 = tpu.memref_slice %arg3[%dma_start3A_173, %multiple_of3A_167] : memref<32x1000000xf32, #tpu.memory_space<hbm>> -> memref<32x128xf32, #tpu.memory_space<hbm>>
      %dma_start3A_175 = arith.constant 0 : i32
      %dma_start3A_176 = arith.constant 0 : i32
      %dma_start3A_177 = tpu.memref_slice %arg9[%dma_start3A_168, %dma_start3A_175, %dma_start3A_176] : memref<16x32x128xf32, #tpu.memory_space<vmem>> -> memref<1x32x128xf32, #tpu.memory_space<vmem>>
      %dma_start3A_178 = tpu.memref_squeeze %dma_start3A_177 : memref<1x32x128xf32, #tpu.memory_space<vmem>> -> memref<32x128xf32, #tpu.memory_space<vmem>>
      %dma_start3A_179 = arith.constant 0 : i32
      %dma_start3A_180 = tpu.memref_slice %arg3[%dma_start3A_179, %multiple_of3A_167] : memref<32x1000000xf32, #tpu.memory_space<hbm>> -> memref<32x128xf32, #tpu.memory_space<hbm>>
      tpu.enqueue_dma source(%dma_start3A_180 : memref<32x128xf32, #tpu.memory_space<hbm>>) target(%dma_start3A_178 : memref<32x128xf32, #tpu.memory_space<vmem>>) target_semaphore(%arg15 : memref<!tpu.dma_semaphore, #tpu.memory_space<semaphore_mem>>)
      %slice3A_181 = vector.extract_strided_slice %get3A_19 {offsets = [7], sizes = [1], strides = [1]} : vector<16xi32> to vector<1xi32>
      %squeeze3A_182 = vector.extract %slice3A_181[0] : i32 from vector<1xi32>
      %shift_right_logical3A_183 = arith.constant 7 : i32
      %shift_right_logical3A_184 = arith.shrui %squeeze3A_182, %shift_right_logical3A_183 : i32
      %ge3A_185 = arith.constant 999936 : i32
      %ge3A_186 = arith.cmpi sge, %squeeze3A_182, %ge3A_185 : i32
      %jit3A_187 = arith.constant 0 : i32
      %select_n3A_188 = arith.select %ge3A_186, %jit3A_187, %shift_right_logical3A_184 : i32
      %mul3A_189 = arith.constant 128 : i32
      %mul3A_190 = arith.muli %select_n3A_188, %mul3A_189 : i32
      %multiple_of3A_191 = tpu.assume_multiple %mul3A_190, 128 : i32
      %dma_start3A_192 = arith.constant 7 : i32
      %dma_start3A_193 = arith.constant 0 : i32
      %dma_start3A_194 = arith.constant 0 : i32
      %dma_start3A_195 = tpu.memref_slice %arg9[%dma_start3A_192, %dma_start3A_193, %dma_start3A_194] : memref<16x32x128xf32, #tpu.memory_space<vmem>> -> memref<1x32x128xf32, #tpu.memory_space<vmem>>
      %dma_start3A_196 = tpu.memref_squeeze %dma_start3A_195 : memref<1x32x128xf32, #tpu.memory_space<vmem>> -> memref<32x128xf32, #tpu.memory_space<vmem>>
      %dma_start3A_197 = arith.constant 0 : i32
      %dma_start3A_198 = tpu.memref_slice %arg3[%dma_start3A_197, %multiple_of3A_191] : memref<32x1000000xf32, #tpu.memory_space<hbm>> -> memref<32x128xf32, #tpu.memory_space<hbm>>
      %dma_start3A_199 = arith.constant 0 : i32
      %dma_start3A_200 = arith.constant 0 : i32
      %dma_start3A_201 = tpu.memref_slice %arg9[%dma_start3A_192, %dma_start3A_199, %dma_start3A_200] : memref<16x32x128xf32, #tpu.memory_space<vmem>> -> memref<1x32x128xf32, #tpu.memory_space<vmem>>
      %dma_start3A_202 = tpu.memref_squeeze %dma_start3A_201 : memref<1x32x128xf32, #tpu.memory_space<vmem>> -> memref<32x128xf32, #tpu.memory_space<vmem>>
      %dma_start3A_203 = arith.constant 0 : i32
      %dma_start3A_204 = tpu.memref_slice %arg3[%dma_start3A_203, %multiple_of3A_191] : memref<32x1000000xf32, #tpu.memory_space<hbm>> -> memref<32x128xf32, #tpu.memory_space<hbm>>
      tpu.enqueue_dma source(%dma_start3A_204 : memref<32x128xf32, #tpu.memory_space<hbm>>) target(%dma_start3A_202 : memref<32x128xf32, #tpu.memory_space<vmem>>) target_semaphore(%arg15 : memref<!tpu.dma_semaphore, #tpu.memory_space<semaphore_mem>>)
      %slice3A_205 = vector.extract_strided_slice %get3A_19 {offsets = [8], sizes = [1], strides = [1]} : vector<16xi32> to vector<1xi32>
      %squeeze3A_206 = vector.extract %slice3A_205[0] : i32 from vector<1xi32>
      %shift_right_logical3A_207 = arith.constant 7 : i32
      %shift_right_logical3A_208 = arith.shrui %squeeze3A_206, %shift_right_logical3A_207 : i32
      %ge3A_209 = arith.constant 999936 : i32
      %ge3A_210 = arith.cmpi sge, %squeeze3A_206, %ge3A_209 : i32
      %jit3A_211 = arith.constant 0 : i32
      %select_n3A_212 = arith.select %ge3A_210, %jit3A_211, %shift_right_logical3A_208 : i32
      %mul3A_213 = arith.constant 128 : i32
      %mul3A_214 = arith.muli %select_n3A_212, %mul3A_213 : i32
      %multiple_of3A_215 = tpu.assume_multiple %mul3A_214, 128 : i32
      %dma_start3A_216 = arith.constant 8 : i32
      %dma_start3A_217 = arith.constant 0 : i32
      %dma_start3A_218 = arith.constant 0 : i32
      %dma_start3A_219 = tpu.memref_slice %arg9[%dma_start3A_216, %dma_start3A_217, %dma_start3A_218] : memref<16x32x128xf32, #tpu.memory_space<vmem>> -> memref<1x32x128xf32, #tpu.memory_space<vmem>>
      %dma_start3A_220 = tpu.memref_squeeze %dma_start3A_219 : memref<1x32x128xf32, #tpu.memory_space<vmem>> -> memref<32x128xf32, #tpu.memory_space<vmem>>
      %dma_start3A_221 = arith.constant 0 : i32
      %dma_start3A_222 = tpu.memref_slice %arg3[%dma_start3A_221, %multiple_of3A_215] : memref<32x1000000xf32, #tpu.memory_space<hbm>> -> memref<32x128xf32, #tpu.memory_space<hbm>>
      %dma_start3A_223 = arith.constant 0 : i32
      %dma_start3A_224 = arith.constant 0 : i32
      %dma_start3A_225 = tpu.memref_slice %arg9[%dma_start3A_216, %dma_start3A_223, %dma_start3A_224] : memref<16x32x128xf32, #tpu.memory_space<vmem>> -> memref<1x32x128xf32, #tpu.memory_space<vmem>>
      %dma_start3A_226 = tpu.memref_squeeze %dma_start3A_225 : memref<1x32x128xf32, #tpu.memory_space<vmem>> -> memref<32x128xf32, #tpu.memory_space<vmem>>
      %dma_start3A_227 = arith.constant 0 : i32
      %dma_start3A_228 = tpu.memref_slice %arg3[%dma_start3A_227, %multiple_of3A_215] : memref<32x1000000xf32, #tpu.memory_space<hbm>> -> memref<32x128xf32, #tpu.memory_space<hbm>>
      tpu.enqueue_dma source(%dma_start3A_228 : memref<32x128xf32, #tpu.memory_space<hbm>>) target(%dma_start3A_226 : memref<32x128xf32, #tpu.memory_space<vmem>>) target_semaphore(%arg15 : memref<!tpu.dma_semaphore, #tpu.memory_space<semaphore_mem>>)
      %slice3A_229 = vector.extract_strided_slice %get3A_19 {offsets = [9], sizes = [1], strides = [1]} : vector<16xi32> to vector<1xi32>
      %squeeze3A_230 = vector.extract %slice3A_229[0] : i32 from vector<1xi32>
      %shift_right_logical3A_231 = arith.constant 7 : i32
      %shift_right_logical3A_232 = arith.shrui %squeeze3A_230, %shift_right_logical3A_231 : i32
      %ge3A_233 = arith.constant 999936 : i32
      %ge3A_234 = arith.cmpi sge, %squeeze3A_230, %ge3A_233 : i32
      %jit3A_235 = arith.constant 0 : i32
      %select_n3A_236 = arith.select %ge3A_234, %jit3A_235, %shift_right_logical3A_232 : i32
      %mul3A_237 = arith.constant 128 : i32
      %mul3A_238 = arith.muli %select_n3A_236, %mul3A_237 : i32
      %multiple_of3A_239 = tpu.assume_multiple %mul3A_238, 128 : i32
      %dma_start3A_240 = arith.constant 9 : i32
      %dma_start3A_241 = arith.constant 0 : i32
      %dma_start3A_242 = arith.constant 0 : i32
      %dma_start3A_243 = tpu.memref_slice %arg9[%dma_start3A_240, %dma_start3A_241, %dma_start3A_242] : memref<16x32x128xf32, #tpu.memory_space<vmem>> -> memref<1x32x128xf32, #tpu.memory_space<vmem>>
      %dma_start3A_244 = tpu.memref_squeeze %dma_start3A_243 : memref<1x32x128xf32, #tpu.memory_space<vmem>> -> memref<32x128xf32, #tpu.memory_space<vmem>>
      %dma_start3A_245 = arith.constant 0 : i32
      %dma_start3A_246 = tpu.memref_slice %arg3[%dma_start3A_245, %multiple_of3A_239] : memref<32x1000000xf32, #tpu.memory_space<hbm>> -> memref<32x128xf32, #tpu.memory_space<hbm>>
      %dma_start3A_247 = arith.constant 0 : i32
      %dma_start3A_248 = arith.constant 0 : i32
      %dma_start3A_249 = tpu.memref_slice %arg9[%dma_start3A_240, %dma_start3A_247, %dma_start3A_248] : memref<16x32x128xf32, #tpu.memory_space<vmem>> -> memref<1x32x128xf32, #tpu.memory_space<vmem>>
      %dma_start3A_250 = tpu.memref_squeeze %dma_start3A_249 : memref<1x32x128xf32, #tpu.memory_space<vmem>> -> memref<32x128xf32, #tpu.memory_space<vmem>>
      %dma_start3A_251 = arith.constant 0 : i32
      %dma_start3A_252 = tpu.memref_slice %arg3[%dma_start3A_251, %multiple_of3A_239] : memref<32x1000000xf32, #tpu.memory_space<hbm>> -> memref<32x128xf32, #tpu.memory_space<hbm>>
      tpu.enqueue_dma source(%dma_start3A_252 : memref<32x128xf32, #tpu.memory_space<hbm>>) target(%dma_start3A_250 : memref<32x128xf32, #tpu.memory_space<vmem>>) target_semaphore(%arg15 : memref<!tpu.dma_semaphore, #tpu.memory_space<semaphore_mem>>)
      %slice3A_253 = vector.extract_strided_slice %get3A_19 {offsets = [10], sizes = [1], strides = [1]} : vector<16xi32> to vector<1xi32>
      %squeeze3A_254 = vector.extract %slice3A_253[0] : i32 from vector<1xi32>
      %shift_right_logical3A_255 = arith.constant 7 : i32
      %shift_right_logical3A_256 = arith.shrui %squeeze3A_254, %shift_right_logical3A_255 : i32
      %ge3A_257 = arith.constant 999936 : i32
      %ge3A_258 = arith.cmpi sge, %squeeze3A_254, %ge3A_257 : i32
      %jit3A_259 = arith.constant 0 : i32
      %select_n3A_260 = arith.select %ge3A_258, %jit3A_259, %shift_right_logical3A_256 : i32
      %mul3A_261 = arith.constant 128 : i32
      %mul3A_262 = arith.muli %select_n3A_260, %mul3A_261 : i32
      %multiple_of3A_263 = tpu.assume_multiple %mul3A_262, 128 : i32
      %dma_start3A_264 = arith.constant 10 : i32
      %dma_start3A_265 = arith.constant 0 : i32
      %dma_start3A_266 = arith.constant 0 : i32
      %dma_start3A_267 = tpu.memref_slice %arg9[%dma_start3A_264, %dma_start3A_265, %dma_start3A_266] : memref<16x32x128xf32, #tpu.memory_space<vmem>> -> memref<1x32x128xf32, #tpu.memory_space<vmem>>
      %dma_start3A_268 = tpu.memref_squeeze %dma_start3A_267 : memref<1x32x128xf32, #tpu.memory_space<vmem>> -> memref<32x128xf32, #tpu.memory_space<vmem>>
      %dma_start3A_269 = arith.constant 0 : i32
      %dma_start3A_270 = tpu.memref_slice %arg3[%dma_start3A_269, %multiple_of3A_263] : memref<32x1000000xf32, #tpu.memory_space<hbm>> -> memref<32x128xf32, #tpu.memory_space<hbm>>
      %dma_start3A_271 = arith.constant 0 : i32
      %dma_start3A_272 = arith.constant 0 : i32
      %dma_start3A_273 = tpu.memref_slice %arg9[%dma_start3A_264, %dma_start3A_271, %dma_start3A_272] : memref<16x32x128xf32, #tpu.memory_space<vmem>> -> memref<1x32x128xf32, #tpu.memory_space<vmem>>
      %dma_start3A_274 = tpu.memref_squeeze %dma_start3A_273 : memref<1x32x128xf32, #tpu.memory_space<vmem>> -> memref<32x128xf32, #tpu.memory_space<vmem>>
      %dma_start3A_275 = arith.constant 0 : i32
      %dma_start3A_276 = tpu.memref_slice %arg3[%dma_start3A_275, %multiple_of3A_263] : memref<32x1000000xf32, #tpu.memory_space<hbm>> -> memref<32x128xf32, #tpu.memory_space<hbm>>
      tpu.enqueue_dma source(%dma_start3A_276 : memref<32x128xf32, #tpu.memory_space<hbm>>) target(%dma_start3A_274 : memref<32x128xf32, #tpu.memory_space<vmem>>) target_semaphore(%arg15 : memref<!tpu.dma_semaphore, #tpu.memory_space<semaphore_mem>>)
      %slice3A_277 = vector.extract_strided_slice %get3A_19 {offsets = [11], sizes = [1], strides = [1]} : vector<16xi32> to vector<1xi32>
      %squeeze3A_278 = vector.extract %slice3A_277[0] : i32 from vector<1xi32>
      %shift_right_logical3A_279 = arith.constant 7 : i32
      %shift_right_logical3A_280 = arith.shrui %squeeze3A_278, %shift_right_logical3A_279 : i32
      %ge3A_281 = arith.constant 999936 : i32
      %ge3A_282 = arith.cmpi sge, %squeeze3A_278, %ge3A_281 : i32
      %jit3A_283 = arith.constant 0 : i32
      %select_n3A_284 = arith.select %ge3A_282, %jit3A_283, %shift_right_logical3A_280 : i32
      %mul3A_285 = arith.constant 128 : i32
      %mul3A_286 = arith.muli %select_n3A_284, %mul3A_285 : i32
      %multiple_of3A_287 = tpu.assume_multiple %mul3A_286, 128 : i32
      %dma_start3A_288 = arith.constant 11 : i32
      %dma_start3A_289 = arith.constant 0 : i32
      %dma_start3A_290 = arith.constant 0 : i32
      %dma_start3A_291 = tpu.memref_slice %arg9[%dma_start3A_288, %dma_start3A_289, %dma_start3A_290] : memref<16x32x128xf32, #tpu.memory_space<vmem>> -> memref<1x32x128xf32, #tpu.memory_space<vmem>>
      %dma_start3A_292 = tpu.memref_squeeze %dma_start3A_291 : memref<1x32x128xf32, #tpu.memory_space<vmem>> -> memref<32x128xf32, #tpu.memory_space<vmem>>
      %dma_start3A_293 = arith.constant 0 : i32
      %dma_start3A_294 = tpu.memref_slice %arg3[%dma_start3A_293, %multiple_of3A_287] : memref<32x1000000xf32, #tpu.memory_space<hbm>> -> memref<32x128xf32, #tpu.memory_space<hbm>>
      %dma_start3A_295 = arith.constant 0 : i32
      %dma_start3A_296 = arith.constant 0 : i32
      %dma_start3A_297 = tpu.memref_slice %arg9[%dma_start3A_288, %dma_start3A_295, %dma_start3A_296] : memref<16x32x128xf32, #tpu.memory_space<vmem>> -> memref<1x32x128xf32, #tpu.memory_space<vmem>>
      %dma_start3A_298 = tpu.memref_squeeze %dma_start3A_297 : memref<1x32x128xf32, #tpu.memory_space<vmem>> -> memref<32x128xf32, #tpu.memory_space<vmem>>
      %dma_start3A_299 = arith.constant 0 : i32
      %dma_start3A_300 = tpu.memref_slice %arg3[%dma_start3A_299, %multiple_of3A_287] : memref<32x1000000xf32, #tpu.memory_space<hbm>> -> memref<32x128xf32, #tpu.memory_space<hbm>>
      tpu.enqueue_dma source(%dma_start3A_300 : memref<32x128xf32, #tpu.memory_space<hbm>>) target(%dma_start3A_298 : memref<32x128xf32, #tpu.memory_space<vmem>>) target_semaphore(%arg15 : memref<!tpu.dma_semaphore, #tpu.memory_space<semaphore_mem>>)
      %slice3A_301 = vector.extract_strided_slice %get3A_19 {offsets = [12], sizes = [1], strides = [1]} : vector<16xi32> to vector<1xi32>
      %squeeze3A_302 = vector.extract %slice3A_301[0] : i32 from vector<1xi32>
      %shift_right_logical3A_303 = arith.constant 7 : i32
      %shift_right_logical3A_304 = arith.shrui %squeeze3A_302, %shift_right_logical3A_303 : i32
      %ge3A_305 = arith.constant 999936 : i32
      %ge3A_306 = arith.cmpi sge, %squeeze3A_302, %ge3A_305 : i32
      %jit3A_307 = arith.constant 0 : i32
      %select_n3A_308 = arith.select %ge3A_306, %jit3A_307, %shift_right_logical3A_304 : i32
      %mul3A_309 = arith.constant 128 : i32
      %mul3A_310 = arith.muli %select_n3A_308, %mul3A_309 : i32
      %multiple_of3A_311 = tpu.assume_multiple %mul3A_310, 128 : i32
      %dma_start3A_312 = arith.constant 12 : i32
      %dma_start3A_313 = arith.constant 0 : i32
      %dma_start3A_314 = arith.constant 0 : i32
      %dma_start3A_315 = tpu.memref_slice %arg9[%dma_start3A_312, %dma_start3A_313, %dma_start3A_314] : memref<16x32x128xf32, #tpu.memory_space<vmem>> -> memref<1x32x128xf32, #tpu.memory_space<vmem>>
      %dma_start3A_316 = tpu.memref_squeeze %dma_start3A_315 : memref<1x32x128xf32, #tpu.memory_space<vmem>> -> memref<32x128xf32, #tpu.memory_space<vmem>>
      %dma_start3A_317 = arith.constant 0 : i32
      %dma_start3A_318 = tpu.memref_slice %arg3[%dma_start3A_317, %multiple_of3A_311] : memref<32x1000000xf32, #tpu.memory_space<hbm>> -> memref<32x128xf32, #tpu.memory_space<hbm>>
      %dma_start3A_319 = arith.constant 0 : i32
      %dma_start3A_320 = arith.constant 0 : i32
      %dma_start3A_321 = tpu.memref_slice %arg9[%dma_start3A_312, %dma_start3A_319, %dma_start3A_320] : memref<16x32x128xf32, #tpu.memory_space<vmem>> -> memref<1x32x128xf32, #tpu.memory_space<vmem>>
      %dma_start3A_322 = tpu.memref_squeeze %dma_start3A_321 : memref<1x32x128xf32, #tpu.memory_space<vmem>> -> memref<32x128xf32, #tpu.memory_space<vmem>>
      %dma_start3A_323 = arith.constant 0 : i32
      %dma_start3A_324 = tpu.memref_slice %arg3[%dma_start3A_323, %multiple_of3A_311] : memref<32x1000000xf32, #tpu.memory_space<hbm>> -> memref<32x128xf32, #tpu.memory_space<hbm>>
      tpu.enqueue_dma source(%dma_start3A_324 : memref<32x128xf32, #tpu.memory_space<hbm>>) target(%dma_start3A_322 : memref<32x128xf32, #tpu.memory_space<vmem>>) target_semaphore(%arg15 : memref<!tpu.dma_semaphore, #tpu.memory_space<semaphore_mem>>)
      %slice3A_325 = vector.extract_strided_slice %get3A_19 {offsets = [13], sizes = [1], strides = [1]} : vector<16xi32> to vector<1xi32>
      %squeeze3A_326 = vector.extract %slice3A_325[0] : i32 from vector<1xi32>
      %shift_right_logical3A_327 = arith.constant 7 : i32
      %shift_right_logical3A_328 = arith.shrui %squeeze3A_326, %shift_right_logical3A_327 : i32
      %ge3A_329 = arith.constant 999936 : i32
      %ge3A_330 = arith.cmpi sge, %squeeze3A_326, %ge3A_329 : i32
      %jit3A_331 = arith.constant 0 : i32
      %select_n3A_332 = arith.select %ge3A_330, %jit3A_331, %shift_right_logical3A_328 : i32
      %mul3A_333 = arith.constant 128 : i32
      %mul3A_334 = arith.muli %select_n3A_332, %mul3A_333 : i32
      %multiple_of3A_335 = tpu.assume_multiple %mul3A_334, 128 : i32
      %dma_start3A_336 = arith.constant 13 : i32
      %dma_start3A_337 = arith.constant 0 : i32
      %dma_start3A_338 = arith.constant 0 : i32
      %dma_start3A_339 = tpu.memref_slice %arg9[%dma_start3A_336, %dma_start3A_337, %dma_start3A_338] : memref<16x32x128xf32, #tpu.memory_space<vmem>> -> memref<1x32x128xf32, #tpu.memory_space<vmem>>
      %dma_start3A_340 = tpu.memref_squeeze %dma_start3A_339 : memref<1x32x128xf32, #tpu.memory_space<vmem>> -> memref<32x128xf32, #tpu.memory_space<vmem>>
      %dma_start3A_341 = arith.constant 0 : i32
      %dma_start3A_342 = tpu.memref_slice %arg3[%dma_start3A_341, %multiple_of3A_335] : memref<32x1000000xf32, #tpu.memory_space<hbm>> -> memref<32x128xf32, #tpu.memory_space<hbm>>
      %dma_start3A_343 = arith.constant 0 : i32
      %dma_start3A_344 = arith.constant 0 : i32
      %dma_start3A_345 = tpu.memref_slice %arg9[%dma_start3A_336, %dma_start3A_343, %dma_start3A_344] : memref<16x32x128xf32, #tpu.memory_space<vmem>> -> memref<1x32x128xf32, #tpu.memory_space<vmem>>
      %dma_start3A_346 = tpu.memref_squeeze %dma_start3A_345 : memref<1x32x128xf32, #tpu.memory_space<vmem>> -> memref<32x128xf32, #tpu.memory_space<vmem>>
      %dma_start3A_347 = arith.constant 0 : i32
      %dma_start3A_348 = tpu.memref_slice %arg3[%dma_start3A_347, %multiple_of3A_335] : memref<32x1000000xf32, #tpu.memory_space<hbm>> -> memref<32x128xf32, #tpu.memory_space<hbm>>
      tpu.enqueue_dma source(%dma_start3A_348 : memref<32x128xf32, #tpu.memory_space<hbm>>) target(%dma_start3A_346 : memref<32x128xf32, #tpu.memory_space<vmem>>) target_semaphore(%arg15 : memref<!tpu.dma_semaphore, #tpu.memory_space<semaphore_mem>>)
      %slice3A_349 = vector.extract_strided_slice %get3A_19 {offsets = [14], sizes = [1], strides = [1]} : vector<16xi32> to vector<1xi32>
      %squeeze3A_350 = vector.extract %slice3A_349[0] : i32 from vector<1xi32>
      %shift_right_logical3A_351 = arith.constant 7 : i32
      %shift_right_logical3A_352 = arith.shrui %squeeze3A_350, %shift_right_logical3A_351 : i32
      %ge3A_353 = arith.constant 999936 : i32
      %ge3A_354 = arith.cmpi sge, %squeeze3A_350, %ge3A_353 : i32
      %jit3A_355 = arith.constant 0 : i32
      %select_n3A_356 = arith.select %ge3A_354, %jit3A_355, %shift_right_logical3A_352 : i32
      %mul3A_357 = arith.constant 128 : i32
      %mul3A_358 = arith.muli %select_n3A_356, %mul3A_357 : i32
      %multiple_of3A_359 = tpu.assume_multiple %mul3A_358, 128 : i32
      %dma_start3A_360 = arith.constant 14 : i32
      %dma_start3A_361 = arith.constant 0 : i32
      %dma_start3A_362 = arith.constant 0 : i32
      %dma_start3A_363 = tpu.memref_slice %arg9[%dma_start3A_360, %dma_start3A_361, %dma_start3A_362] : memref<16x32x128xf32, #tpu.memory_space<vmem>> -> memref<1x32x128xf32, #tpu.memory_space<vmem>>
      %dma_start3A_364 = tpu.memref_squeeze %dma_start3A_363 : memref<1x32x128xf32, #tpu.memory_space<vmem>> -> memref<32x128xf32, #tpu.memory_space<vmem>>
      %dma_start3A_365 = arith.constant 0 : i32
      %dma_start3A_366 = tpu.memref_slice %arg3[%dma_start3A_365, %multiple_of3A_359] : memref<32x1000000xf32, #tpu.memory_space<hbm>> -> memref<32x128xf32, #tpu.memory_space<hbm>>
      %dma_start3A_367 = arith.constant 0 : i32
      %dma_start3A_368 = arith.constant 0 : i32
      %dma_start3A_369 = tpu.memref_slice %arg9[%dma_start3A_360, %dma_start3A_367, %dma_start3A_368] : memref<16x32x128xf32, #tpu.memory_space<vmem>> -> memref<1x32x128xf32, #tpu.memory_space<vmem>>
      %dma_start3A_370 = tpu.memref_squeeze %dma_start3A_369 : memref<1x32x128xf32, #tpu.memory_space<vmem>> -> memref<32x128xf32, #tpu.memory_space<vmem>>
      %dma_start3A_371 = arith.constant 0 : i32
      %dma_start3A_372 = tpu.memref_slice %arg3[%dma_start3A_371, %multiple_of3A_359] : memref<32x1000000xf32, #tpu.memory_space<hbm>> -> memref<32x128xf32, #tpu.memory_space<hbm>>
      tpu.enqueue_dma source(%dma_start3A_372 : memref<32x128xf32, #tpu.memory_space<hbm>>) target(%dma_start3A_370 : memref<32x128xf32, #tpu.memory_space<vmem>>) target_semaphore(%arg15 : memref<!tpu.dma_semaphore, #tpu.memory_space<semaphore_mem>>)
      %slice3A_373 = vector.extract_strided_slice %get3A_19 {offsets = [15], sizes = [1], strides = [1]} : vector<16xi32> to vector<1xi32>
      %squeeze3A_374 = vector.extract %slice3A_373[0] : i32 from vector<1xi32>
      %shift_right_logical3A_375 = arith.constant 7 : i32
      %shift_right_logical3A_376 = arith.shrui %squeeze3A_374, %shift_right_logical3A_375 : i32
      %ge3A_377 = arith.constant 999936 : i32
      %ge3A_378 = arith.cmpi sge, %squeeze3A_374, %ge3A_377 : i32
      %jit3A_379 = arith.constant 0 : i32
      %select_n3A_380 = arith.select %ge3A_378, %jit3A_379, %shift_right_logical3A_376 : i32
      %mul3A_381 = arith.constant 128 : i32
      %mul3A_382 = arith.muli %select_n3A_380, %mul3A_381 : i32
      %multiple_of3A_383 = tpu.assume_multiple %mul3A_382, 128 : i32
      %dma_start3A_384 = arith.constant 15 : i32
      %dma_start3A_385 = arith.constant 0 : i32
      %dma_start3A_386 = arith.constant 0 : i32
      %dma_start3A_387 = tpu.memref_slice %arg9[%dma_start3A_384, %dma_start3A_385, %dma_start3A_386] : memref<16x32x128xf32, #tpu.memory_space<vmem>> -> memref<1x32x128xf32, #tpu.memory_space<vmem>>
      %dma_start3A_388 = tpu.memref_squeeze %dma_start3A_387 : memref<1x32x128xf32, #tpu.memory_space<vmem>> -> memref<32x128xf32, #tpu.memory_space<vmem>>
      %dma_start3A_389 = arith.constant 0 : i32
      %dma_start3A_390 = tpu.memref_slice %arg3[%dma_start3A_389, %multiple_of3A_383] : memref<32x1000000xf32, #tpu.memory_space<hbm>> -> memref<32x128xf32, #tpu.memory_space<hbm>>
      %dma_start3A_391 = arith.constant 0 : i32
      %dma_start3A_392 = arith.constant 0 : i32
      %dma_start3A_393 = tpu.memref_slice %arg9[%dma_start3A_384, %dma_start3A_391, %dma_start3A_392] : memref<16x32x128xf32, #tpu.memory_space<vmem>> -> memref<1x32x128xf32, #tpu.memory_space<vmem>>
      %dma_start3A_394 = tpu.memref_squeeze %dma_start3A_393 : memref<1x32x128xf32, #tpu.memory_space<vmem>> -> memref<32x128xf32, #tpu.memory_space<vmem>>
      %dma_start3A_395 = arith.constant 0 : i32
      %dma_start3A_396 = tpu.memref_slice %arg3[%dma_start3A_395, %multiple_of3A_383] : memref<32x1000000xf32, #tpu.memory_space<hbm>> -> memref<32x128xf32, #tpu.memory_space<hbm>>
      tpu.enqueue_dma source(%dma_start3A_396 : memref<32x128xf32, #tpu.memory_space<hbm>>) target(%dma_start3A_394 : memref<32x128xf32, #tpu.memory_space<vmem>>) target_semaphore(%arg15 : memref<!tpu.dma_semaphore, #tpu.memory_space<semaphore_mem>>)
      %dma_wait3A_397 = arith.constant 0 : i32
      %dma_wait3A_398 = arith.constant 0 : i32
      %dma_wait3A_399 = arith.constant 0 : i32
      %dma_wait3A_400 = tpu.memref_slice %arg9[%dma_wait3A_397, %dma_wait3A_398, %dma_wait3A_399] : memref<16x32x128xf32, #tpu.memory_space<vmem>> -> memref<1x32x128xf32, #tpu.memory_space<vmem>>
      %dma_wait3A_401 = tpu.memref_squeeze %dma_wait3A_400 : memref<1x32x128xf32, #tpu.memory_space<vmem>> -> memref<32x128xf32, #tpu.memory_space<vmem>>
      %dma_wait3A_402 = arith.constant 0 : i32
      %dma_wait3A_403 = arith.constant 0 : i32
      %dma_wait3A_404 = tpu.memref_slice %arg3[%dma_wait3A_402, %dma_wait3A_403] : memref<32x1000000xf32, #tpu.memory_space<hbm>> -> memref<32x128xf32, #tpu.memory_space<hbm>>
      %dma_wait3A_405 = arith.constant 0 : i32
      %dma_wait3A_406 = arith.constant 0 : i32
      %dma_wait3A_407 = tpu.memref_slice %arg9[%dma_wait3A_397, %dma_wait3A_405, %dma_wait3A_406] : memref<16x32x128xf32, #tpu.memory_space<vmem>> -> memref<1x32x128xf32, #tpu.memory_space<vmem>>
      %dma_wait3A_408 = tpu.memref_squeeze %dma_wait3A_407 : memref<1x32x128xf32, #tpu.memory_space<vmem>> -> memref<32x128xf32, #tpu.memory_space<vmem>>
      %dma_wait3A_409 = arith.constant 0 : i32
      %dma_wait3A_410 = arith.constant 0 : i32
      %dma_wait3A_411 = tpu.memref_slice %arg3[%dma_wait3A_409, %dma_wait3A_410] : memref<32x1000000xf32, #tpu.memory_space<hbm>> -> memref<32x128xf32, #tpu.memory_space<hbm>>
      tpu.wait_dma2 semaphore(%arg15 : memref<!tpu.dma_semaphore, #tpu.memory_space<semaphore_mem>>) src(%dma_wait3A_411 : memref<32x128xf32, #tpu.memory_space<hbm>>) dst(%dma_wait3A_408 : memref<32x128xf32, #tpu.memory_space<vmem>>)
      %dma_wait3A_412 = arith.constant 1 : i32
      %dma_wait3A_413 = arith.constant 0 : i32
      %dma_wait3A_414 = arith.constant 0 : i32
      %dma_wait3A_415 = tpu.memref_slice %arg9[%dma_wait3A_412, %dma_wait3A_413, %dma_wait3A_414] : memref<16x32x128xf32, #tpu.memory_space<vmem>> -> memref<1x32x128xf32, #tpu.memory_space<vmem>>
      %dma_wait3A_416 = tpu.memref_squeeze %dma_wait3A_415 : memref<1x32x128xf32, #tpu.memory_space<vmem>> -> memref<32x128xf32, #tpu.memory_space<vmem>>
      %dma_wait3A_417 = arith.constant 0 : i32
      %dma_wait3A_418 = arith.constant 0 : i32
      %dma_wait3A_419 = tpu.memref_slice %arg3[%dma_wait3A_417, %dma_wait3A_418] : memref<32x1000000xf32, #tpu.memory_space<hbm>> -> memref<32x128xf32, #tpu.memory_space<hbm>>
      %dma_wait3A_420 = arith.constant 0 : i32
      %dma_wait3A_421 = arith.constant 0 : i32
      %dma_wait3A_422 = tpu.memref_slice %arg9[%dma_wait3A_412, %dma_wait3A_420, %dma_wait3A_421] : memref<16x32x128xf32, #tpu.memory_space<vmem>> -> memref<1x32x128xf32, #tpu.memory_space<vmem>>
      %dma_wait3A_423 = tpu.memref_squeeze %dma_wait3A_422 : memref<1x32x128xf32, #tpu.memory_space<vmem>> -> memref<32x128xf32, #tpu.memory_space<vmem>>
      %dma_wait3A_424 = arith.constant 0 : i32
      %dma_wait3A_425 = arith.constant 0 : i32
      %dma_wait3A_426 = tpu.memref_slice %arg3[%dma_wait3A_424, %dma_wait3A_425] : memref<32x1000000xf32, #tpu.memory_space<hbm>> -> memref<32x128xf32, #tpu.memory_space<hbm>>
      tpu.wait_dma2 semaphore(%arg15 : memref<!tpu.dma_semaphore, #tpu.memory_space<semaphore_mem>>) src(%dma_wait3A_426 : memref<32x128xf32, #tpu.memory_space<hbm>>) dst(%dma_wait3A_423 : memref<32x128xf32, #tpu.memory_space<vmem>>)
      %dma_wait3A_427 = arith.constant 2 : i32
      %dma_wait3A_428 = arith.constant 0 : i32
      %dma_wait3A_429 = arith.constant 0 : i32
      %dma_wait3A_430 = tpu.memref_slice %arg9[%dma_wait3A_427, %dma_wait3A_428, %dma_wait3A_429] : memref<16x32x128xf32, #tpu.memory_space<vmem>> -> memref<1x32x128xf32, #tpu.memory_space<vmem>>
      %dma_wait3A_431 = tpu.memref_squeeze %dma_wait3A_430 : memref<1x32x128xf32, #tpu.memory_space<vmem>> -> memref<32x128xf32, #tpu.memory_space<vmem>>
      %dma_wait3A_432 = arith.constant 0 : i32
      %dma_wait3A_433 = arith.constant 0 : i32
      %dma_wait3A_434 = tpu.memref_slice %arg3[%dma_wait3A_432, %dma_wait3A_433] : memref<32x1000000xf32, #tpu.memory_space<hbm>> -> memref<32x128xf32, #tpu.memory_space<hbm>>
      %dma_wait3A_435 = arith.constant 0 : i32
      %dma_wait3A_436 = arith.constant 0 : i32
      %dma_wait3A_437 = tpu.memref_slice %arg9[%dma_wait3A_427, %dma_wait3A_435, %dma_wait3A_436] : memref<16x32x128xf32, #tpu.memory_space<vmem>> -> memref<1x32x128xf32, #tpu.memory_space<vmem>>
      %dma_wait3A_438 = tpu.memref_squeeze %dma_wait3A_437 : memref<1x32x128xf32, #tpu.memory_space<vmem>> -> memref<32x128xf32, #tpu.memory_space<vmem>>
      %dma_wait3A_439 = arith.constant 0 : i32
      %dma_wait3A_440 = arith.constant 0 : i32
      %dma_wait3A_441 = tpu.memref_slice %arg3[%dma_wait3A_439, %dma_wait3A_440] : memref<32x1000000xf32, #tpu.memory_space<hbm>> -> memref<32x128xf32, #tpu.memory_space<hbm>>
      tpu.wait_dma2 semaphore(%arg15 : memref<!tpu.dma_semaphore, #tpu.memory_space<semaphore_mem>>) src(%dma_wait3A_441 : memref<32x128xf32, #tpu.memory_space<hbm>>) dst(%dma_wait3A_438 : memref<32x128xf32, #tpu.memory_space<vmem>>)
      %dma_wait3A_442 = arith.constant 3 : i32
      %dma_wait3A_443 = arith.constant 0 : i32
      %dma_wait3A_444 = arith.constant 0 : i32
      %dma_wait3A_445 = tpu.memref_slice %arg9[%dma_wait3A_442, %dma_wait3A_443, %dma_wait3A_444] : memref<16x32x128xf32, #tpu.memory_space<vmem>> -> memref<1x32x128xf32, #tpu.memory_space<vmem>>
      %dma_wait3A_446 = tpu.memref_squeeze %dma_wait3A_445 : memref<1x32x128xf32, #tpu.memory_space<vmem>> -> memref<32x128xf32, #tpu.memory_space<vmem>>
      %dma_wait3A_447 = arith.constant 0 : i32
      %dma_wait3A_448 = arith.constant 0 : i32
      %dma_wait3A_449 = tpu.memref_slice %arg3[%dma_wait3A_447, %dma_wait3A_448] : memref<32x1000000xf32, #tpu.memory_space<hbm>> -> memref<32x128xf32, #tpu.memory_space<hbm>>
      %dma_wait3A_450 = arith.constant 0 : i32
      %dma_wait3A_451 = arith.constant 0 : i32
      %dma_wait3A_452 = tpu.memref_slice %arg9[%dma_wait3A_442, %dma_wait3A_450, %dma_wait3A_451] : memref<16x32x128xf32, #tpu.memory_space<vmem>> -> memref<1x32x128xf32, #tpu.memory_space<vmem>>
      %dma_wait3A_453 = tpu.memref_squeeze %dma_wait3A_452 : memref<1x32x128xf32, #tpu.memory_space<vmem>> -> memref<32x128xf32, #tpu.memory_space<vmem>>
      %dma_wait3A_454 = arith.constant 0 : i32
      %dma_wait3A_455 = arith.constant 0 : i32
      %dma_wait3A_456 = tpu.memref_slice %arg3[%dma_wait3A_454, %dma_wait3A_455] : memref<32x1000000xf32, #tpu.memory_space<hbm>> -> memref<32x128xf32, #tpu.memory_space<hbm>>
      tpu.wait_dma2 semaphore(%arg15 : memref<!tpu.dma_semaphore, #tpu.memory_space<semaphore_mem>>) src(%dma_wait3A_456 : memref<32x128xf32, #tpu.memory_space<hbm>>) dst(%dma_wait3A_453 : memref<32x128xf32, #tpu.memory_space<vmem>>)
      %dma_wait3A_457 = arith.constant 4 : i32
      %dma_wait3A_458 = arith.constant 0 : i32
      %dma_wait3A_459 = arith.constant 0 : i32
      %dma_wait3A_460 = tpu.memref_slice %arg9[%dma_wait3A_457, %dma_wait3A_458, %dma_wait3A_459] : memref<16x32x128xf32, #tpu.memory_space<vmem>> -> memref<1x32x128xf32, #tpu.memory_space<vmem>>
      %dma_wait3A_461 = tpu.memref_squeeze %dma_wait3A_460 : memref<1x32x128xf32, #tpu.memory_space<vmem>> -> memref<32x128xf32, #tpu.memory_space<vmem>>
      %dma_wait3A_462 = arith.constant 0 : i32
      %dma_wait3A_463 = arith.constant 0 : i32
      %dma_wait3A_464 = tpu.memref_slice %arg3[%dma_wait3A_462, %dma_wait3A_463] : memref<32x1000000xf32, #tpu.memory_space<hbm>> -> memref<32x128xf32, #tpu.memory_space<hbm>>
      %dma_wait3A_465 = arith.constant 0 : i32
      %dma_wait3A_466 = arith.constant 0 : i32
      %dma_wait3A_467 = tpu.memref_slice %arg9[%dma_wait3A_457, %dma_wait3A_465, %dma_wait3A_466] : memref<16x32x128xf32, #tpu.memory_space<vmem>> -> memref<1x32x128xf32, #tpu.memory_space<vmem>>
      %dma_wait3A_468 = tpu.memref_squeeze %dma_wait3A_467 : memref<1x32x128xf32, #tpu.memory_space<vmem>> -> memref<32x128xf32, #tpu.memory_space<vmem>>
      %dma_wait3A_469 = arith.constant 0 : i32
      %dma_wait3A_470 = arith.constant 0 : i32
      %dma_wait3A_471 = tpu.memref_slice %arg3[%dma_wait3A_469, %dma_wait3A_470] : memref<32x1000000xf32, #tpu.memory_space<hbm>> -> memref<32x128xf32, #tpu.memory_space<hbm>>
      tpu.wait_dma2 semaphore(%arg15 : memref<!tpu.dma_semaphore, #tpu.memory_space<semaphore_mem>>) src(%dma_wait3A_471 : memref<32x128xf32, #tpu.memory_space<hbm>>) dst(%dma_wait3A_468 : memref<32x128xf32, #tpu.memory_space<vmem>>)
      %dma_wait3A_472 = arith.constant 5 : i32
      %dma_wait3A_473 = arith.constant 0 : i32
      %dma_wait3A_474 = arith.constant 0 : i32
      %dma_wait3A_475 = tpu.memref_slice %arg9[%dma_wait3A_472, %dma_wait3A_473, %dma_wait3A_474] : memref<16x32x128xf32, #tpu.memory_space<vmem>> -> memref<1x32x128xf32, #tpu.memory_space<vmem>>
      %dma_wait3A_476 = tpu.memref_squeeze %dma_wait3A_475 : memref<1x32x128xf32, #tpu.memory_space<vmem>> -> memref<32x128xf32, #tpu.memory_space<vmem>>
      %dma_wait3A_477 = arith.constant 0 : i32
      %dma_wait3A_478 = arith.constant 0 : i32
      %dma_wait3A_479 = tpu.memref_slice %arg3[%dma_wait3A_477, %dma_wait3A_478] : memref<32x1000000xf32, #tpu.memory_space<hbm>> -> memref<32x128xf32, #tpu.memory_space<hbm>>
      %dma_wait3A_480 = arith.constant 0 : i32
      %dma_wait3A_481 = arith.constant 0 : i32
      %dma_wait3A_482 = tpu.memref_slice %arg9[%dma_wait3A_472, %dma_wait3A_480, %dma_wait3A_481] : memref<16x32x128xf32, #tpu.memory_space<vmem>> -> memref<1x32x128xf32, #tpu.memory_space<vmem>>
      %dma_wait3A_483 = tpu.memref_squeeze %dma_wait3A_482 : memref<1x32x128xf32, #tpu.memory_space<vmem>> -> memref<32x128xf32, #tpu.memory_space<vmem>>
      %dma_wait3A_484 = arith.constant 0 : i32
      %dma_wait3A_485 = arith.constant 0 : i32
      %dma_wait3A_486 = tpu.memref_slice %arg3[%dma_wait3A_484, %dma_wait3A_485] : memref<32x1000000xf32, #tpu.memory_space<hbm>> -> memref<32x128xf32, #tpu.memory_space<hbm>>
      tpu.wait_dma2 semaphore(%arg15 : memref<!tpu.dma_semaphore, #tpu.memory_space<semaphore_mem>>) src(%dma_wait3A_486 : memref<32x128xf32, #tpu.memory_space<hbm>>) dst(%dma_wait3A_483 : memref<32x128xf32, #tpu.memory_space<vmem>>)
      %dma_wait3A_487 = arith.constant 6 : i32
      %dma_wait3A_488 = arith.constant 0 : i32
      %dma_wait3A_489 = arith.constant 0 : i32
      %dma_wait3A_490 = tpu.memref_slice %arg9[%dma_wait3A_487, %dma_wait3A_488, %dma_wait3A_489] : memref<16x32x128xf32, #tpu.memory_space<vmem>> -> memref<1x32x128xf32, #tpu.memory_space<vmem>>
      %dma_wait3A_491 = tpu.memref_squeeze %dma_wait3A_490 : memref<1x32x128xf32, #tpu.memory_space<vmem>> -> memref<32x128xf32, #tpu.memory_space<vmem>>
      %dma_wait3A_492 = arith.constant 0 : i32
      %dma_wait3A_493 = arith.constant 0 : i32
      %dma_wait3A_494 = tpu.memref_slice %arg3[%dma_wait3A_492, %dma_wait3A_493] : memref<32x1000000xf32, #tpu.memory_space<hbm>> -> memref<32x128xf32, #tpu.memory_space<hbm>>
      %dma_wait3A_495 = arith.constant 0 : i32
      %dma_wait3A_496 = arith.constant 0 : i32
      %dma_wait3A_497 = tpu.memref_slice %arg9[%dma_wait3A_487, %dma_wait3A_495, %dma_wait3A_496] : memref<16x32x128xf32, #tpu.memory_space<vmem>> -> memref<1x32x128xf32, #tpu.memory_space<vmem>>
      %dma_wait3A_498 = tpu.memref_squeeze %dma_wait3A_497 : memref<1x32x128xf32, #tpu.memory_space<vmem>> -> memref<32x128xf32, #tpu.memory_space<vmem>>
      %dma_wait3A_499 = arith.constant 0 : i32
      %dma_wait3A_500 = arith.constant 0 : i32
      %dma_wait3A_501 = tpu.memref_slice %arg3[%dma_wait3A_499, %dma_wait3A_500] : memref<32x1000000xf32, #tpu.memory_space<hbm>> -> memref<32x128xf32, #tpu.memory_space<hbm>>
      tpu.wait_dma2 semaphore(%arg15 : memref<!tpu.dma_semaphore, #tpu.memory_space<semaphore_mem>>) src(%dma_wait3A_501 : memref<32x128xf32, #tpu.memory_space<hbm>>) dst(%dma_wait3A_498 : memref<32x128xf32, #tpu.memory_space<vmem>>)
      %dma_wait3A_502 = arith.constant 7 : i32
      %dma_wait3A_503 = arith.constant 0 : i32
      %dma_wait3A_504 = arith.constant 0 : i32
      %dma_wait3A_505 = tpu.memref_slice %arg9[%dma_wait3A_502, %dma_wait3A_503, %dma_wait3A_504] : memref<16x32x128xf32, #tpu.memory_space<vmem>> -> memref<1x32x128xf32, #tpu.memory_space<vmem>>
      %dma_wait3A_506 = tpu.memref_squeeze %dma_wait3A_505 : memref<1x32x128xf32, #tpu.memory_space<vmem>> -> memref<32x128xf32, #tpu.memory_space<vmem>>
      %dma_wait3A_507 = arith.constant 0 : i32
      %dma_wait3A_508 = arith.constant 0 : i32
      %dma_wait3A_509 = tpu.memref_slice %arg3[%dma_wait3A_507, %dma_wait3A_508] : memref<32x1000000xf32, #tpu.memory_space<hbm>> -> memref<32x128xf32, #tpu.memory_space<hbm>>
      %dma_wait3A_510 = arith.constant 0 : i32
      %dma_wait3A_511 = arith.constant 0 : i32
      %dma_wait3A_512 = tpu.memref_slice %arg9[%dma_wait3A_502, %dma_wait3A_510, %dma_wait3A_511] : memref<16x32x128xf32, #tpu.memory_space<vmem>> -> memref<1x32x128xf32, #tpu.memory_space<vmem>>
      %dma_wait3A_513 = tpu.memref_squeeze %dma_wait3A_512 : memref<1x32x128xf32, #tpu.memory_space<vmem>> -> memref<32x128xf32, #tpu.memory_space<vmem>>
      %dma_wait3A_514 = arith.constant 0 : i32
      %dma_wait3A_515 = arith.constant 0 : i32
      %dma_wait3A_516 = tpu.memref_slice %arg3[%dma_wait3A_514, %dma_wait3A_515] : memref<32x1000000xf32, #tpu.memory_space<hbm>> -> memref<32x128xf32, #tpu.memory_space<hbm>>
      tpu.wait_dma2 semaphore(%arg15 : memref<!tpu.dma_semaphore, #tpu.memory_space<semaphore_mem>>) src(%dma_wait3A_516 : memref<32x128xf32, #tpu.memory_space<hbm>>) dst(%dma_wait3A_513 : memref<32x128xf32, #tpu.memory_space<vmem>>)
      %dma_wait3A_517 = arith.constant 8 : i32
      %dma_wait3A_518 = arith.constant 0 : i32
      %dma_wait3A_519 = arith.constant 0 : i32
      %dma_wait3A_520 = tpu.memref_slice %arg9[%dma_wait3A_517, %dma_wait3A_518, %dma_wait3A_519] : memref<16x32x128xf32, #tpu.memory_space<vmem>> -> memref<1x32x128xf32, #tpu.memory_space<vmem>>
      %dma_wait3A_521 = tpu.memref_squeeze %dma_wait3A_520 : memref<1x32x128xf32, #tpu.memory_space<vmem>> -> memref<32x128xf32, #tpu.memory_space<vmem>>
      %dma_wait3A_522 = arith.constant 0 : i32
      %dma_wait3A_523 = arith.constant 0 : i32
      %dma_wait3A_524 = tpu.memref_slice %arg3[%dma_wait3A_522, %dma_wait3A_523] : memref<32x1000000xf32, #tpu.memory_space<hbm>> -> memref<32x128xf32, #tpu.memory_space<hbm>>
      %dma_wait3A_525 = arith.constant 0 : i32
      %dma_wait3A_526 = arith.constant 0 : i32
      %dma_wait3A_527 = tpu.memref_slice %arg9[%dma_wait3A_517, %dma_wait3A_525, %dma_wait3A_526] : memref<16x32x128xf32, #tpu.memory_space<vmem>> -> memref<1x32x128xf32, #tpu.memory_space<vmem>>
      %dma_wait3A_528 = tpu.memref_squeeze %dma_wait3A_527 : memref<1x32x128xf32, #tpu.memory_space<vmem>> -> memref<32x128xf32, #tpu.memory_space<vmem>>
      %dma_wait3A_529 = arith.constant 0 : i32
      %dma_wait3A_530 = arith.constant 0 : i32
      %dma_wait3A_531 = tpu.memref_slice %arg3[%dma_wait3A_529, %dma_wait3A_530] : memref<32x1000000xf32, #tpu.memory_space<hbm>> -> memref<32x128xf32, #tpu.memory_space<hbm>>
      tpu.wait_dma2 semaphore(%arg15 : memref<!tpu.dma_semaphore, #tpu.memory_space<semaphore_mem>>) src(%dma_wait3A_531 : memref<32x128xf32, #tpu.memory_space<hbm>>) dst(%dma_wait3A_528 : memref<32x128xf32, #tpu.memory_space<vmem>>)
      %dma_wait3A_532 = arith.constant 9 : i32
      %dma_wait3A_533 = arith.constant 0 : i32
      %dma_wait3A_534 = arith.constant 0 : i32
      %dma_wait3A_535 = tpu.memref_slice %arg9[%dma_wait3A_532, %dma_wait3A_533, %dma_wait3A_534] : memref<16x32x128xf32, #tpu.memory_space<vmem>> -> memref<1x32x128xf32, #tpu.memory_space<vmem>>
      %dma_wait3A_536 = tpu.memref_squeeze %dma_wait3A_535 : memref<1x32x128xf32, #tpu.memory_space<vmem>> -> memref<32x128xf32, #tpu.memory_space<vmem>>
      %dma_wait3A_537 = arith.constant 0 : i32
      %dma_wait3A_538 = arith.constant 0 : i32
      %dma_wait3A_539 = tpu.memref_slice %arg3[%dma_wait3A_537, %dma_wait3A_538] : memref<32x1000000xf32, #tpu.memory_space<hbm>> -> memref<32x128xf32, #tpu.memory_space<hbm>>
      %dma_wait3A_540 = arith.constant 0 : i32
      %dma_wait3A_541 = arith.constant 0 : i32
      %dma_wait3A_542 = tpu.memref_slice %arg9[%dma_wait3A_532, %dma_wait3A_540, %dma_wait3A_541] : memref<16x32x128xf32, #tpu.memory_space<vmem>> -> memref<1x32x128xf32, #tpu.memory_space<vmem>>
      %dma_wait3A_543 = tpu.memref_squeeze %dma_wait3A_542 : memref<1x32x128xf32, #tpu.memory_space<vmem>> -> memref<32x128xf32, #tpu.memory_space<vmem>>
      %dma_wait3A_544 = arith.constant 0 : i32
      %dma_wait3A_545 = arith.constant 0 : i32
      %dma_wait3A_546 = tpu.memref_slice %arg3[%dma_wait3A_544, %dma_wait3A_545] : memref<32x1000000xf32, #tpu.memory_space<hbm>> -> memref<32x128xf32, #tpu.memory_space<hbm>>
      tpu.wait_dma2 semaphore(%arg15 : memref<!tpu.dma_semaphore, #tpu.memory_space<semaphore_mem>>) src(%dma_wait3A_546 : memref<32x128xf32, #tpu.memory_space<hbm>>) dst(%dma_wait3A_543 : memref<32x128xf32, #tpu.memory_space<vmem>>)
      %dma_wait3A_547 = arith.constant 10 : i32
      %dma_wait3A_548 = arith.constant 0 : i32
      %dma_wait3A_549 = arith.constant 0 : i32
      %dma_wait3A_550 = tpu.memref_slice %arg9[%dma_wait3A_547, %dma_wait3A_548, %dma_wait3A_549] : memref<16x32x128xf32, #tpu.memory_space<vmem>> -> memref<1x32x128xf32, #tpu.memory_space<vmem>>
      %dma_wait3A_551 = tpu.memref_squeeze %dma_wait3A_550 : memref<1x32x128xf32, #tpu.memory_space<vmem>> -> memref<32x128xf32, #tpu.memory_space<vmem>>
      %dma_wait3A_552 = arith.constant 0 : i32
      %dma_wait3A_553 = arith.constant 0 : i32
      %dma_wait3A_554 = tpu.memref_slice %arg3[%dma_wait3A_552, %dma_wait3A_553] : memref<32x1000000xf32, #tpu.memory_space<hbm>> -> memref<32x128xf32, #tpu.memory_space<hbm>>
      %dma_wait3A_555 = arith.constant 0 : i32
      %dma_wait3A_556 = arith.constant 0 : i32
      %dma_wait3A_557 = tpu.memref_slice %arg9[%dma_wait3A_547, %dma_wait3A_555, %dma_wait3A_556] : memref<16x32x128xf32, #tpu.memory_space<vmem>> -> memref<1x32x128xf32, #tpu.memory_space<vmem>>
      %dma_wait3A_558 = tpu.memref_squeeze %dma_wait3A_557 : memref<1x32x128xf32, #tpu.memory_space<vmem>> -> memref<32x128xf32, #tpu.memory_space<vmem>>
      %dma_wait3A_559 = arith.constant 0 : i32
      %dma_wait3A_560 = arith.constant 0 : i32
      %dma_wait3A_561 = tpu.memref_slice %arg3[%dma_wait3A_559, %dma_wait3A_560] : memref<32x1000000xf32, #tpu.memory_space<hbm>> -> memref<32x128xf32, #tpu.memory_space<hbm>>
      tpu.wait_dma2 semaphore(%arg15 : memref<!tpu.dma_semaphore, #tpu.memory_space<semaphore_mem>>) src(%dma_wait3A_561 : memref<32x128xf32, #tpu.memory_space<hbm>>) dst(%dma_wait3A_558 : memref<32x128xf32, #tpu.memory_space<vmem>>)
      %dma_wait3A_562 = arith.constant 11 : i32
      %dma_wait3A_563 = arith.constant 0 : i32
      %dma_wait3A_564 = arith.constant 0 : i32
      %dma_wait3A_565 = tpu.memref_slice %arg9[%dma_wait3A_562, %dma_wait3A_563, %dma_wait3A_564] : memref<16x32x128xf32, #tpu.memory_space<vmem>> -> memref<1x32x128xf32, #tpu.memory_space<vmem>>
      %dma_wait3A_566 = tpu.memref_squeeze %dma_wait3A_565 : memref<1x32x128xf32, #tpu.memory_space<vmem>> -> memref<32x128xf32, #tpu.memory_space<vmem>>
      %dma_wait3A_567 = arith.constant 0 : i32
      %dma_wait3A_568 = arith.constant 0 : i32
      %dma_wait3A_569 = tpu.memref_slice %arg3[%dma_wait3A_567, %dma_wait3A_568] : memref<32x1000000xf32, #tpu.memory_space<hbm>> -> memref<32x128xf32, #tpu.memory_space<hbm>>
      %dma_wait3A_570 = arith.constant 0 : i32
      %dma_wait3A_571 = arith.constant 0 : i32
      %dma_wait3A_572 = tpu.memref_slice %arg9[%dma_wait3A_562, %dma_wait3A_570, %dma_wait3A_571] : memref<16x32x128xf32, #tpu.memory_space<vmem>> -> memref<1x32x128xf32, #tpu.memory_space<vmem>>
      %dma_wait3A_573 = tpu.memref_squeeze %dma_wait3A_572 : memref<1x32x128xf32, #tpu.memory_space<vmem>> -> memref<32x128xf32, #tpu.memory_space<vmem>>
      %dma_wait3A_574 = arith.constant 0 : i32
      %dma_wait3A_575 = arith.constant 0 : i32
      %dma_wait3A_576 = tpu.memref_slice %arg3[%dma_wait3A_574, %dma_wait3A_575] : memref<32x1000000xf32, #tpu.memory_space<hbm>> -> memref<32x128xf32, #tpu.memory_space<hbm>>
      tpu.wait_dma2 semaphore(%arg15 : memref<!tpu.dma_semaphore, #tpu.memory_space<semaphore_mem>>) src(%dma_wait3A_576 : memref<32x128xf32, #tpu.memory_space<hbm>>) dst(%dma_wait3A_573 : memref<32x128xf32, #tpu.memory_space<vmem>>)
      %dma_wait3A_577 = arith.constant 12 : i32
      %dma_wait3A_578 = arith.constant 0 : i32
      %dma_wait3A_579 = arith.constant 0 : i32
      %dma_wait3A_580 = tpu.memref_slice %arg9[%dma_wait3A_577, %dma_wait3A_578, %dma_wait3A_579] : memref<16x32x128xf32, #tpu.memory_space<vmem>> -> memref<1x32x128xf32, #tpu.memory_space<vmem>>
      %dma_wait3A_581 = tpu.memref_squeeze %dma_wait3A_580 : memref<1x32x128xf32, #tpu.memory_space<vmem>> -> memref<32x128xf32, #tpu.memory_space<vmem>>
      %dma_wait3A_582 = arith.constant 0 : i32
      %dma_wait3A_583 = arith.constant 0 : i32
      %dma_wait3A_584 = tpu.memref_slice %arg3[%dma_wait3A_582, %dma_wait3A_583] : memref<32x1000000xf32, #tpu.memory_space<hbm>> -> memref<32x128xf32, #tpu.memory_space<hbm>>
      %dma_wait3A_585 = arith.constant 0 : i32
      %dma_wait3A_586 = arith.constant 0 : i32
      %dma_wait3A_587 = tpu.memref_slice %arg9[%dma_wait3A_577, %dma_wait3A_585, %dma_wait3A_586] : memref<16x32x128xf32, #tpu.memory_space<vmem>> -> memref<1x32x128xf32, #tpu.memory_space<vmem>>
      %dma_wait3A_588 = tpu.memref_squeeze %dma_wait3A_587 : memref<1x32x128xf32, #tpu.memory_space<vmem>> -> memref<32x128xf32, #tpu.memory_space<vmem>>
      %dma_wait3A_589 = arith.constant 0 : i32
      %dma_wait3A_590 = arith.constant 0 : i32
      %dma_wait3A_591 = tpu.memref_slice %arg3[%dma_wait3A_589, %dma_wait3A_590] : memref<32x1000000xf32, #tpu.memory_space<hbm>> -> memref<32x128xf32, #tpu.memory_space<hbm>>
      tpu.wait_dma2 semaphore(%arg15 : memref<!tpu.dma_semaphore, #tpu.memory_space<semaphore_mem>>) src(%dma_wait3A_591 : memref<32x128xf32, #tpu.memory_space<hbm>>) dst(%dma_wait3A_588 : memref<32x128xf32, #tpu.memory_space<vmem>>)
      %dma_wait3A_592 = arith.constant 13 : i32
      %dma_wait3A_593 = arith.constant 0 : i32
      %dma_wait3A_594 = arith.constant 0 : i32
      %dma_wait3A_595 = tpu.memref_slice %arg9[%dma_wait3A_592, %dma_wait3A_593, %dma_wait3A_594] : memref<16x32x128xf32, #tpu.memory_space<vmem>> -> memref<1x32x128xf32, #tpu.memory_space<vmem>>
      %dma_wait3A_596 = tpu.memref_squeeze %dma_wait3A_595 : memref<1x32x128xf32, #tpu.memory_space<vmem>> -> memref<32x128xf32, #tpu.memory_space<vmem>>
      %dma_wait3A_597 = arith.constant 0 : i32
      %dma_wait3A_598 = arith.constant 0 : i32
      %dma_wait3A_599 = tpu.memref_slice %arg3[%dma_wait3A_597, %dma_wait3A_598] : memref<32x1000000xf32, #tpu.memory_space<hbm>> -> memref<32x128xf32, #tpu.memory_space<hbm>>
      %dma_wait3A_600 = arith.constant 0 : i32
      %dma_wait3A_601 = arith.constant 0 : i32
      %dma_wait3A_602 = tpu.memref_slice %arg9[%dma_wait3A_592, %dma_wait3A_600, %dma_wait3A_601] : memref<16x32x128xf32, #tpu.memory_space<vmem>> -> memref<1x32x128xf32, #tpu.memory_space<vmem>>
      %dma_wait3A_603 = tpu.memref_squeeze %dma_wait3A_602 : memref<1x32x128xf32, #tpu.memory_space<vmem>> -> memref<32x128xf32, #tpu.memory_space<vmem>>
      %dma_wait3A_604 = arith.constant 0 : i32
      %dma_wait3A_605 = arith.constant 0 : i32
      %dma_wait3A_606 = tpu.memref_slice %arg3[%dma_wait3A_604, %dma_wait3A_605] : memref<32x1000000xf32, #tpu.memory_space<hbm>> -> memref<32x128xf32, #tpu.memory_space<hbm>>
      tpu.wait_dma2 semaphore(%arg15 : memref<!tpu.dma_semaphore, #tpu.memory_space<semaphore_mem>>) src(%dma_wait3A_606 : memref<32x128xf32, #tpu.memory_space<hbm>>) dst(%dma_wait3A_603 : memref<32x128xf32, #tpu.memory_space<vmem>>)
      %dma_wait3A_607 = arith.constant 14 : i32
      %dma_wait3A_608 = arith.constant 0 : i32
      %dma_wait3A_609 = arith.constant 0 : i32
      %dma_wait3A_610 = tpu.memref_slice %arg9[%dma_wait3A_607, %dma_wait3A_608, %dma_wait3A_609] : memref<16x32x128xf32, #tpu.memory_space<vmem>> -> memref<1x32x128xf32, #tpu.memory_space<vmem>>
      %dma_wait3A_611 = tpu.memref_squeeze %dma_wait3A_610 : memref<1x32x128xf32, #tpu.memory_space<vmem>> -> memref<32x128xf32, #tpu.memory_space<vmem>>
      %dma_wait3A_612 = arith.constant 0 : i32
      %dma_wait3A_613 = arith.constant 0 : i32
      %dma_wait3A_614 = tpu.memref_slice %arg3[%dma_wait3A_612, %dma_wait3A_613] : memref<32x1000000xf32, #tpu.memory_space<hbm>> -> memref<32x128xf32, #tpu.memory_space<hbm>>
      %dma_wait3A_615 = arith.constant 0 : i32
      %dma_wait3A_616 = arith.constant 0 : i32
      %dma_wait3A_617 = tpu.memref_slice %arg9[%dma_wait3A_607, %dma_wait3A_615, %dma_wait3A_616] : memref<16x32x128xf32, #tpu.memory_space<vmem>> -> memref<1x32x128xf32, #tpu.memory_space<vmem>>
      %dma_wait3A_618 = tpu.memref_squeeze %dma_wait3A_617 : memref<1x32x128xf32, #tpu.memory_space<vmem>> -> memref<32x128xf32, #tpu.memory_space<vmem>>
      %dma_wait3A_619 = arith.constant 0 : i32
      %dma_wait3A_620 = arith.constant 0 : i32
      %dma_wait3A_621 = tpu.memref_slice %arg3[%dma_wait3A_619, %dma_wait3A_620] : memref<32x1000000xf32, #tpu.memory_space<hbm>> -> memref<32x128xf32, #tpu.memory_space<hbm>>
      tpu.wait_dma2 semaphore(%arg15 : memref<!tpu.dma_semaphore, #tpu.memory_space<semaphore_mem>>) src(%dma_wait3A_621 : memref<32x128xf32, #tpu.memory_space<hbm>>) dst(%dma_wait3A_618 : memref<32x128xf32, #tpu.memory_space<vmem>>)
      %dma_wait3A_622 = arith.constant 15 : i32
      %dma_wait3A_623 = arith.constant 0 : i32
      %dma_wait3A_624 = arith.constant 0 : i32
      %dma_wait3A_625 = tpu.memref_slice %arg9[%dma_wait3A_622, %dma_wait3A_623, %dma_wait3A_624] : memref<16x32x128xf32, #tpu.memory_space<vmem>> -> memref<1x32x128xf32, #tpu.memory_space<vmem>>
      %dma_wait3A_626 = tpu.memref_squeeze %dma_wait3A_625 : memref<1x32x128xf32, #tpu.memory_space<vmem>> -> memref<32x128xf32, #tpu.memory_space<vmem>>
      %dma_wait3A_627 = arith.constant 0 : i32
      %dma_wait3A_628 = arith.constant 0 : i32
      %dma_wait3A_629 = tpu.memref_slice %arg3[%dma_wait3A_627, %dma_wait3A_628] : memref<32x1000000xf32, #tpu.memory_space<hbm>> -> memref<32x128xf32, #tpu.memory_space<hbm>>
      %dma_wait3A_630 = arith.constant 0 : i32
      %dma_wait3A_631 = arith.constant 0 : i32
      %dma_wait3A_632 = tpu.memref_slice %arg9[%dma_wait3A_622, %dma_wait3A_630, %dma_wait3A_631] : memref<16x32x128xf32, #tpu.memory_space<vmem>> -> memref<1x32x128xf32, #tpu.memory_space<vmem>>
      %dma_wait3A_633 = tpu.memref_squeeze %dma_wait3A_632 : memref<1x32x128xf32, #tpu.memory_space<vmem>> -> memref<32x128xf32, #tpu.memory_space<vmem>>
      %dma_wait3A_634 = arith.constant 0 : i32
      %dma_wait3A_635 = arith.constant 0 : i32
      %dma_wait3A_636 = tpu.memref_slice %arg3[%dma_wait3A_634, %dma_wait3A_635] : memref<32x1000000xf32, #tpu.memory_space<hbm>> -> memref<32x128xf32, #tpu.memory_space<hbm>>
      tpu.wait_dma2 semaphore(%arg15 : memref<!tpu.dma_semaphore, #tpu.memory_space<semaphore_mem>>) src(%dma_wait3A_636 : memref<32x128xf32, #tpu.memory_space<hbm>>) dst(%dma_wait3A_633 : memref<32x128xf32, #tpu.memory_space<vmem>>)
      %and3A = arith.constant 127 : i32
      %and3A_637 = vector.broadcast %and3A : i32 to vector<16xi32>
      %and3A_638 = arith.andi %get3A_19, %and3A_637 : vector<16xi32>
      %ge3A_639 = arith.constant 999936 : i32
      %ge3A_640 = vector.broadcast %ge3A_639 : i32 to vector<16xi32>
      %ge3A_641 = arith.cmpi sge, %get3A_19, %ge3A_640 : vector<16xi32>
      %sub3A = arith.constant 999872 : i32
      %sub3A_642 = vector.broadcast %sub3A : i32 to vector<16xi32>
      %sub3A_643 = arith.subi %get3A_19, %sub3A_642 : vector<16xi32>
      %jit3A_644 = arith.constant 0 : i32
      %jit3A_645 = arith.constant 127 : i32
      %max3A = vector.broadcast %jit3A_644 : i32 to vector<16xi32>
      %max3A_646 = arith.maxsi %max3A, %sub3A_643 : vector<16xi32>
      %min3A = vector.broadcast %jit3A_645 : i32 to vector<16xi32>
      %min3A_647 = arith.minsi %min3A, %max3A_646 : vector<16xi32>
      %broadcast_in_dim3A = arith.constant 0 : i32
      %broadcast_in_dim3A_648 = vector.broadcast %broadcast_in_dim3A : i32 to vector<16xi32>
      %gather3A = tpu.vector_load_idx %arg9[%iota3A, %broadcast_in_dim3A_648, %and3A_638] : memref<16x32x128xf32, #tpu.memory_space<vmem>>[vector<16xi32>, vector<16xi32>, vector<16xi32>], vector<16xf32>,
      %gather3A_649 = tpu.vector_load_idx %arg10[%broadcast_in_dim3A_648, %min3A_647] : memref<32x128xf32, #tpu.memory_space<vmem>>[vector<16xi32>, vector<16xi32>], vector<16xf32>,
      %select_n3A_650 = arith.select %ge3A_641, %gather3A_649, %gather3A : vector<16xi1>, vector<16xf32>
      %swap3A = arith.constant 0 : i32
      %swap3A_651 = arith.index_cast %swap3A : i32 to index
      %swap3A_652 = arith.constant 0 : index
      %swap3A_653 = tpu.vector_load %arg12[%swap3A_651, %swap3A_652] {strides = array<i32>} : memref<32x16xf32, #tpu.memory_space<vmem>>, vector<16xf32>,
      tpu.vector_store %arg12[%swap3A_651, %swap3A_652], %select_n3A_650 {strides = array<i32>} : memref<32x16xf32, #tpu.memory_space<vmem>>, vector<16xf32>,
      %broadcast_in_dim3A_654 = arith.constant 1 : i32
      %broadcast_in_dim3A_655 = vector.broadcast %broadcast_in_dim3A_654 : i32 to vector<16xi32>
      %gather3A_656 = tpu.vector_load_idx %arg9[%iota3A, %broadcast_in_dim3A_655, %and3A_638] : memref<16x32x128xf32, #tpu.memory_space<vmem>>[vector<16xi32>, vector<16xi32>, vector<16xi32>], vector<16xf32>,
      %gather3A_657 = tpu.vector_load_idx %arg10[%broadcast_in_dim3A_655, %min3A_647] : memref<32x128xf32, #tpu.memory_space<vmem>>[vector<16xi32>, vector<16xi32>], vector<16xf32>,
      %select_n3A_658 = arith.select %ge3A_641, %gather3A_657, %gather3A_656 : vector<16xi1>, vector<16xf32>
      %swap3A_659 = arith.constant 1 : i32
      %swap3A_660 = arith.index_cast %swap3A_659 : i32 to index
      %swap3A_661 = arith.constant 0 : index
      %swap3A_662 = tpu.vector_load %arg12[%swap3A_660, %swap3A_661] {strides = array<i32>} : memref<32x16xf32, #tpu.memory_space<vmem>>, vector<16xf32>,
      tpu.vector_store %arg12[%swap3A_660, %swap3A_661], %select_n3A_658 {strides = array<i32>} : memref<32x16xf32, #tpu.memory_space<vmem>>, vector<16xf32>,
      %broadcast_in_dim3A_663 = arith.constant 2 : i32
      %broadcast_in_dim3A_664 = vector.broadcast %broadcast_in_dim3A_663 : i32 to vector<16xi32>
      %gather3A_665 = tpu.vector_load_idx %arg9[%iota3A, %broadcast_in_dim3A_664, %and3A_638] : memref<16x32x128xf32, #tpu.memory_space<vmem>>[vector<16xi32>, vector<16xi32>, vector<16xi32>], vector<16xf32>,
      %gather3A_666 = tpu.vector_load_idx %arg10[%broadcast_in_dim3A_664, %min3A_647] : memref<32x128xf32, #tpu.memory_space<vmem>>[vector<16xi32>, vector<16xi32>], vector<16xf32>,
      %select_n3A_667 = arith.select %ge3A_641, %gather3A_666, %gather3A_665 : vector<16xi1>, vector<16xf32>
      %swap3A_668 = arith.constant 2 : i32
      %swap3A_669 = arith.index_cast %swap3A_668 : i32 to index
      %swap3A_670 = arith.constant 0 : index
      %swap3A_671 = tpu.vector_load %arg12[%swap3A_669, %swap3A_670] {strides = array<i32>} : memref<32x16xf32, #tpu.memory_space<vmem>>, vector<16xf32>,
      tpu.vector_store %arg12[%swap3A_669, %swap3A_670], %select_n3A_667 {strides = array<i32>} : memref<32x16xf32, #tpu.memory_space<vmem>>, vector<16xf32>,
      %broadcast_in_dim3A_672 = arith.constant 3 : i32
      %broadcast_in_dim3A_673 = vector.broadcast %broadcast_in_dim3A_672 : i32 to vector<16xi32>
      %gather3A_674 = tpu.vector_load_idx %arg9[%iota3A, %broadcast_in_dim3A_673, %and3A_638] : memref<16x32x128xf32, #tpu.memory_space<vmem>>[vector<16xi32>, vector<16xi32>, vector<16xi32>], vector<16xf32>,
      %gather3A_675 = tpu.vector_load_idx %arg10[%broadcast_in_dim3A_673, %min3A_647] : memref<32x128xf32, #tpu.memory_space<vmem>>[vector<16xi32>, vector<16xi32>], vector<16xf32>,
      %select_n3A_676 = arith.select %ge3A_641, %gather3A_675, %gather3A_674 : vector<16xi1>, vector<16xf32>
      %swap3A_677 = arith.constant 3 : i32
      %swap3A_678 = arith.index_cast %swap3A_677 : i32 to index
      %swap3A_679 = arith.constant 0 : index
      %swap3A_680 = tpu.vector_load %arg12[%swap3A_678, %swap3A_679] {strides = array<i32>} : memref<32x16xf32, #tpu.memory_space<vmem>>, vector<16xf32>,
      tpu.vector_store %arg12[%swap3A_678, %swap3A_679], %select_n3A_676 {strides = array<i32>} : memref<32x16xf32, #tpu.memory_space<vmem>>, vector<16xf32>,
      %broadcast_in_dim3A_681 = arith.constant 4 : i32
      %broadcast_in_dim3A_682 = vector.broadcast %broadcast_in_dim3A_681 : i32 to vector<16xi32>
      %gather3A_683 = tpu.vector_load_idx %arg9[%iota3A, %broadcast_in_dim3A_682, %and3A_638] : memref<16x32x128xf32, #tpu.memory_space<vmem>>[vector<16xi32>, vector<16xi32>, vector<16xi32>], vector<16xf32>,
      %gather3A_684 = tpu.vector_load_idx %arg10[%broadcast_in_dim3A_682, %min3A_647] : memref<32x128xf32, #tpu.memory_space<vmem>>[vector<16xi32>, vector<16xi32>], vector<16xf32>,
      %select_n3A_685 = arith.select %ge3A_641, %gather3A_684, %gather3A_683 : vector<16xi1>, vector<16xf32>
      %swap3A_686 = arith.constant 4 : i32
      %swap3A_687 = arith.index_cast %swap3A_686 : i32 to index
      %swap3A_688 = arith.constant 0 : index
      %swap3A_689 = tpu.vector_load %arg12[%swap3A_687, %swap3A_688] {strides = array<i32>} : memref<32x16xf32, #tpu.memory_space<vmem>>, vector<16xf32>,
      tpu.vector_store %arg12[%swap3A_687, %swap3A_688], %select_n3A_685 {strides = array<i32>} : memref<32x16xf32, #tpu.memory_space<vmem>>, vector<16xf32>,
      %broadcast_in_dim3A_690 = arith.constant 5 : i32
      %broadcast_in_dim3A_691 = vector.broadcast %broadcast_in_dim3A_690 : i32 to vector<16xi32>
      %gather3A_692 = tpu.vector_load_idx %arg9[%iota3A, %broadcast_in_dim3A_691, %and3A_638] : memref<16x32x128xf32, #tpu.memory_space<vmem>>[vector<16xi32>, vector<16xi32>, vector<16xi32>], vector<16xf32>,
      %gather3A_693 = tpu.vector_load_idx %arg10[%broadcast_in_dim3A_691, %min3A_647] : memref<32x128xf32, #tpu.memory_space<vmem>>[vector<16xi32>, vector<16xi32>], vector<16xf32>,
      %select_n3A_694 = arith.select %ge3A_641, %gather3A_693, %gather3A_692 : vector<16xi1>, vector<16xf32>
      %swap3A_695 = arith.constant 5 : i32
      %swap3A_696 = arith.index_cast %swap3A_695 : i32 to index
      %swap3A_697 = arith.constant 0 : index
      %swap3A_698 = tpu.vector_load %arg12[%swap3A_696, %swap3A_697] {strides = array<i32>} : memref<32x16xf32, #tpu.memory_space<vmem>>, vector<16xf32>,
      tpu.vector_store %arg12[%swap3A_696, %swap3A_697], %select_n3A_694 {strides = array<i32>} : memref<32x16xf32, #tpu.memory_space<vmem>>, vector<16xf32>,
      %broadcast_in_dim3A_699 = arith.constant 6 : i32
      %broadcast_in_dim3A_700 = vector.broadcast %broadcast_in_dim3A_699 : i32 to vector<16xi32>
      %gather3A_701 = tpu.vector_load_idx %arg9[%iota3A, %broadcast_in_dim3A_700, %and3A_638] : memref<16x32x128xf32, #tpu.memory_space<vmem>>[vector<16xi32>, vector<16xi32>, vector<16xi32>], vector<16xf32>,
      %gather3A_702 = tpu.vector_load_idx %arg10[%broadcast_in_dim3A_700, %min3A_647] : memref<32x128xf32, #tpu.memory_space<vmem>>[vector<16xi32>, vector<16xi32>], vector<16xf32>,
      %select_n3A_703 = arith.select %ge3A_641, %gather3A_702, %gather3A_701 : vector<16xi1>, vector<16xf32>
      %swap3A_704 = arith.constant 6 : i32
      %swap3A_705 = arith.index_cast %swap3A_704 : i32 to index
      %swap3A_706 = arith.constant 0 : index
      %swap3A_707 = tpu.vector_load %arg12[%swap3A_705, %swap3A_706] {strides = array<i32>} : memref<32x16xf32, #tpu.memory_space<vmem>>, vector<16xf32>,
      tpu.vector_store %arg12[%swap3A_705, %swap3A_706], %select_n3A_703 {strides = array<i32>} : memref<32x16xf32, #tpu.memory_space<vmem>>, vector<16xf32>,
      %broadcast_in_dim3A_708 = arith.constant 7 : i32
      %broadcast_in_dim3A_709 = vector.broadcast %broadcast_in_dim3A_708 : i32 to vector<16xi32>
      %gather3A_710 = tpu.vector_load_idx %arg9[%iota3A, %broadcast_in_dim3A_709, %and3A_638] : memref<16x32x128xf32, #tpu.memory_space<vmem>>[vector<16xi32>, vector<16xi32>, vector<16xi32>], vector<16xf32>,
      %gather3A_711 = tpu.vector_load_idx %arg10[%broadcast_in_dim3A_709, %min3A_647] : memref<32x128xf32, #tpu.memory_space<vmem>>[vector<16xi32>, vector<16xi32>], vector<16xf32>,
      %select_n3A_712 = arith.select %ge3A_641, %gather3A_711, %gather3A_710 : vector<16xi1>, vector<16xf32>
      %swap3A_713 = arith.constant 7 : i32
      %swap3A_714 = arith.index_cast %swap3A_713 : i32 to index
      %swap3A_715 = arith.constant 0 : index
      %swap3A_716 = tpu.vector_load %arg12[%swap3A_714, %swap3A_715] {strides = array<i32>} : memref<32x16xf32, #tpu.memory_space<vmem>>, vector<16xf32>,
      tpu.vector_store %arg12[%swap3A_714, %swap3A_715], %select_n3A_712 {strides = array<i32>} : memref<32x16xf32, #tpu.memory_space<vmem>>, vector<16xf32>,
      %broadcast_in_dim3A_717 = arith.constant 8 : i32
      %broadcast_in_dim3A_718 = vector.broadcast %broadcast_in_dim3A_717 : i32 to vector<16xi32>
      %gather3A_719 = tpu.vector_load_idx %arg9[%iota3A, %broadcast_in_dim3A_718, %and3A_638] : memref<16x32x128xf32, #tpu.memory_space<vmem>>[vector<16xi32>, vector<16xi32>, vector<16xi32>], vector<16xf32>,
      %gather3A_720 = tpu.vector_load_idx %arg10[%broadcast_in_dim3A_718, %min3A_647] : memref<32x128xf32, #tpu.memory_space<vmem>>[vector<16xi32>, vector<16xi32>], vector<16xf32>,
      %select_n3A_721 = arith.select %ge3A_641, %gather3A_720, %gather3A_719 : vector<16xi1>, vector<16xf32>
      %swap3A_722 = arith.constant 8 : i32
      %swap3A_723 = arith.index_cast %swap3A_722 : i32 to index
      %swap3A_724 = arith.constant 0 : index
      %swap3A_725 = tpu.vector_load %arg12[%swap3A_723, %swap3A_724] {strides = array<i32>} : memref<32x16xf32, #tpu.memory_space<vmem>>, vector<16xf32>,
      tpu.vector_store %arg12[%swap3A_723, %swap3A_724], %select_n3A_721 {strides = array<i32>} : memref<32x16xf32, #tpu.memory_space<vmem>>, vector<16xf32>,
      %broadcast_in_dim3A_726 = arith.constant 9 : i32
      %broadcast_in_dim3A_727 = vector.broadcast %broadcast_in_dim3A_726 : i32 to vector<16xi32>
      %gather3A_728 = tpu.vector_load_idx %arg9[%iota3A, %broadcast_in_dim3A_727, %and3A_638] : memref<16x32x128xf32, #tpu.memory_space<vmem>>[vector<16xi32>, vector<16xi32>, vector<16xi32>], vector<16xf32>,
      %gather3A_729 = tpu.vector_load_idx %arg10[%broadcast_in_dim3A_727, %min3A_647] : memref<32x128xf32, #tpu.memory_space<vmem>>[vector<16xi32>, vector<16xi32>], vector<16xf32>,
      %select_n3A_730 = arith.select %ge3A_641, %gather3A_729, %gather3A_728 : vector<16xi1>, vector<16xf32>
      %swap3A_731 = arith.constant 9 : i32
      %swap3A_732 = arith.index_cast %swap3A_731 : i32 to index
      %swap3A_733 = arith.constant 0 : index
      %swap3A_734 = tpu.vector_load %arg12[%swap3A_732, %swap3A_733] {strides = array<i32>} : memref<32x16xf32, #tpu.memory_space<vmem>>, vector<16xf32>,
      tpu.vector_store %arg12[%swap3A_732, %swap3A_733], %select_n3A_730 {strides = array<i32>} : memref<32x16xf32, #tpu.memory_space<vmem>>, vector<16xf32>,
      %broadcast_in_dim3A_735 = arith.constant 10 : i32
      %broadcast_in_dim3A_736 = vector.broadcast %broadcast_in_dim3A_735 : i32 to vector<16xi32>
      %gather3A_737 = tpu.vector_load_idx %arg9[%iota3A, %broadcast_in_dim3A_736, %and3A_638] : memref<16x32x128xf32, #tpu.memory_space<vmem>>[vector<16xi32>, vector<16xi32>, vector<16xi32>], vector<16xf32>,
      %gather3A_738 = tpu.vector_load_idx %arg10[%broadcast_in_dim3A_736, %min3A_647] : memref<32x128xf32, #tpu.memory_space<vmem>>[vector<16xi32>, vector<16xi32>], vector<16xf32>,
      %select_n3A_739 = arith.select %ge3A_641, %gather3A_738, %gather3A_737 : vector<16xi1>, vector<16xf32>
      %swap3A_740 = arith.constant 10 : i32
      %swap3A_741 = arith.index_cast %swap3A_740 : i32 to index
      %swap3A_742 = arith.constant 0 : index
      %swap3A_743 = tpu.vector_load %arg12[%swap3A_741, %swap3A_742] {strides = array<i32>} : memref<32x16xf32, #tpu.memory_space<vmem>>, vector<16xf32>,
      tpu.vector_store %arg12[%swap3A_741, %swap3A_742], %select_n3A_739 {strides = array<i32>} : memref<32x16xf32, #tpu.memory_space<vmem>>, vector<16xf32>,
      %broadcast_in_dim3A_744 = arith.constant 11 : i32
      %broadcast_in_dim3A_745 = vector.broadcast %broadcast_in_dim3A_744 : i32 to vector<16xi32>
      %gather3A_746 = tpu.vector_load_idx %arg9[%iota3A, %broadcast_in_dim3A_745, %and3A_638] : memref<16x32x128xf32, #tpu.memory_space<vmem>>[vector<16xi32>, vector<16xi32>, vector<16xi32>], vector<16xf32>,
      %gather3A_747 = tpu.vector_load_idx %arg10[%broadcast_in_dim3A_745, %min3A_647] : memref<32x128xf32, #tpu.memory_space<vmem>>[vector<16xi32>, vector<16xi32>], vector<16xf32>,
      %select_n3A_748 = arith.select %ge3A_641, %gather3A_747, %gather3A_746 : vector<16xi1>, vector<16xf32>
      %swap3A_749 = arith.constant 11 : i32
      %swap3A_750 = arith.index_cast %swap3A_749 : i32 to index
      %swap3A_751 = arith.constant 0 : index
      %swap3A_752 = tpu.vector_load %arg12[%swap3A_750, %swap3A_751] {strides = array<i32>} : memref<32x16xf32, #tpu.memory_space<vmem>>, vector<16xf32>,
      tpu.vector_store %arg12[%swap3A_750, %swap3A_751], %select_n3A_748 {strides = array<i32>} : memref<32x16xf32, #tpu.memory_space<vmem>>, vector<16xf32>,
      %broadcast_in_dim3A_753 = arith.constant 12 : i32
      %broadcast_in_dim3A_754 = vector.broadcast %broadcast_in_dim3A_753 : i32 to vector<16xi32>
      %gather3A_755 = tpu.vector_load_idx %arg9[%iota3A, %broadcast_in_dim3A_754, %and3A_638] : memref<16x32x128xf32, #tpu.memory_space<vmem>>[vector<16xi32>, vector<16xi32>, vector<16xi32>], vector<16xf32>,
      %gather3A_756 = tpu.vector_load_idx %arg10[%broadcast_in_dim3A_754, %min3A_647] : memref<32x128xf32, #tpu.memory_space<vmem>>[vector<16xi32>, vector<16xi32>], vector<16xf32>,
      %select_n3A_757 = arith.select %ge3A_641, %gather3A_756, %gather3A_755 : vector<16xi1>, vector<16xf32>
      %swap3A_758 = arith.constant 12 : i32
      %swap3A_759 = arith.index_cast %swap3A_758 : i32 to index
      %swap3A_760 = arith.constant 0 : index
      %swap3A_761 = tpu.vector_load %arg12[%swap3A_759, %swap3A_760] {strides = array<i32>} : memref<32x16xf32, #tpu.memory_space<vmem>>, vector<16xf32>,
      tpu.vector_store %arg12[%swap3A_759, %swap3A_760], %select_n3A_757 {strides = array<i32>} : memref<32x16xf32, #tpu.memory_space<vmem>>, vector<16xf32>,
      %broadcast_in_dim3A_762 = arith.constant 13 : i32
      %broadcast_in_dim3A_763 = vector.broadcast %broadcast_in_dim3A_762 : i32 to vector<16xi32>
      %gather3A_764 = tpu.vector_load_idx %arg9[%iota3A, %broadcast_in_dim3A_763, %and3A_638] : memref<16x32x128xf32, #tpu.memory_space<vmem>>[vector<16xi32>, vector<16xi32>, vector<16xi32>], vector<16xf32>,
      %gather3A_765 = tpu.vector_load_idx %arg10[%broadcast_in_dim3A_763, %min3A_647] : memref<32x128xf32, #tpu.memory_space<vmem>>[vector<16xi32>, vector<16xi32>], vector<16xf32>,
      %select_n3A_766 = arith.select %ge3A_641, %gather3A_765, %gather3A_764 : vector<16xi1>, vector<16xf32>
      %swap3A_767 = arith.constant 13 : i32
      %swap3A_768 = arith.index_cast %swap3A_767 : i32 to index
      %swap3A_769 = arith.constant 0 : index
      %swap3A_770 = tpu.vector_load %arg12[%swap3A_768, %swap3A_769] {strides = array<i32>} : memref<32x16xf32, #tpu.memory_space<vmem>>, vector<16xf32>,
      tpu.vector_store %arg12[%swap3A_768, %swap3A_769], %select_n3A_766 {strides = array<i32>} : memref<32x16xf32, #tpu.memory_space<vmem>>, vector<16xf32>,
      %broadcast_in_dim3A_771 = arith.constant 14 : i32
      %broadcast_in_dim3A_772 = vector.broadcast %broadcast_in_dim3A_771 : i32 to vector<16xi32>
      %gather3A_773 = tpu.vector_load_idx %arg9[%iota3A, %broadcast_in_dim3A_772, %and3A_638] : memref<16x32x128xf32, #tpu.memory_space<vmem>>[vector<16xi32>, vector<16xi32>, vector<16xi32>], vector<16xf32>,
      %gather3A_774 = tpu.vector_load_idx %arg10[%broadcast_in_dim3A_772, %min3A_647] : memref<32x128xf32, #tpu.memory_space<vmem>>[vector<16xi32>, vector<16xi32>], vector<16xf32>,
      %select_n3A_775 = arith.select %ge3A_641, %gather3A_774, %gather3A_773 : vector<16xi1>, vector<16xf32>
      %swap3A_776 = arith.constant 14 : i32
      %swap3A_777 = arith.index_cast %swap3A_776 : i32 to index
      %swap3A_778 = arith.constant 0 : index
      %swap3A_779 = tpu.vector_load %arg12[%swap3A_777, %swap3A_778] {strides = array<i32>} : memref<32x16xf32, #tpu.memory_space<vmem>>, vector<16xf32>,
      tpu.vector_store %arg12[%swap3A_777, %swap3A_778], %select_n3A_775 {strides = array<i32>} : memref<32x16xf32, #tpu.memory_space<vmem>>, vector<16xf32>,
      %broadcast_in_dim3A_780 = arith.constant 15 : i32
      %broadcast_in_dim3A_781 = vector.broadcast %broadcast_in_dim3A_780 : i32 to vector<16xi32>
      %gather3A_782 = tpu.vector_load_idx %arg9[%iota3A, %broadcast_in_dim3A_781, %and3A_638] : memref<16x32x128xf32, #tpu.memory_space<vmem>>[vector<16xi32>, vector<16xi32>, vector<16xi32>], vector<16xf32>,
      %gather3A_783 = tpu.vector_load_idx %arg10[%broadcast_in_dim3A_781, %min3A_647] : memref<32x128xf32, #tpu.memory_space<vmem>>[vector<16xi32>, vector<16xi32>], vector<16xf32>,
      %select_n3A_784 = arith.select %ge3A_641, %gather3A_783, %gather3A_782 : vector<16xi1>, vector<16xf32>
      %swap3A_785 = arith.constant 15 : i32
      %swap3A_786 = arith.index_cast %swap3A_785 : i32 to index
      %swap3A_787 = arith.constant 0 : index
      %swap3A_788 = tpu.vector_load %arg12[%swap3A_786, %swap3A_787] {strides = array<i32>} : memref<32x16xf32, #tpu.memory_space<vmem>>, vector<16xf32>,
      tpu.vector_store %arg12[%swap3A_786, %swap3A_787], %select_n3A_784 {strides = array<i32>} : memref<32x16xf32, #tpu.memory_space<vmem>>, vector<16xf32>,
      %broadcast_in_dim3A_789 = arith.constant 16 : i32
      %broadcast_in_dim3A_790 = vector.broadcast %broadcast_in_dim3A_789 : i32 to vector<16xi32>
      %gather3A_791 = tpu.vector_load_idx %arg9[%iota3A, %broadcast_in_dim3A_790, %and3A_638] : memref<16x32x128xf32, #tpu.memory_space<vmem>>[vector<16xi32>, vector<16xi32>, vector<16xi32>], vector<16xf32>,
      %gather3A_792 = tpu.vector_load_idx %arg10[%broadcast_in_dim3A_790, %min3A_647] : memref<32x128xf32, #tpu.memory_space<vmem>>[vector<16xi32>, vector<16xi32>], vector<16xf32>,
      %select_n3A_793 = arith.select %ge3A_641, %gather3A_792, %gather3A_791 : vector<16xi1>, vector<16xf32>
      %swap3A_794 = arith.constant 16 : i32
      %swap3A_795 = arith.index_cast %swap3A_794 : i32 to index
      %swap3A_796 = arith.constant 0 : index
      %swap3A_797 = tpu.vector_load %arg12[%swap3A_795, %swap3A_796] {strides = array<i32>} : memref<32x16xf32, #tpu.memory_space<vmem>>, vector<16xf32>,
      tpu.vector_store %arg12[%swap3A_795, %swap3A_796], %select_n3A_793 {strides = array<i32>} : memref<32x16xf32, #tpu.memory_space<vmem>>, vector<16xf32>,
      %broadcast_in_dim3A_798 = arith.constant 17 : i32
      %broadcast_in_dim3A_799 = vector.broadcast %broadcast_in_dim3A_798 : i32 to vector<16xi32>
      %gather3A_800 = tpu.vector_load_idx %arg9[%iota3A, %broadcast_in_dim3A_799, %and3A_638] : memref<16x32x128xf32, #tpu.memory_space<vmem>>[vector<16xi32>, vector<16xi32>, vector<16xi32>], vector<16xf32>,
      %gather3A_801 = tpu.vector_load_idx %arg10[%broadcast_in_dim3A_799, %min3A_647] : memref<32x128xf32, #tpu.memory_space<vmem>>[vector<16xi32>, vector<16xi32>], vector<16xf32>,
      %select_n3A_802 = arith.select %ge3A_641, %gather3A_801, %gather3A_800 : vector<16xi1>, vector<16xf32>
      %swap3A_803 = arith.constant 17 : i32
      %swap3A_804 = arith.index_cast %swap3A_803 : i32 to index
      %swap3A_805 = arith.constant 0 : index
      %swap3A_806 = tpu.vector_load %arg12[%swap3A_804, %swap3A_805] {strides = array<i32>} : memref<32x16xf32, #tpu.memory_space<vmem>>, vector<16xf32>,
      tpu.vector_store %arg12[%swap3A_804, %swap3A_805], %select_n3A_802 {strides = array<i32>} : memref<32x16xf32, #tpu.memory_space<vmem>>, vector<16xf32>,
      %broadcast_in_dim3A_807 = arith.constant 18 : i32
      %broadcast_in_dim3A_808 = vector.broadcast %broadcast_in_dim3A_807 : i32 to vector<16xi32>
      %gather3A_809 = tpu.vector_load_idx %arg9[%iota3A, %broadcast_in_dim3A_808, %and3A_638] : memref<16x32x128xf32, #tpu.memory_space<vmem>>[vector<16xi32>, vector<16xi32>, vector<16xi32>], vector<16xf32>,
      %gather3A_810 = tpu.vector_load_idx %arg10[%broadcast_in_dim3A_808, %min3A_647] : memref<32x128xf32, #tpu.memory_space<vmem>>[vector<16xi32>, vector<16xi32>], vector<16xf32>,
      %select_n3A_811 = arith.select %ge3A_641, %gather3A_810, %gather3A_809 : vector<16xi1>, vector<16xf32>
      %swap3A_812 = arith.constant 18 : i32
      %swap3A_813 = arith.index_cast %swap3A_812 : i32 to index
      %swap3A_814 = arith.constant 0 : index
      %swap3A_815 = tpu.vector_load %arg12[%swap3A_813, %swap3A_814] {strides = array<i32>} : memref<32x16xf32, #tpu.memory_space<vmem>>, vector<16xf32>,
      tpu.vector_store %arg12[%swap3A_813, %swap3A_814], %select_n3A_811 {strides = array<i32>} : memref<32x16xf32, #tpu.memory_space<vmem>>, vector<16xf32>,
      %broadcast_in_dim3A_816 = arith.constant 19 : i32
      %broadcast_in_dim3A_817 = vector.broadcast %broadcast_in_dim3A_816 : i32 to vector<16xi32>
      %gather3A_818 = tpu.vector_load_idx %arg9[%iota3A, %broadcast_in_dim3A_817, %and3A_638] : memref<16x32x128xf32, #tpu.memory_space<vmem>>[vector<16xi32>, vector<16xi32>, vector<16xi32>], vector<16xf32>,
      %gather3A_819 = tpu.vector_load_idx %arg10[%broadcast_in_dim3A_817, %min3A_647] : memref<32x128xf32, #tpu.memory_space<vmem>>[vector<16xi32>, vector<16xi32>], vector<16xf32>,
      %select_n3A_820 = arith.select %ge3A_641, %gather3A_819, %gather3A_818 : vector<16xi1>, vector<16xf32>
      %swap3A_821 = arith.constant 19 : i32
      %swap3A_822 = arith.index_cast %swap3A_821 : i32 to index
      %swap3A_823 = arith.constant 0 : index
      %swap3A_824 = tpu.vector_load %arg12[%swap3A_822, %swap3A_823] {strides = array<i32>} : memref<32x16xf32, #tpu.memory_space<vmem>>, vector<16xf32>,
      tpu.vector_store %arg12[%swap3A_822, %swap3A_823], %select_n3A_820 {strides = array<i32>} : memref<32x16xf32, #tpu.memory_space<vmem>>, vector<16xf32>,
      %broadcast_in_dim3A_825 = arith.constant 20 : i32
      %broadcast_in_dim3A_826 = vector.broadcast %broadcast_in_dim3A_825 : i32 to vector<16xi32>
      %gather3A_827 = tpu.vector_load_idx %arg9[%iota3A, %broadcast_in_dim3A_826, %and3A_638] : memref<16x32x128xf32, #tpu.memory_space<vmem>>[vector<16xi32>, vector<16xi32>, vector<16xi32>], vector<16xf32>,
      %gather3A_828 = tpu.vector_load_idx %arg10[%broadcast_in_dim3A_826, %min3A_647] : memref<32x128xf32, #tpu.memory_space<vmem>>[vector<16xi32>, vector<16xi32>], vector<16xf32>,
      %select_n3A_829 = arith.select %ge3A_641, %gather3A_828, %gather3A_827 : vector<16xi1>, vector<16xf32>
      %swap3A_830 = arith.constant 20 : i32
      %swap3A_831 = arith.index_cast %swap3A_830 : i32 to index
      %swap3A_832 = arith.constant 0 : index
      %swap3A_833 = tpu.vector_load %arg12[%swap3A_831, %swap3A_832] {strides = array<i32>} : memref<32x16xf32, #tpu.memory_space<vmem>>, vector<16xf32>,
      tpu.vector_store %arg12[%swap3A_831, %swap3A_832], %select_n3A_829 {strides = array<i32>} : memref<32x16xf32, #tpu.memory_space<vmem>>, vector<16xf32>,
      %broadcast_in_dim3A_834 = arith.constant 21 : i32
      %broadcast_in_dim3A_835 = vector.broadcast %broadcast_in_dim3A_834 : i32 to vector<16xi32>
      %gather3A_836 = tpu.vector_load_idx %arg9[%iota3A, %broadcast_in_dim3A_835, %and3A_638] : memref<16x32x128xf32, #tpu.memory_space<vmem>>[vector<16xi32>, vector<16xi32>, vector<16xi32>], vector<16xf32>,
      %gather3A_837 = tpu.vector_load_idx %arg10[%broadcast_in_dim3A_835, %min3A_647] : memref<32x128xf32, #tpu.memory_space<vmem>>[vector<16xi32>, vector<16xi32>], vector<16xf32>,
      %select_n3A_838 = arith.select %ge3A_641, %gather3A_837, %gather3A_836 : vector<16xi1>, vector<16xf32>
      %swap3A_839 = arith.constant 21 : i32
      %swap3A_840 = arith.index_cast %swap3A_839 : i32 to index
      %swap3A_841 = arith.constant 0 : index
      %swap3A_842 = tpu.vector_load %arg12[%swap3A_840, %swap3A_841] {strides = array<i32>} : memref<32x16xf32, #tpu.memory_space<vmem>>, vector<16xf32>,
      tpu.vector_store %arg12[%swap3A_840, %swap3A_841], %select_n3A_838 {strides = array<i32>} : memref<32x16xf32, #tpu.memory_space<vmem>>, vector<16xf32>,
      %broadcast_in_dim3A_843 = arith.constant 22 : i32
      %broadcast_in_dim3A_844 = vector.broadcast %broadcast_in_dim3A_843 : i32 to vector<16xi32>
      %gather3A_845 = tpu.vector_load_idx %arg9[%iota3A, %broadcast_in_dim3A_844, %and3A_638] : memref<16x32x128xf32, #tpu.memory_space<vmem>>[vector<16xi32>, vector<16xi32>, vector<16xi32>], vector<16xf32>,
      %gather3A_846 = tpu.vector_load_idx %arg10[%broadcast_in_dim3A_844, %min3A_647] : memref<32x128xf32, #tpu.memory_space<vmem>>[vector<16xi32>, vector<16xi32>], vector<16xf32>,
      %select_n3A_847 = arith.select %ge3A_641, %gather3A_846, %gather3A_845 : vector<16xi1>, vector<16xf32>
      %swap3A_848 = arith.constant 22 : i32
      %swap3A_849 = arith.index_cast %swap3A_848 : i32 to index
      %swap3A_850 = arith.constant 0 : index
      %swap3A_851 = tpu.vector_load %arg12[%swap3A_849, %swap3A_850] {strides = array<i32>} : memref<32x16xf32, #tpu.memory_space<vmem>>, vector<16xf32>,
      tpu.vector_store %arg12[%swap3A_849, %swap3A_850], %select_n3A_847 {strides = array<i32>} : memref<32x16xf32, #tpu.memory_space<vmem>>, vector<16xf32>,
      %broadcast_in_dim3A_852 = arith.constant 23 : i32
      %broadcast_in_dim3A_853 = vector.broadcast %broadcast_in_dim3A_852 : i32 to vector<16xi32>
      %gather3A_854 = tpu.vector_load_idx %arg9[%iota3A, %broadcast_in_dim3A_853, %and3A_638] : memref<16x32x128xf32, #tpu.memory_space<vmem>>[vector<16xi32>, vector<16xi32>, vector<16xi32>], vector<16xf32>,
      %gather3A_855 = tpu.vector_load_idx %arg10[%broadcast_in_dim3A_853, %min3A_647] : memref<32x128xf32, #tpu.memory_space<vmem>>[vector<16xi32>, vector<16xi32>], vector<16xf32>,
      %select_n3A_856 = arith.select %ge3A_641, %gather3A_855, %gather3A_854 : vector<16xi1>, vector<16xf32>
      %swap3A_857 = arith.constant 23 : i32
      %swap3A_858 = arith.index_cast %swap3A_857 : i32 to index
      %swap3A_859 = arith.constant 0 : index
      %swap3A_860 = tpu.vector_load %arg12[%swap3A_858, %swap3A_859] {strides = array<i32>} : memref<32x16xf32, #tpu.memory_space<vmem>>, vector<16xf32>,
      tpu.vector_store %arg12[%swap3A_858, %swap3A_859], %select_n3A_856 {strides = array<i32>} : memref<32x16xf32, #tpu.memory_space<vmem>>, vector<16xf32>,
      %broadcast_in_dim3A_861 = arith.constant 24 : i32
      %broadcast_in_dim3A_862 = vector.broadcast %broadcast_in_dim3A_861 : i32 to vector<16xi32>
      %gather3A_863 = tpu.vector_load_idx %arg9[%iota3A, %broadcast_in_dim3A_862, %and3A_638] : memref<16x32x128xf32, #tpu.memory_space<vmem>>[vector<16xi32>, vector<16xi32>, vector<16xi32>], vector<16xf32>,
      %gather3A_864 = tpu.vector_load_idx %arg10[%broadcast_in_dim3A_862, %min3A_647] : memref<32x128xf32, #tpu.memory_space<vmem>>[vector<16xi32>, vector<16xi32>], vector<16xf32>,
      %select_n3A_865 = arith.select %ge3A_641, %gather3A_864, %gather3A_863 : vector<16xi1>, vector<16xf32>
      %swap3A_866 = arith.constant 24 : i32
      %swap3A_867 = arith.index_cast %swap3A_866 : i32 to index
      %swap3A_868 = arith.constant 0 : index
      %swap3A_869 = tpu.vector_load %arg12[%swap3A_867, %swap3A_868] {strides = array<i32>} : memref<32x16xf32, #tpu.memory_space<vmem>>, vector<16xf32>,
      tpu.vector_store %arg12[%swap3A_867, %swap3A_868], %select_n3A_865 {strides = array<i32>} : memref<32x16xf32, #tpu.memory_space<vmem>>, vector<16xf32>,
      %broadcast_in_dim3A_870 = arith.constant 25 : i32
      %broadcast_in_dim3A_871 = vector.broadcast %broadcast_in_dim3A_870 : i32 to vector<16xi32>
      %gather3A_872 = tpu.vector_load_idx %arg9[%iota3A, %broadcast_in_dim3A_871, %and3A_638] : memref<16x32x128xf32, #tpu.memory_space<vmem>>[vector<16xi32>, vector<16xi32>, vector<16xi32>], vector<16xf32>,
      %gather3A_873 = tpu.vector_load_idx %arg10[%broadcast_in_dim3A_871, %min3A_647] : memref<32x128xf32, #tpu.memory_space<vmem>>[vector<16xi32>, vector<16xi32>], vector<16xf32>,
      %select_n3A_874 = arith.select %ge3A_641, %gather3A_873, %gather3A_872 : vector<16xi1>, vector<16xf32>
      %swap3A_875 = arith.constant 25 : i32
      %swap3A_876 = arith.index_cast %swap3A_875 : i32 to index
      %swap3A_877 = arith.constant 0 : index
      %swap3A_878 = tpu.vector_load %arg12[%swap3A_876, %swap3A_877] {strides = array<i32>} : memref<32x16xf32, #tpu.memory_space<vmem>>, vector<16xf32>,
      tpu.vector_store %arg12[%swap3A_876, %swap3A_877], %select_n3A_874 {strides = array<i32>} : memref<32x16xf32, #tpu.memory_space<vmem>>, vector<16xf32>,
      %broadcast_in_dim3A_879 = arith.constant 26 : i32
      %broadcast_in_dim3A_880 = vector.broadcast %broadcast_in_dim3A_879 : i32 to vector<16xi32>
      %gather3A_881 = tpu.vector_load_idx %arg9[%iota3A, %broadcast_in_dim3A_880, %and3A_638] : memref<16x32x128xf32, #tpu.memory_space<vmem>>[vector<16xi32>, vector<16xi32>, vector<16xi32>], vector<16xf32>,
      %gather3A_882 = tpu.vector_load_idx %arg10[%broadcast_in_dim3A_880, %min3A_647] : memref<32x128xf32, #tpu.memory_space<vmem>>[vector<16xi32>, vector<16xi32>], vector<16xf32>,
      %select_n3A_883 = arith.select %ge3A_641, %gather3A_882, %gather3A_881 : vector<16xi1>, vector<16xf32>
      %swap3A_884 = arith.constant 26 : i32
      %swap3A_885 = arith.index_cast %swap3A_884 : i32 to index
      %swap3A_886 = arith.constant 0 : index
      %swap3A_887 = tpu.vector_load %arg12[%swap3A_885, %swap3A_886] {strides = array<i32>} : memref<32x16xf32, #tpu.memory_space<vmem>>, vector<16xf32>,
      tpu.vector_store %arg12[%swap3A_885, %swap3A_886], %select_n3A_883 {strides = array<i32>} : memref<32x16xf32, #tpu.memory_space<vmem>>, vector<16xf32>,
      %broadcast_in_dim3A_888 = arith.constant 27 : i32
      %broadcast_in_dim3A_889 = vector.broadcast %broadcast_in_dim3A_888 : i32 to vector<16xi32>
      %gather3A_890 = tpu.vector_load_idx %arg9[%iota3A, %broadcast_in_dim3A_889, %and3A_638] : memref<16x32x128xf32, #tpu.memory_space<vmem>>[vector<16xi32>, vector<16xi32>, vector<16xi32>], vector<16xf32>,
      %gather3A_891 = tpu.vector_load_idx %arg10[%broadcast_in_dim3A_889, %min3A_647] : memref<32x128xf32, #tpu.memory_space<vmem>>[vector<16xi32>, vector<16xi32>], vector<16xf32>,
      %select_n3A_892 = arith.select %ge3A_641, %gather3A_891, %gather3A_890 : vector<16xi1>, vector<16xf32>
      %swap3A_893 = arith.constant 27 : i32
      %swap3A_894 = arith.index_cast %swap3A_893 : i32 to index
      %swap3A_895 = arith.constant 0 : index
      %swap3A_896 = tpu.vector_load %arg12[%swap3A_894, %swap3A_895] {strides = array<i32>} : memref<32x16xf32, #tpu.memory_space<vmem>>, vector<16xf32>,
      tpu.vector_store %arg12[%swap3A_894, %swap3A_895], %select_n3A_892 {strides = array<i32>} : memref<32x16xf32, #tpu.memory_space<vmem>>, vector<16xf32>,
      %broadcast_in_dim3A_897 = arith.constant 28 : i32
      %broadcast_in_dim3A_898 = vector.broadcast %broadcast_in_dim3A_897 : i32 to vector<16xi32>
      %gather3A_899 = tpu.vector_load_idx %arg9[%iota3A, %broadcast_in_dim3A_898, %and3A_638] : memref<16x32x128xf32, #tpu.memory_space<vmem>>[vector<16xi32>, vector<16xi32>, vector<16xi32>], vector<16xf32>,
      %gather3A_900 = tpu.vector_load_idx %arg10[%broadcast_in_dim3A_898, %min3A_647] : memref<32x128xf32, #tpu.memory_space<vmem>>[vector<16xi32>, vector<16xi32>], vector<16xf32>,
      %select_n3A_901 = arith.select %ge3A_641, %gather3A_900, %gather3A_899 : vector<16xi1>, vector<16xf32>
      %swap3A_902 = arith.constant 28 : i32
      %swap3A_903 = arith.index_cast %swap3A_902 : i32 to index
      %swap3A_904 = arith.constant 0 : index
      %swap3A_905 = tpu.vector_load %arg12[%swap3A_903, %swap3A_904] {strides = array<i32>} : memref<32x16xf32, #tpu.memory_space<vmem>>, vector<16xf32>,
      tpu.vector_store %arg12[%swap3A_903, %swap3A_904], %select_n3A_901 {strides = array<i32>} : memref<32x16xf32, #tpu.memory_space<vmem>>, vector<16xf32>,
      %broadcast_in_dim3A_906 = arith.constant 29 : i32
      %broadcast_in_dim3A_907 = vector.broadcast %broadcast_in_dim3A_906 : i32 to vector<16xi32>
      %gather3A_908 = tpu.vector_load_idx %arg9[%iota3A, %broadcast_in_dim3A_907, %and3A_638] : memref<16x32x128xf32, #tpu.memory_space<vmem>>[vector<16xi32>, vector<16xi32>, vector<16xi32>], vector<16xf32>,
      %gather3A_909 = tpu.vector_load_idx %arg10[%broadcast_in_dim3A_907, %min3A_647] : memref<32x128xf32, #tpu.memory_space<vmem>>[vector<16xi32>, vector<16xi32>], vector<16xf32>,
      %select_n3A_910 = arith.select %ge3A_641, %gather3A_909, %gather3A_908 : vector<16xi1>, vector<16xf32>
      %swap3A_911 = arith.constant 29 : i32
      %swap3A_912 = arith.index_cast %swap3A_911 : i32 to index
      %swap3A_913 = arith.constant 0 : index
      %swap3A_914 = tpu.vector_load %arg12[%swap3A_912, %swap3A_913] {strides = array<i32>} : memref<32x16xf32, #tpu.memory_space<vmem>>, vector<16xf32>,
      tpu.vector_store %arg12[%swap3A_912, %swap3A_913], %select_n3A_910 {strides = array<i32>} : memref<32x16xf32, #tpu.memory_space<vmem>>, vector<16xf32>,
      %broadcast_in_dim3A_915 = arith.constant 30 : i32
      %broadcast_in_dim3A_916 = vector.broadcast %broadcast_in_dim3A_915 : i32 to vector<16xi32>
      %gather3A_917 = tpu.vector_load_idx %arg9[%iota3A, %broadcast_in_dim3A_916, %and3A_638] : memref<16x32x128xf32, #tpu.memory_space<vmem>>[vector<16xi32>, vector<16xi32>, vector<16xi32>], vector<16xf32>,
      %gather3A_918 = tpu.vector_load_idx %arg10[%broadcast_in_dim3A_916, %min3A_647] : memref<32x128xf32, #tpu.memory_space<vmem>>[vector<16xi32>, vector<16xi32>], vector<16xf32>,
      %select_n3A_919 = arith.select %ge3A_641, %gather3A_918, %gather3A_917 : vector<16xi1>, vector<16xf32>
      %swap3A_920 = arith.constant 30 : i32
      %swap3A_921 = arith.index_cast %swap3A_920 : i32 to index
      %swap3A_922 = arith.constant 0 : index
      %swap3A_923 = tpu.vector_load %arg12[%swap3A_921, %swap3A_922] {strides = array<i32>} : memref<32x16xf32, #tpu.memory_space<vmem>>, vector<16xf32>,
      tpu.vector_store %arg12[%swap3A_921, %swap3A_922], %select_n3A_919 {strides = array<i32>} : memref<32x16xf32, #tpu.memory_space<vmem>>, vector<16xf32>,
      %broadcast_in_dim3A_924 = arith.constant 31 : i32
      %broadcast_in_dim3A_925 = vector.broadcast %broadcast_in_dim3A_924 : i32 to vector<16xi32>
      %gather3A_926 = tpu.vector_load_idx %arg9[%iota3A, %broadcast_in_dim3A_925, %and3A_638] : memref<16x32x128xf32, #tpu.memory_space<vmem>>[vector<16xi32>, vector<16xi32>, vector<16xi32>], vector<16xf32>,
      %gather3A_927 = tpu.vector_load_idx %arg10[%broadcast_in_dim3A_925, %min3A_647] : memref<32x128xf32, #tpu.memory_space<vmem>>[vector<16xi32>, vector<16xi32>], vector<16xf32>,
      %select_n3A_928 = arith.select %ge3A_641, %gather3A_927, %gather3A_926 : vector<16xi1>, vector<16xf32>
      %swap3A_929 = arith.constant 31 : i32
      %swap3A_930 = arith.index_cast %swap3A_929 : i32 to index
      %swap3A_931 = arith.constant 0 : index
      %swap3A_932 = tpu.vector_load %arg12[%swap3A_930, %swap3A_931] {strides = array<i32>} : memref<32x16xf32, #tpu.memory_space<vmem>>, vector<16xf32>,
      tpu.vector_store %arg12[%swap3A_930, %swap3A_931], %select_n3A_928 {strides = array<i32>} : memref<32x16xf32, #tpu.memory_space<vmem>>, vector<16xf32>,
      %mul3A_933 = arith.constant 16 : i32
      %mul3A_934 = arith.muli %scan3A_14, %mul3A_933 : i32
      %get3A_935 = arith.constant 1 : i32
      %get3A_936 = arith.index_cast %get3A_935 : i32 to index
      %get3A_937 = arith.index_cast %mul3A_934 : i32 to index
      %get3A_938 = tpu.vector_load %arg8[%get3A_936, %get3A_937] {strides = array<i32>} : memref<2x512xi32, #tpu.memory_space<vmem>>, vector<16xi32>,
      %slice3A_939 = vector.extract_strided_slice %get3A_938 {offsets = [0], sizes = [1], strides = [1]} : vector<16xi32> to vector<1xi32>
      %squeeze3A_940 = vector.extract %slice3A_939[0] : i32 from vector<1xi32>
      %shift_right_logical3A_941 = arith.constant 7 : i32
      %shift_right_logical3A_942 = arith.shrui %squeeze3A_940, %shift_right_logical3A_941 : i32
      %ge3A_943 = arith.constant 999936 : i32
      %ge3A_944 = arith.cmpi sge, %squeeze3A_940, %ge3A_943 : i32
      %jit3A_945 = arith.constant 0 : i32
      %select_n3A_946 = arith.select %ge3A_944, %jit3A_945, %shift_right_logical3A_942 : i32
      %mul3A_947 = arith.constant 128 : i32
      %mul3A_948 = arith.muli %select_n3A_946, %mul3A_947 : i32
      %multiple_of3A_949 = tpu.assume_multiple %mul3A_948, 128 : i32
      %dma_start3A_950 = arith.constant 0 : i32
      %dma_start3A_951 = arith.constant 0 : i32
      %dma_start3A_952 = arith.constant 0 : i32
      %dma_start3A_953 = tpu.memref_slice %arg9[%dma_start3A_950, %dma_start3A_951, %dma_start3A_952] : memref<16x32x128xf32, #tpu.memory_space<vmem>> -> memref<1x32x128xf32, #tpu.memory_space<vmem>>
      %dma_start3A_954 = tpu.memref_squeeze %dma_start3A_953 : memref<1x32x128xf32, #tpu.memory_space<vmem>> -> memref<32x128xf32, #tpu.memory_space<vmem>>
      %dma_start3A_955 = arith.constant 0 : i32
      %dma_start3A_956 = tpu.memref_slice %arg4[%dma_start3A_955, %multiple_of3A_949] : memref<32x1000001xf32, #tpu.memory_space<hbm>> -> memref<32x128xf32, #tpu.memory_space<hbm>>
      %dma_start3A_957 = arith.constant 0 : i32
      %dma_start3A_958 = arith.constant 0 : i32
      %dma_start3A_959 = tpu.memref_slice %arg9[%dma_start3A_950, %dma_start3A_957, %dma_start3A_958] : memref<16x32x128xf32, #tpu.memory_space<vmem>> -> memref<1x32x128xf32, #tpu.memory_space<vmem>>
      %dma_start3A_960 = tpu.memref_squeeze %dma_start3A_959 : memref<1x32x128xf32, #tpu.memory_space<vmem>> -> memref<32x128xf32, #tpu.memory_space<vmem>>
      %dma_start3A_961 = arith.constant 0 : i32
      %dma_start3A_962 = tpu.memref_slice %arg4[%dma_start3A_961, %multiple_of3A_949] : memref<32x1000001xf32, #tpu.memory_space<hbm>> -> memref<32x128xf32, #tpu.memory_space<hbm>>
      tpu.enqueue_dma source(%dma_start3A_962 : memref<32x128xf32, #tpu.memory_space<hbm>>) target(%dma_start3A_960 : memref<32x128xf32, #tpu.memory_space<vmem>>) target_semaphore(%arg15 : memref<!tpu.dma_semaphore, #tpu.memory_space<semaphore_mem>>)
      %slice3A_963 = vector.extract_strided_slice %get3A_938 {offsets = [1], sizes = [1], strides = [1]} : vector<16xi32> to vector<1xi32>
      %squeeze3A_964 = vector.extract %slice3A_963[0] : i32 from vector<1xi32>
      %shift_right_logical3A_965 = arith.constant 7 : i32
      %shift_right_logical3A_966 = arith.shrui %squeeze3A_964, %shift_right_logical3A_965 : i32
      %ge3A_967 = arith.constant 999936 : i32
      %ge3A_968 = arith.cmpi sge, %squeeze3A_964, %ge3A_967 : i32
      %jit3A_969 = arith.constant 0 : i32
      %select_n3A_970 = arith.select %ge3A_968, %jit3A_969, %shift_right_logical3A_966 : i32
      %mul3A_971 = arith.constant 128 : i32
      %mul3A_972 = arith.muli %select_n3A_970, %mul3A_971 : i32
      %multiple_of3A_973 = tpu.assume_multiple %mul3A_972, 128 : i32
      %dma_start3A_974 = arith.constant 1 : i32
      %dma_start3A_975 = arith.constant 0 : i32
      %dma_start3A_976 = arith.constant 0 : i32
      %dma_start3A_977 = tpu.memref_slice %arg9[%dma_start3A_974, %dma_start3A_975, %dma_start3A_976] : memref<16x32x128xf32, #tpu.memory_space<vmem>> -> memref<1x32x128xf32, #tpu.memory_space<vmem>>
      %dma_start3A_978 = tpu.memref_squeeze %dma_start3A_977 : memref<1x32x128xf32, #tpu.memory_space<vmem>> -> memref<32x128xf32, #tpu.memory_space<vmem>>
      %dma_start3A_979 = arith.constant 0 : i32
      %dma_start3A_980 = tpu.memref_slice %arg4[%dma_start3A_979, %multiple_of3A_973] : memref<32x1000001xf32, #tpu.memory_space<hbm>> -> memref<32x128xf32, #tpu.memory_space<hbm>>
      %dma_start3A_981 = arith.constant 0 : i32
      %dma_start3A_982 = arith.constant 0 : i32
      %dma_start3A_983 = tpu.memref_slice %arg9[%dma_start3A_974, %dma_start3A_981, %dma_start3A_982] : memref<16x32x128xf32, #tpu.memory_space<vmem>> -> memref<1x32x128xf32, #tpu.memory_space<vmem>>
      %dma_start3A_984 = tpu.memref_squeeze %dma_start3A_983 : memref<1x32x128xf32, #tpu.memory_space<vmem>> -> memref<32x128xf32, #tpu.memory_space<vmem>>
      %dma_start3A_985 = arith.constant 0 : i32
      %dma_start3A_986 = tpu.memref_slice %arg4[%dma_start3A_985, %multiple_of3A_973] : memref<32x1000001xf32, #tpu.memory_space<hbm>> -> memref<32x128xf32, #tpu.memory_space<hbm>>
      tpu.enqueue_dma source(%dma_start3A_986 : memref<32x128xf32, #tpu.memory_space<hbm>>) target(%dma_start3A_984 : memref<32x128xf32, #tpu.memory_space<vmem>>) target_semaphore(%arg15 : memref<!tpu.dma_semaphore, #tpu.memory_space<semaphore_mem>>)
      %slice3A_987 = vector.extract_strided_slice %get3A_938 {offsets = [2], sizes = [1], strides = [1]} : vector<16xi32> to vector<1xi32>
      %squeeze3A_988 = vector.extract %slice3A_987[0] : i32 from vector<1xi32>
      %shift_right_logical3A_989 = arith.constant 7 : i32
      %shift_right_logical3A_990 = arith.shrui %squeeze3A_988, %shift_right_logical3A_989 : i32
      %ge3A_991 = arith.constant 999936 : i32
      %ge3A_992 = arith.cmpi sge, %squeeze3A_988, %ge3A_991 : i32
      %jit3A_993 = arith.constant 0 : i32
      %select_n3A_994 = arith.select %ge3A_992, %jit3A_993, %shift_right_logical3A_990 : i32
      %mul3A_995 = arith.constant 128 : i32
      %mul3A_996 = arith.muli %select_n3A_994, %mul3A_995 : i32
      %multiple_of3A_997 = tpu.assume_multiple %mul3A_996, 128 : i32
      %dma_start3A_998 = arith.constant 2 : i32
      %dma_start3A_999 = arith.constant 0 : i32
      %dma_start3A_1000 = arith.constant 0 : i32
      %dma_start3A_1001 = tpu.memref_slice %arg9[%dma_start3A_998, %dma_start3A_999, %dma_start3A_1000] : memref<16x32x128xf32, #tpu.memory_space<vmem>> -> memref<1x32x128xf32, #tpu.memory_space<vmem>>
      %dma_start3A_1002 = tpu.memref_squeeze %dma_start3A_1001 : memref<1x32x128xf32, #tpu.memory_space<vmem>> -> memref<32x128xf32, #tpu.memory_space<vmem>>
      %dma_start3A_1003 = arith.constant 0 : i32
      %dma_start3A_1004 = tpu.memref_slice %arg4[%dma_start3A_1003, %multiple_of3A_997] : memref<32x1000001xf32, #tpu.memory_space<hbm>> -> memref<32x128xf32, #tpu.memory_space<hbm>>
      %dma_start3A_1005 = arith.constant 0 : i32
      %dma_start3A_1006 = arith.constant 0 : i32
      %dma_start3A_1007 = tpu.memref_slice %arg9[%dma_start3A_998, %dma_start3A_1005, %dma_start3A_1006] : memref<16x32x128xf32, #tpu.memory_space<vmem>> -> memref<1x32x128xf32, #tpu.memory_space<vmem>>
      %dma_start3A_1008 = tpu.memref_squeeze %dma_start3A_1007 : memref<1x32x128xf32, #tpu.memory_space<vmem>> -> memref<32x128xf32, #tpu.memory_space<vmem>>
      %dma_start3A_1009 = arith.constant 0 : i32
      %dma_start3A_1010 = tpu.memref_slice %arg4[%dma_start3A_1009, %multiple_of3A_997] : memref<32x1000001xf32, #tpu.memory_space<hbm>> -> memref<32x128xf32, #tpu.memory_space<hbm>>
      tpu.enqueue_dma source(%dma_start3A_1010 : memref<32x128xf32, #tpu.memory_space<hbm>>) target(%dma_start3A_1008 : memref<32x128xf32, #tpu.memory_space<vmem>>) target_semaphore(%arg15 : memref<!tpu.dma_semaphore, #tpu.memory_space<semaphore_mem>>)
      %slice3A_1011 = vector.extract_strided_slice %get3A_938 {offsets = [3], sizes = [1], strides = [1]} : vector<16xi32> to vector<1xi32>
      %squeeze3A_1012 = vector.extract %slice3A_1011[0] : i32 from vector<1xi32>
      %shift_right_logical3A_1013 = arith.constant 7 : i32
      %shift_right_logical3A_1014 = arith.shrui %squeeze3A_1012, %shift_right_logical3A_1013 : i32
      %ge3A_1015 = arith.constant 999936 : i32
      %ge3A_1016 = arith.cmpi sge, %squeeze3A_1012, %ge3A_1015 : i32
      %jit3A_1017 = arith.constant 0 : i32
      %select_n3A_1018 = arith.select %ge3A_1016, %jit3A_1017, %shift_right_logical3A_1014 : i32
      %mul3A_1019 = arith.constant 128 : i32
      %mul3A_1020 = arith.muli %select_n3A_1018, %mul3A_1019 : i32
      %multiple_of3A_1021 = tpu.assume_multiple %mul3A_1020, 128 : i32
      %dma_start3A_1022 = arith.constant 3 : i32
      %dma_start3A_1023 = arith.constant 0 : i32
      %dma_start3A_1024 = arith.constant 0 : i32
      %dma_start3A_1025 = tpu.memref_slice %arg9[%dma_start3A_1022, %dma_start3A_1023, %dma_start3A_1024] : memref<16x32x128xf32, #tpu.memory_space<vmem>> -> memref<1x32x128xf32, #tpu.memory_space<vmem>>
      %dma_start3A_1026 = tpu.memref_squeeze %dma_start3A_1025 : memref<1x32x128xf32, #tpu.memory_space<vmem>> -> memref<32x128xf32, #tpu.memory_space<vmem>>
      %dma_start3A_1027 = arith.constant 0 : i32
      %dma_start3A_1028 = tpu.memref_slice %arg4[%dma_start3A_1027, %multiple_of3A_1021] : memref<32x1000001xf32, #tpu.memory_space<hbm>> -> memref<32x128xf32, #tpu.memory_space<hbm>>
      %dma_start3A_1029 = arith.constant 0 : i32
      %dma_start3A_1030 = arith.constant 0 : i32
      %dma_start3A_1031 = tpu.memref_slice %arg9[%dma_start3A_1022, %dma_start3A_1029, %dma_start3A_1030] : memref<16x32x128xf32, #tpu.memory_space<vmem>> -> memref<1x32x128xf32, #tpu.memory_space<vmem>>
      %dma_start3A_1032 = tpu.memref_squeeze %dma_start3A_1031 : memref<1x32x128xf32, #tpu.memory_space<vmem>> -> memref<32x128xf32, #tpu.memory_space<vmem>>
      %dma_start3A_1033 = arith.constant 0 : i32
      %dma_start3A_1034 = tpu.memref_slice %arg4[%dma_start3A_1033, %multiple_of3A_1021] : memref<32x1000001xf32, #tpu.memory_space<hbm>> -> memref<32x128xf32, #tpu.memory_space<hbm>>
      tpu.enqueue_dma source(%dma_start3A_1034 : memref<32x128xf32, #tpu.memory_space<hbm>>) target(%dma_start3A_1032 : memref<32x128xf32, #tpu.memory_space<vmem>>) target_semaphore(%arg15 : memref<!tpu.dma_semaphore, #tpu.memory_space<semaphore_mem>>)
      %slice3A_1035 = vector.extract_strided_slice %get3A_938 {offsets = [4], sizes = [1], strides = [1]} : vector<16xi32> to vector<1xi32>
      %squeeze3A_1036 = vector.extract %slice3A_1035[0] : i32 from vector<1xi32>
      %shift_right_logical3A_1037 = arith.constant 7 : i32
      %shift_right_logical3A_1038 = arith.shrui %squeeze3A_1036, %shift_right_logical3A_1037 : i32
      %ge3A_1039 = arith.constant 999936 : i32
      %ge3A_1040 = arith.cmpi sge, %squeeze3A_1036, %ge3A_1039 : i32
      %jit3A_1041 = arith.constant 0 : i32
      %select_n3A_1042 = arith.select %ge3A_1040, %jit3A_1041, %shift_right_logical3A_1038 : i32
      %mul3A_1043 = arith.constant 128 : i32
      %mul3A_1044 = arith.muli %select_n3A_1042, %mul3A_1043 : i32
      %multiple_of3A_1045 = tpu.assume_multiple %mul3A_1044, 128 : i32
      %dma_start3A_1046 = arith.constant 4 : i32
      %dma_start3A_1047 = arith.constant 0 : i32
      %dma_start3A_1048 = arith.constant 0 : i32
      %dma_start3A_1049 = tpu.memref_slice %arg9[%dma_start3A_1046, %dma_start3A_1047, %dma_start3A_1048] : memref<16x32x128xf32, #tpu.memory_space<vmem>> -> memref<1x32x128xf32, #tpu.memory_space<vmem>>
      %dma_start3A_1050 = tpu.memref_squeeze %dma_start3A_1049 : memref<1x32x128xf32, #tpu.memory_space<vmem>> -> memref<32x128xf32, #tpu.memory_space<vmem>>
      %dma_start3A_1051 = arith.constant 0 : i32
      %dma_start3A_1052 = tpu.memref_slice %arg4[%dma_start3A_1051, %multiple_of3A_1045] : memref<32x1000001xf32, #tpu.memory_space<hbm>> -> memref<32x128xf32, #tpu.memory_space<hbm>>
      %dma_start3A_1053 = arith.constant 0 : i32
      %dma_start3A_1054 = arith.constant 0 : i32
      %dma_start3A_1055 = tpu.memref_slice %arg9[%dma_start3A_1046, %dma_start3A_1053, %dma_start3A_1054] : memref<16x32x128xf32, #tpu.memory_space<vmem>> -> memref<1x32x128xf32, #tpu.memory_space<vmem>>
      %dma_start3A_1056 = tpu.memref_squeeze %dma_start3A_1055 : memref<1x32x128xf32, #tpu.memory_space<vmem>> -> memref<32x128xf32, #tpu.memory_space<vmem>>
      %dma_start3A_1057 = arith.constant 0 : i32
      %dma_start3A_1058 = tpu.memref_slice %arg4[%dma_start3A_1057, %multiple_of3A_1045] : memref<32x1000001xf32, #tpu.memory_space<hbm>> -> memref<32x128xf32, #tpu.memory_space<hbm>>
      tpu.enqueue_dma source(%dma_start3A_1058 : memref<32x128xf32, #tpu.memory_space<hbm>>) target(%dma_start3A_1056 : memref<32x128xf32, #tpu.memory_space<vmem>>) target_semaphore(%arg15 : memref<!tpu.dma_semaphore, #tpu.memory_space<semaphore_mem>>)
      %slice3A_1059 = vector.extract_strided_slice %get3A_938 {offsets = [5], sizes = [1], strides = [1]} : vector<16xi32> to vector<1xi32>
      %squeeze3A_1060 = vector.extract %slice3A_1059[0] : i32 from vector<1xi32>
      %shift_right_logical3A_1061 = arith.constant 7 : i32
      %shift_right_logical3A_1062 = arith.shrui %squeeze3A_1060, %shift_right_logical3A_1061 : i32
      %ge3A_1063 = arith.constant 999936 : i32
      %ge3A_1064 = arith.cmpi sge, %squeeze3A_1060, %ge3A_1063 : i32
      %jit3A_1065 = arith.constant 0 : i32
      %select_n3A_1066 = arith.select %ge3A_1064, %jit3A_1065, %shift_right_logical3A_1062 : i32
      %mul3A_1067 = arith.constant 128 : i32
      %mul3A_1068 = arith.muli %select_n3A_1066, %mul3A_1067 : i32
      %multiple_of3A_1069 = tpu.assume_multiple %mul3A_1068, 128 : i32
      %dma_start3A_1070 = arith.constant 5 : i32
      %dma_start3A_1071 = arith.constant 0 : i32
      %dma_start3A_1072 = arith.constant 0 : i32
      %dma_start3A_1073 = tpu.memref_slice %arg9[%dma_start3A_1070, %dma_start3A_1071, %dma_start3A_1072] : memref<16x32x128xf32, #tpu.memory_space<vmem>> -> memref<1x32x128xf32, #tpu.memory_space<vmem>>
      %dma_start3A_1074 = tpu.memref_squeeze %dma_start3A_1073 : memref<1x32x128xf32, #tpu.memory_space<vmem>> -> memref<32x128xf32, #tpu.memory_space<vmem>>
      %dma_start3A_1075 = arith.constant 0 : i32
      %dma_start3A_1076 = tpu.memref_slice %arg4[%dma_start3A_1075, %multiple_of3A_1069] : memref<32x1000001xf32, #tpu.memory_space<hbm>> -> memref<32x128xf32, #tpu.memory_space<hbm>>
      %dma_start3A_1077 = arith.constant 0 : i32
      %dma_start3A_1078 = arith.constant 0 : i32
      %dma_start3A_1079 = tpu.memref_slice %arg9[%dma_start3A_1070, %dma_start3A_1077, %dma_start3A_1078] : memref<16x32x128xf32, #tpu.memory_space<vmem>> -> memref<1x32x128xf32, #tpu.memory_space<vmem>>
      %dma_start3A_1080 = tpu.memref_squeeze %dma_start3A_1079 : memref<1x32x128xf32, #tpu.memory_space<vmem>> -> memref<32x128xf32, #tpu.memory_space<vmem>>
      %dma_start3A_1081 = arith.constant 0 : i32
      %dma_start3A_1082 = tpu.memref_slice %arg4[%dma_start3A_1081, %multiple_of3A_1069] : memref<32x1000001xf32, #tpu.memory_space<hbm>> -> memref<32x128xf32, #tpu.memory_space<hbm>>
      tpu.enqueue_dma source(%dma_start3A_1082 : memref<32x128xf32, #tpu.memory_space<hbm>>) target(%dma_start3A_1080 : memref<32x128xf32, #tpu.memory_space<vmem>>) target_semaphore(%arg15 : memref<!tpu.dma_semaphore, #tpu.memory_space<semaphore_mem>>)
      %slice3A_1083 = vector.extract_strided_slice %get3A_938 {offsets = [6], sizes = [1], strides = [1]} : vector<16xi32> to vector<1xi32>
      %squeeze3A_1084 = vector.extract %slice3A_1083[0] : i32 from vector<1xi32>
      %shift_right_logical3A_1085 = arith.constant 7 : i32
      %shift_right_logical3A_1086 = arith.shrui %squeeze3A_1084, %shift_right_logical3A_1085 : i32
      %ge3A_1087 = arith.constant 999936 : i32
      %ge3A_1088 = arith.cmpi sge, %squeeze3A_1084, %ge3A_1087 : i32
      %jit3A_1089 = arith.constant 0 : i32
      %select_n3A_1090 = arith.select %ge3A_1088, %jit3A_1089, %shift_right_logical3A_1086 : i32
      %mul3A_1091 = arith.constant 128 : i32
      %mul3A_1092 = arith.muli %select_n3A_1090, %mul3A_1091 : i32
      %multiple_of3A_1093 = tpu.assume_multiple %mul3A_1092, 128 : i32
      %dma_start3A_1094 = arith.constant 6 : i32
      %dma_start3A_1095 = arith.constant 0 : i32
      %dma_start3A_1096 = arith.constant 0 : i32
      %dma_start3A_1097 = tpu.memref_slice %arg9[%dma_start3A_1094, %dma_start3A_1095, %dma_start3A_1096] : memref<16x32x128xf32, #tpu.memory_space<vmem>> -> memref<1x32x128xf32, #tpu.memory_space<vmem>>
      %dma_start3A_1098 = tpu.memref_squeeze %dma_start3A_1097 : memref<1x32x128xf32, #tpu.memory_space<vmem>> -> memref<32x128xf32, #tpu.memory_space<vmem>>
      %dma_start3A_1099 = arith.constant 0 : i32
      %dma_start3A_1100 = tpu.memref_slice %arg4[%dma_start3A_1099, %multiple_of3A_1093] : memref<32x1000001xf32, #tpu.memory_space<hbm>> -> memref<32x128xf32, #tpu.memory_space<hbm>>
      %dma_start3A_1101 = arith.constant 0 : i32
      %dma_start3A_1102 = arith.constant 0 : i32
      %dma_start3A_1103 = tpu.memref_slice %arg9[%dma_start3A_1094, %dma_start3A_1101, %dma_start3A_1102] : memref<16x32x128xf32, #tpu.memory_space<vmem>> -> memref<1x32x128xf32, #tpu.memory_space<vmem>>
      %dma_start3A_1104 = tpu.memref_squeeze %dma_start3A_1103 : memref<1x32x128xf32, #tpu.memory_space<vmem>> -> memref<32x128xf32, #tpu.memory_space<vmem>>
      %dma_start3A_1105 = arith.constant 0 : i32
      %dma_start3A_1106 = tpu.memref_slice %arg4[%dma_start3A_1105, %multiple_of3A_1093] : memref<32x1000001xf32, #tpu.memory_space<hbm>> -> memref<32x128xf32, #tpu.memory_space<hbm>>
      tpu.enqueue_dma source(%dma_start3A_1106 : memref<32x128xf32, #tpu.memory_space<hbm>>) target(%dma_start3A_1104 : memref<32x128xf32, #tpu.memory_space<vmem>>) target_semaphore(%arg15 : memref<!tpu.dma_semaphore, #tpu.memory_space<semaphore_mem>>)
      %slice3A_1107 = vector.extract_strided_slice %get3A_938 {offsets = [7], sizes = [1], strides = [1]} : vector<16xi32> to vector<1xi32>
      %squeeze3A_1108 = vector.extract %slice3A_1107[0] : i32 from vector<1xi32>
      %shift_right_logical3A_1109 = arith.constant 7 : i32
      %shift_right_logical3A_1110 = arith.shrui %squeeze3A_1108, %shift_right_logical3A_1109 : i32
      %ge3A_1111 = arith.constant 999936 : i32
      %ge3A_1112 = arith.cmpi sge, %squeeze3A_1108, %ge3A_1111 : i32
      %jit3A_1113 = arith.constant 0 : i32
      %select_n3A_1114 = arith.select %ge3A_1112, %jit3A_1113, %shift_right_logical3A_1110 : i32
      %mul3A_1115 = arith.constant 128 : i32
      %mul3A_1116 = arith.muli %select_n3A_1114, %mul3A_1115 : i32
      %multiple_of3A_1117 = tpu.assume_multiple %mul3A_1116, 128 : i32
      %dma_start3A_1118 = arith.constant 7 : i32
      %dma_start3A_1119 = arith.constant 0 : i32
      %dma_start3A_1120 = arith.constant 0 : i32
      %dma_start3A_1121 = tpu.memref_slice %arg9[%dma_start3A_1118, %dma_start3A_1119, %dma_start3A_1120] : memref<16x32x128xf32, #tpu.memory_space<vmem>> -> memref<1x32x128xf32, #tpu.memory_space<vmem>>
      %dma_start3A_1122 = tpu.memref_squeeze %dma_start3A_1121 : memref<1x32x128xf32, #tpu.memory_space<vmem>> -> memref<32x128xf32, #tpu.memory_space<vmem>>
      %dma_start3A_1123 = arith.constant 0 : i32
      %dma_start3A_1124 = tpu.memref_slice %arg4[%dma_start3A_1123, %multiple_of3A_1117] : memref<32x1000001xf32, #tpu.memory_space<hbm>> -> memref<32x128xf32, #tpu.memory_space<hbm>>
      %dma_start3A_1125 = arith.constant 0 : i32
      %dma_start3A_1126 = arith.constant 0 : i32
      %dma_start3A_1127 = tpu.memref_slice %arg9[%dma_start3A_1118, %dma_start3A_1125, %dma_start3A_1126] : memref<16x32x128xf32, #tpu.memory_space<vmem>> -> memref<1x32x128xf32, #tpu.memory_space<vmem>>
      %dma_start3A_1128 = tpu.memref_squeeze %dma_start3A_1127 : memref<1x32x128xf32, #tpu.memory_space<vmem>> -> memref<32x128xf32, #tpu.memory_space<vmem>>
      %dma_start3A_1129 = arith.constant 0 : i32
      %dma_start3A_1130 = tpu.memref_slice %arg4[%dma_start3A_1129, %multiple_of3A_1117] : memref<32x1000001xf32, #tpu.memory_space<hbm>> -> memref<32x128xf32, #tpu.memory_space<hbm>>
      tpu.enqueue_dma source(%dma_start3A_1130 : memref<32x128xf32, #tpu.memory_space<hbm>>) target(%dma_start3A_1128 : memref<32x128xf32, #tpu.memory_space<vmem>>) target_semaphore(%arg15 : memref<!tpu.dma_semaphore, #tpu.memory_space<semaphore_mem>>)
      %slice3A_1131 = vector.extract_strided_slice %get3A_938 {offsets = [8], sizes = [1], strides = [1]} : vector<16xi32> to vector<1xi32>
      %squeeze3A_1132 = vector.extract %slice3A_1131[0] : i32 from vector<1xi32>
      %shift_right_logical3A_1133 = arith.constant 7 : i32
      %shift_right_logical3A_1134 = arith.shrui %squeeze3A_1132, %shift_right_logical3A_1133 : i32
      %ge3A_1135 = arith.constant 999936 : i32
      %ge3A_1136 = arith.cmpi sge, %squeeze3A_1132, %ge3A_1135 : i32
      %jit3A_1137 = arith.constant 0 : i32
      %select_n3A_1138 = arith.select %ge3A_1136, %jit3A_1137, %shift_right_logical3A_1134 : i32
      %mul3A_1139 = arith.constant 128 : i32
      %mul3A_1140 = arith.muli %select_n3A_1138, %mul3A_1139 : i32
      %multiple_of3A_1141 = tpu.assume_multiple %mul3A_1140, 128 : i32
      %dma_start3A_1142 = arith.constant 8 : i32
      %dma_start3A_1143 = arith.constant 0 : i32
      %dma_start3A_1144 = arith.constant 0 : i32
      %dma_start3A_1145 = tpu.memref_slice %arg9[%dma_start3A_1142, %dma_start3A_1143, %dma_start3A_1144] : memref<16x32x128xf32, #tpu.memory_space<vmem>> -> memref<1x32x128xf32, #tpu.memory_space<vmem>>
      %dma_start3A_1146 = tpu.memref_squeeze %dma_start3A_1145 : memref<1x32x128xf32, #tpu.memory_space<vmem>> -> memref<32x128xf32, #tpu.memory_space<vmem>>
      %dma_start3A_1147 = arith.constant 0 : i32
      %dma_start3A_1148 = tpu.memref_slice %arg4[%dma_start3A_1147, %multiple_of3A_1141] : memref<32x1000001xf32, #tpu.memory_space<hbm>> -> memref<32x128xf32, #tpu.memory_space<hbm>>
      %dma_start3A_1149 = arith.constant 0 : i32
      %dma_start3A_1150 = arith.constant 0 : i32
      %dma_start3A_1151 = tpu.memref_slice %arg9[%dma_start3A_1142, %dma_start3A_1149, %dma_start3A_1150] : memref<16x32x128xf32, #tpu.memory_space<vmem>> -> memref<1x32x128xf32, #tpu.memory_space<vmem>>
      %dma_start3A_1152 = tpu.memref_squeeze %dma_start3A_1151 : memref<1x32x128xf32, #tpu.memory_space<vmem>> -> memref<32x128xf32, #tpu.memory_space<vmem>>
      %dma_start3A_1153 = arith.constant 0 : i32
      %dma_start3A_1154 = tpu.memref_slice %arg4[%dma_start3A_1153, %multiple_of3A_1141] : memref<32x1000001xf32, #tpu.memory_space<hbm>> -> memref<32x128xf32, #tpu.memory_space<hbm>>
      tpu.enqueue_dma source(%dma_start3A_1154 : memref<32x128xf32, #tpu.memory_space<hbm>>) target(%dma_start3A_1152 : memref<32x128xf32, #tpu.memory_space<vmem>>) target_semaphore(%arg15 : memref<!tpu.dma_semaphore, #tpu.memory_space<semaphore_mem>>)
      %slice3A_1155 = vector.extract_strided_slice %get3A_938 {offsets = [9], sizes = [1], strides = [1]} : vector<16xi32> to vector<1xi32>
      %squeeze3A_1156 = vector.extract %slice3A_1155[0] : i32 from vector<1xi32>
      %shift_right_logical3A_1157 = arith.constant 7 : i32
      %shift_right_logical3A_1158 = arith.shrui %squeeze3A_1156, %shift_right_logical3A_1157 : i32
      %ge3A_1159 = arith.constant 999936 : i32
      %ge3A_1160 = arith.cmpi sge, %squeeze3A_1156, %ge3A_1159 : i32
      %jit3A_1161 = arith.constant 0 : i32
      %select_n3A_1162 = arith.select %ge3A_1160, %jit3A_1161, %shift_right_logical3A_1158 : i32
      %mul3A_1163 = arith.constant 128 : i32
      %mul3A_1164 = arith.muli %select_n3A_1162, %mul3A_1163 : i32
      %multiple_of3A_1165 = tpu.assume_multiple %mul3A_1164, 128 : i32
      %dma_start3A_1166 = arith.constant 9 : i32
      %dma_start3A_1167 = arith.constant 0 : i32
      %dma_start3A_1168 = arith.constant 0 : i32
      %dma_start3A_1169 = tpu.memref_slice %arg9[%dma_start3A_1166, %dma_start3A_1167, %dma_start3A_1168] : memref<16x32x128xf32, #tpu.memory_space<vmem>> -> memref<1x32x128xf32, #tpu.memory_space<vmem>>
      %dma_start3A_1170 = tpu.memref_squeeze %dma_start3A_1169 : memref<1x32x128xf32, #tpu.memory_space<vmem>> -> memref<32x128xf32, #tpu.memory_space<vmem>>
      %dma_start3A_1171 = arith.constant 0 : i32
      %dma_start3A_1172 = tpu.memref_slice %arg4[%dma_start3A_1171, %multiple_of3A_1165] : memref<32x1000001xf32, #tpu.memory_space<hbm>> -> memref<32x128xf32, #tpu.memory_space<hbm>>
      %dma_start3A_1173 = arith.constant 0 : i32
      %dma_start3A_1174 = arith.constant 0 : i32
      %dma_start3A_1175 = tpu.memref_slice %arg9[%dma_start3A_1166, %dma_start3A_1173, %dma_start3A_1174] : memref<16x32x128xf32, #tpu.memory_space<vmem>> -> memref<1x32x128xf32, #tpu.memory_space<vmem>>
      %dma_start3A_1176 = tpu.memref_squeeze %dma_start3A_1175 : memref<1x32x128xf32, #tpu.memory_space<vmem>> -> memref<32x128xf32, #tpu.memory_space<vmem>>
      %dma_start3A_1177 = arith.constant 0 : i32
      %dma_start3A_1178 = tpu.memref_slice %arg4[%dma_start3A_1177, %multiple_of3A_1165] : memref<32x1000001xf32, #tpu.memory_space<hbm>> -> memref<32x128xf32, #tpu.memory_space<hbm>>
      tpu.enqueue_dma source(%dma_start3A_1178 : memref<32x128xf32, #tpu.memory_space<hbm>>) target(%dma_start3A_1176 : memref<32x128xf32, #tpu.memory_space<vmem>>) target_semaphore(%arg15 : memref<!tpu.dma_semaphore, #tpu.memory_space<semaphore_mem>>)
      %slice3A_1179 = vector.extract_strided_slice %get3A_938 {offsets = [10], sizes = [1], strides = [1]} : vector<16xi32> to vector<1xi32>
      %squeeze3A_1180 = vector.extract %slice3A_1179[0] : i32 from vector<1xi32>
      %shift_right_logical3A_1181 = arith.constant 7 : i32
      %shift_right_logical3A_1182 = arith.shrui %squeeze3A_1180, %shift_right_logical3A_1181 : i32
      %ge3A_1183 = arith.constant 999936 : i32
      %ge3A_1184 = arith.cmpi sge, %squeeze3A_1180, %ge3A_1183 : i32
      %jit3A_1185 = arith.constant 0 : i32
      %select_n3A_1186 = arith.select %ge3A_1184, %jit3A_1185, %shift_right_logical3A_1182 : i32
      %mul3A_1187 = arith.constant 128 : i32
      %mul3A_1188 = arith.muli %select_n3A_1186, %mul3A_1187 : i32
      %multiple_of3A_1189 = tpu.assume_multiple %mul3A_1188, 128 : i32
      %dma_start3A_1190 = arith.constant 10 : i32
      %dma_start3A_1191 = arith.constant 0 : i32
      %dma_start3A_1192 = arith.constant 0 : i32
      %dma_start3A_1193 = tpu.memref_slice %arg9[%dma_start3A_1190, %dma_start3A_1191, %dma_start3A_1192] : memref<16x32x128xf32, #tpu.memory_space<vmem>> -> memref<1x32x128xf32, #tpu.memory_space<vmem>>
      %dma_start3A_1194 = tpu.memref_squeeze %dma_start3A_1193 : memref<1x32x128xf32, #tpu.memory_space<vmem>> -> memref<32x128xf32, #tpu.memory_space<vmem>>
      %dma_start3A_1195 = arith.constant 0 : i32
      %dma_start3A_1196 = tpu.memref_slice %arg4[%dma_start3A_1195, %multiple_of3A_1189] : memref<32x1000001xf32, #tpu.memory_space<hbm>> -> memref<32x128xf32, #tpu.memory_space<hbm>>
      %dma_start3A_1197 = arith.constant 0 : i32
      %dma_start3A_1198 = arith.constant 0 : i32
      %dma_start3A_1199 = tpu.memref_slice %arg9[%dma_start3A_1190, %dma_start3A_1197, %dma_start3A_1198] : memref<16x32x128xf32, #tpu.memory_space<vmem>> -> memref<1x32x128xf32, #tpu.memory_space<vmem>>
      %dma_start3A_1200 = tpu.memref_squeeze %dma_start3A_1199 : memref<1x32x128xf32, #tpu.memory_space<vmem>> -> memref<32x128xf32, #tpu.memory_space<vmem>>
      %dma_start3A_1201 = arith.constant 0 : i32
      %dma_start3A_1202 = tpu.memref_slice %arg4[%dma_start3A_1201, %multiple_of3A_1189] : memref<32x1000001xf32, #tpu.memory_space<hbm>> -> memref<32x128xf32, #tpu.memory_space<hbm>>
      tpu.enqueue_dma source(%dma_start3A_1202 : memref<32x128xf32, #tpu.memory_space<hbm>>) target(%dma_start3A_1200 : memref<32x128xf32, #tpu.memory_space<vmem>>) target_semaphore(%arg15 : memref<!tpu.dma_semaphore, #tpu.memory_space<semaphore_mem>>)
      %slice3A_1203 = vector.extract_strided_slice %get3A_938 {offsets = [11], sizes = [1], strides = [1]} : vector<16xi32> to vector<1xi32>
      %squeeze3A_1204 = vector.extract %slice3A_1203[0] : i32 from vector<1xi32>
      %shift_right_logical3A_1205 = arith.constant 7 : i32
      %shift_right_logical3A_1206 = arith.shrui %squeeze3A_1204, %shift_right_logical3A_1205 : i32
      %ge3A_1207 = arith.constant 999936 : i32
      %ge3A_1208 = arith.cmpi sge, %squeeze3A_1204, %ge3A_1207 : i32
      %jit3A_1209 = arith.constant 0 : i32
      %select_n3A_1210 = arith.select %ge3A_1208, %jit3A_1209, %shift_right_logical3A_1206 : i32
      %mul3A_1211 = arith.constant 128 : i32
      %mul3A_1212 = arith.muli %select_n3A_1210, %mul3A_1211 : i32
      %multiple_of3A_1213 = tpu.assume_multiple %mul3A_1212, 128 : i32
      %dma_start3A_1214 = arith.constant 11 : i32
      %dma_start3A_1215 = arith.constant 0 : i32
      %dma_start3A_1216 = arith.constant 0 : i32
      %dma_start3A_1217 = tpu.memref_slice %arg9[%dma_start3A_1214, %dma_start3A_1215, %dma_start3A_1216] : memref<16x32x128xf32, #tpu.memory_space<vmem>> -> memref<1x32x128xf32, #tpu.memory_space<vmem>>
      %dma_start3A_1218 = tpu.memref_squeeze %dma_start3A_1217 : memref<1x32x128xf32, #tpu.memory_space<vmem>> -> memref<32x128xf32, #tpu.memory_space<vmem>>
      %dma_start3A_1219 = arith.constant 0 : i32
      %dma_start3A_1220 = tpu.memref_slice %arg4[%dma_start3A_1219, %multiple_of3A_1213] : memref<32x1000001xf32, #tpu.memory_space<hbm>> -> memref<32x128xf32, #tpu.memory_space<hbm>>
      %dma_start3A_1221 = arith.constant 0 : i32
      %dma_start3A_1222 = arith.constant 0 : i32
      %dma_start3A_1223 = tpu.memref_slice %arg9[%dma_start3A_1214, %dma_start3A_1221, %dma_start3A_1222] : memref<16x32x128xf32, #tpu.memory_space<vmem>> -> memref<1x32x128xf32, #tpu.memory_space<vmem>>
      %dma_start3A_1224 = tpu.memref_squeeze %dma_start3A_1223 : memref<1x32x128xf32, #tpu.memory_space<vmem>> -> memref<32x128xf32, #tpu.memory_space<vmem>>
      %dma_start3A_1225 = arith.constant 0 : i32
      %dma_start3A_1226 = tpu.memref_slice %arg4[%dma_start3A_1225, %multiple_of3A_1213] : memref<32x1000001xf32, #tpu.memory_space<hbm>> -> memref<32x128xf32, #tpu.memory_space<hbm>>
      tpu.enqueue_dma source(%dma_start3A_1226 : memref<32x128xf32, #tpu.memory_space<hbm>>) target(%dma_start3A_1224 : memref<32x128xf32, #tpu.memory_space<vmem>>) target_semaphore(%arg15 : memref<!tpu.dma_semaphore, #tpu.memory_space<semaphore_mem>>)
      %slice3A_1227 = vector.extract_strided_slice %get3A_938 {offsets = [12], sizes = [1], strides = [1]} : vector<16xi32> to vector<1xi32>
      %squeeze3A_1228 = vector.extract %slice3A_1227[0] : i32 from vector<1xi32>
      %shift_right_logical3A_1229 = arith.constant 7 : i32
      %shift_right_logical3A_1230 = arith.shrui %squeeze3A_1228, %shift_right_logical3A_1229 : i32
      %ge3A_1231 = arith.constant 999936 : i32
      %ge3A_1232 = arith.cmpi sge, %squeeze3A_1228, %ge3A_1231 : i32
      %jit3A_1233 = arith.constant 0 : i32
      %select_n3A_1234 = arith.select %ge3A_1232, %jit3A_1233, %shift_right_logical3A_1230 : i32
      %mul3A_1235 = arith.constant 128 : i32
      %mul3A_1236 = arith.muli %select_n3A_1234, %mul3A_1235 : i32
      %multiple_of3A_1237 = tpu.assume_multiple %mul3A_1236, 128 : i32
      %dma_start3A_1238 = arith.constant 12 : i32
      %dma_start3A_1239 = arith.constant 0 : i32
      %dma_start3A_1240 = arith.constant 0 : i32
      %dma_start3A_1241 = tpu.memref_slice %arg9[%dma_start3A_1238, %dma_start3A_1239, %dma_start3A_1240] : memref<16x32x128xf32, #tpu.memory_space<vmem>> -> memref<1x32x128xf32, #tpu.memory_space<vmem>>
      %dma_start3A_1242 = tpu.memref_squeeze %dma_start3A_1241 : memref<1x32x128xf32, #tpu.memory_space<vmem>> -> memref<32x128xf32, #tpu.memory_space<vmem>>
      %dma_start3A_1243 = arith.constant 0 : i32
      %dma_start3A_1244 = tpu.memref_slice %arg4[%dma_start3A_1243, %multiple_of3A_1237] : memref<32x1000001xf32, #tpu.memory_space<hbm>> -> memref<32x128xf32, #tpu.memory_space<hbm>>
      %dma_start3A_1245 = arith.constant 0 : i32
      %dma_start3A_1246 = arith.constant 0 : i32
      %dma_start3A_1247 = tpu.memref_slice %arg9[%dma_start3A_1238, %dma_start3A_1245, %dma_start3A_1246] : memref<16x32x128xf32, #tpu.memory_space<vmem>> -> memref<1x32x128xf32, #tpu.memory_space<vmem>>
      %dma_start3A_1248 = tpu.memref_squeeze %dma_start3A_1247 : memref<1x32x128xf32, #tpu.memory_space<vmem>> -> memref<32x128xf32, #tpu.memory_space<vmem>>
      %dma_start3A_1249 = arith.constant 0 : i32
      %dma_start3A_1250 = tpu.memref_slice %arg4[%dma_start3A_1249, %multiple_of3A_1237] : memref<32x1000001xf32, #tpu.memory_space<hbm>> -> memref<32x128xf32, #tpu.memory_space<hbm>>
      tpu.enqueue_dma source(%dma_start3A_1250 : memref<32x128xf32, #tpu.memory_space<hbm>>) target(%dma_start3A_1248 : memref<32x128xf32, #tpu.memory_space<vmem>>) target_semaphore(%arg15 : memref<!tpu.dma_semaphore, #tpu.memory_space<semaphore_mem>>)
      %slice3A_1251 = vector.extract_strided_slice %get3A_938 {offsets = [13], sizes = [1], strides = [1]} : vector<16xi32> to vector<1xi32>
      %squeeze3A_1252 = vector.extract %slice3A_1251[0] : i32 from vector<1xi32>
      %shift_right_logical3A_1253 = arith.constant 7 : i32
      %shift_right_logical3A_1254 = arith.shrui %squeeze3A_1252, %shift_right_logical3A_1253 : i32
      %ge3A_1255 = arith.constant 999936 : i32
      %ge3A_1256 = arith.cmpi sge, %squeeze3A_1252, %ge3A_1255 : i32
      %jit3A_1257 = arith.constant 0 : i32
      %select_n3A_1258 = arith.select %ge3A_1256, %jit3A_1257, %shift_right_logical3A_1254 : i32
      %mul3A_1259 = arith.constant 128 : i32
      %mul3A_1260 = arith.muli %select_n3A_1258, %mul3A_1259 : i32
      %multiple_of3A_1261 = tpu.assume_multiple %mul3A_1260, 128 : i32
      %dma_start3A_1262 = arith.constant 13 : i32
      %dma_start3A_1263 = arith.constant 0 : i32
      %dma_start3A_1264 = arith.constant 0 : i32
      %dma_start3A_1265 = tpu.memref_slice %arg9[%dma_start3A_1262, %dma_start3A_1263, %dma_start3A_1264] : memref<16x32x128xf32, #tpu.memory_space<vmem>> -> memref<1x32x128xf32, #tpu.memory_space<vmem>>
      %dma_start3A_1266 = tpu.memref_squeeze %dma_start3A_1265 : memref<1x32x128xf32, #tpu.memory_space<vmem>> -> memref<32x128xf32, #tpu.memory_space<vmem>>
      %dma_start3A_1267 = arith.constant 0 : i32
      %dma_start3A_1268 = tpu.memref_slice %arg4[%dma_start3A_1267, %multiple_of3A_1261] : memref<32x1000001xf32, #tpu.memory_space<hbm>> -> memref<32x128xf32, #tpu.memory_space<hbm>>
      %dma_start3A_1269 = arith.constant 0 : i32
      %dma_start3A_1270 = arith.constant 0 : i32
      %dma_start3A_1271 = tpu.memref_slice %arg9[%dma_start3A_1262, %dma_start3A_1269, %dma_start3A_1270] : memref<16x32x128xf32, #tpu.memory_space<vmem>> -> memref<1x32x128xf32, #tpu.memory_space<vmem>>
      %dma_start3A_1272 = tpu.memref_squeeze %dma_start3A_1271 : memref<1x32x128xf32, #tpu.memory_space<vmem>> -> memref<32x128xf32, #tpu.memory_space<vmem>>
      %dma_start3A_1273 = arith.constant 0 : i32
      %dma_start3A_1274 = tpu.memref_slice %arg4[%dma_start3A_1273, %multiple_of3A_1261] : memref<32x1000001xf32, #tpu.memory_space<hbm>> -> memref<32x128xf32, #tpu.memory_space<hbm>>
      tpu.enqueue_dma source(%dma_start3A_1274 : memref<32x128xf32, #tpu.memory_space<hbm>>) target(%dma_start3A_1272 : memref<32x128xf32, #tpu.memory_space<vmem>>) target_semaphore(%arg15 : memref<!tpu.dma_semaphore, #tpu.memory_space<semaphore_mem>>)
      %slice3A_1275 = vector.extract_strided_slice %get3A_938 {offsets = [14], sizes = [1], strides = [1]} : vector<16xi32> to vector<1xi32>
      %squeeze3A_1276 = vector.extract %slice3A_1275[0] : i32 from vector<1xi32>
      %shift_right_logical3A_1277 = arith.constant 7 : i32
      %shift_right_logical3A_1278 = arith.shrui %squeeze3A_1276, %shift_right_logical3A_1277 : i32
      %ge3A_1279 = arith.constant 999936 : i32
      %ge3A_1280 = arith.cmpi sge, %squeeze3A_1276, %ge3A_1279 : i32
      %jit3A_1281 = arith.constant 0 : i32
      %select_n3A_1282 = arith.select %ge3A_1280, %jit3A_1281, %shift_right_logical3A_1278 : i32
      %mul3A_1283 = arith.constant 128 : i32
      %mul3A_1284 = arith.muli %select_n3A_1282, %mul3A_1283 : i32
      %multiple_of3A_1285 = tpu.assume_multiple %mul3A_1284, 128 : i32
      %dma_start3A_1286 = arith.constant 14 : i32
      %dma_start3A_1287 = arith.constant 0 : i32
      %dma_start3A_1288 = arith.constant 0 : i32
      %dma_start3A_1289 = tpu.memref_slice %arg9[%dma_start3A_1286, %dma_start3A_1287, %dma_start3A_1288] : memref<16x32x128xf32, #tpu.memory_space<vmem>> -> memref<1x32x128xf32, #tpu.memory_space<vmem>>
      %dma_start3A_1290 = tpu.memref_squeeze %dma_start3A_1289 : memref<1x32x128xf32, #tpu.memory_space<vmem>> -> memref<32x128xf32, #tpu.memory_space<vmem>>
      %dma_start3A_1291 = arith.constant 0 : i32
      %dma_start3A_1292 = tpu.memref_slice %arg4[%dma_start3A_1291, %multiple_of3A_1285] : memref<32x1000001xf32, #tpu.memory_space<hbm>> -> memref<32x128xf32, #tpu.memory_space<hbm>>
      %dma_start3A_1293 = arith.constant 0 : i32
      %dma_start3A_1294 = arith.constant 0 : i32
      %dma_start3A_1295 = tpu.memref_slice %arg9[%dma_start3A_1286, %dma_start3A_1293, %dma_start3A_1294] : memref<16x32x128xf32, #tpu.memory_space<vmem>> -> memref<1x32x128xf32, #tpu.memory_space<vmem>>
      %dma_start3A_1296 = tpu.memref_squeeze %dma_start3A_1295 : memref<1x32x128xf32, #tpu.memory_space<vmem>> -> memref<32x128xf32, #tpu.memory_space<vmem>>
      %dma_start3A_1297 = arith.constant 0 : i32
      %dma_start3A_1298 = tpu.memref_slice %arg4[%dma_start3A_1297, %multiple_of3A_1285] : memref<32x1000001xf32, #tpu.memory_space<hbm>> -> memref<32x128xf32, #tpu.memory_space<hbm>>
      tpu.enqueue_dma source(%dma_start3A_1298 : memref<32x128xf32, #tpu.memory_space<hbm>>) target(%dma_start3A_1296 : memref<32x128xf32, #tpu.memory_space<vmem>>) target_semaphore(%arg15 : memref<!tpu.dma_semaphore, #tpu.memory_space<semaphore_mem>>)
      %slice3A_1299 = vector.extract_strided_slice %get3A_938 {offsets = [15], sizes = [1], strides = [1]} : vector<16xi32> to vector<1xi32>
      %squeeze3A_1300 = vector.extract %slice3A_1299[0] : i32 from vector<1xi32>
      %shift_right_logical3A_1301 = arith.constant 7 : i32
      %shift_right_logical3A_1302 = arith.shrui %squeeze3A_1300, %shift_right_logical3A_1301 : i32
      %ge3A_1303 = arith.constant 999936 : i32
      %ge3A_1304 = arith.cmpi sge, %squeeze3A_1300, %ge3A_1303 : i32
      %jit3A_1305 = arith.constant 0 : i32
      %select_n3A_1306 = arith.select %ge3A_1304, %jit3A_1305, %shift_right_logical3A_1302 : i32
      %mul3A_1307 = arith.constant 128 : i32
      %mul3A_1308 = arith.muli %select_n3A_1306, %mul3A_1307 : i32
      %multiple_of3A_1309 = tpu.assume_multiple %mul3A_1308, 128 : i32
      %dma_start3A_1310 = arith.constant 15 : i32
      %dma_start3A_1311 = arith.constant 0 : i32
      %dma_start3A_1312 = arith.constant 0 : i32
      %dma_start3A_1313 = tpu.memref_slice %arg9[%dma_start3A_1310, %dma_start3A_1311, %dma_start3A_1312] : memref<16x32x128xf32, #tpu.memory_space<vmem>> -> memref<1x32x128xf32, #tpu.memory_space<vmem>>
      %dma_start3A_1314 = tpu.memref_squeeze %dma_start3A_1313 : memref<1x32x128xf32, #tpu.memory_space<vmem>> -> memref<32x128xf32, #tpu.memory_space<vmem>>
      %dma_start3A_1315 = arith.constant 0 : i32
      %dma_start3A_1316 = tpu.memref_slice %arg4[%dma_start3A_1315, %multiple_of3A_1309] : memref<32x1000001xf32, #tpu.memory_space<hbm>> -> memref<32x128xf32, #tpu.memory_space<hbm>>
      %dma_start3A_1317 = arith.constant 0 : i32
      %dma_start3A_1318 = arith.constant 0 : i32
      %dma_start3A_1319 = tpu.memref_slice %arg9[%dma_start3A_1310, %dma_start3A_1317, %dma_start3A_1318] : memref<16x32x128xf32, #tpu.memory_space<vmem>> -> memref<1x32x128xf32, #tpu.memory_space<vmem>>
      %dma_start3A_1320 = tpu.memref_squeeze %dma_start3A_1319 : memref<1x32x128xf32, #tpu.memory_space<vmem>> -> memref<32x128xf32, #tpu.memory_space<vmem>>
      %dma_start3A_1321 = arith.constant 0 : i32
      %dma_start3A_1322 = tpu.memref_slice %arg4[%dma_start3A_1321, %multiple_of3A_1309] : memref<32x1000001xf32, #tpu.memory_space<hbm>> -> memref<32x128xf32, #tpu.memory_space<hbm>>
      tpu.enqueue_dma source(%dma_start3A_1322 : memref<32x128xf32, #tpu.memory_space<hbm>>) target(%dma_start3A_1320 : memref<32x128xf32, #tpu.memory_space<vmem>>) target_semaphore(%arg15 : memref<!tpu.dma_semaphore, #tpu.memory_space<semaphore_mem>>)
      %dma_wait3A_1323 = arith.constant 0 : i32
      %dma_wait3A_1324 = arith.constant 0 : i32
      %dma_wait3A_1325 = arith.constant 0 : i32
      %dma_wait3A_1326 = tpu.memref_slice %arg9[%dma_wait3A_1323, %dma_wait3A_1324, %dma_wait3A_1325] : memref<16x32x128xf32, #tpu.memory_space<vmem>> -> memref<1x32x128xf32, #tpu.memory_space<vmem>>
      %dma_wait3A_1327 = tpu.memref_squeeze %dma_wait3A_1326 : memref<1x32x128xf32, #tpu.memory_space<vmem>> -> memref<32x128xf32, #tpu.memory_space<vmem>>
      %dma_wait3A_1328 = arith.constant 0 : i32
      %dma_wait3A_1329 = arith.constant 0 : i32
      %dma_wait3A_1330 = tpu.memref_slice %arg4[%dma_wait3A_1328, %dma_wait3A_1329] : memref<32x1000001xf32, #tpu.memory_space<hbm>> -> memref<32x128xf32, #tpu.memory_space<hbm>>
      %dma_wait3A_1331 = arith.constant 0 : i32
      %dma_wait3A_1332 = arith.constant 0 : i32
      %dma_wait3A_1333 = tpu.memref_slice %arg9[%dma_wait3A_1323, %dma_wait3A_1331, %dma_wait3A_1332] : memref<16x32x128xf32, #tpu.memory_space<vmem>> -> memref<1x32x128xf32, #tpu.memory_space<vmem>>
      %dma_wait3A_1334 = tpu.memref_squeeze %dma_wait3A_1333 : memref<1x32x128xf32, #tpu.memory_space<vmem>> -> memref<32x128xf32, #tpu.memory_space<vmem>>
      %dma_wait3A_1335 = arith.constant 0 : i32
      %dma_wait3A_1336 = arith.constant 0 : i32
      %dma_wait3A_1337 = tpu.memref_slice %arg4[%dma_wait3A_1335, %dma_wait3A_1336] : memref<32x1000001xf32, #tpu.memory_space<hbm>> -> memref<32x128xf32, #tpu.memory_space<hbm>>
      tpu.wait_dma2 semaphore(%arg15 : memref<!tpu.dma_semaphore, #tpu.memory_space<semaphore_mem>>) src(%dma_wait3A_1337 : memref<32x128xf32, #tpu.memory_space<hbm>>) dst(%dma_wait3A_1334 : memref<32x128xf32, #tpu.memory_space<vmem>>)
      %dma_wait3A_1338 = arith.constant 1 : i32
      %dma_wait3A_1339 = arith.constant 0 : i32
      %dma_wait3A_1340 = arith.constant 0 : i32
      %dma_wait3A_1341 = tpu.memref_slice %arg9[%dma_wait3A_1338, %dma_wait3A_1339, %dma_wait3A_1340] : memref<16x32x128xf32, #tpu.memory_space<vmem>> -> memref<1x32x128xf32, #tpu.memory_space<vmem>>
      %dma_wait3A_1342 = tpu.memref_squeeze %dma_wait3A_1341 : memref<1x32x128xf32, #tpu.memory_space<vmem>> -> memref<32x128xf32, #tpu.memory_space<vmem>>
      %dma_wait3A_1343 = arith.constant 0 : i32
      %dma_wait3A_1344 = arith.constant 0 : i32
      %dma_wait3A_1345 = tpu.memref_slice %arg4[%dma_wait3A_1343, %dma_wait3A_1344] : memref<32x1000001xf32, #tpu.memory_space<hbm>> -> memref<32x128xf32, #tpu.memory_space<hbm>>
      %dma_wait3A_1346 = arith.constant 0 : i32
      %dma_wait3A_1347 = arith.constant 0 : i32
      %dma_wait3A_1348 = tpu.memref_slice %arg9[%dma_wait3A_1338, %dma_wait3A_1346, %dma_wait3A_1347] : memref<16x32x128xf32, #tpu.memory_space<vmem>> -> memref<1x32x128xf32, #tpu.memory_space<vmem>>
      %dma_wait3A_1349 = tpu.memref_squeeze %dma_wait3A_1348 : memref<1x32x128xf32, #tpu.memory_space<vmem>> -> memref<32x128xf32, #tpu.memory_space<vmem>>
      %dma_wait3A_1350 = arith.constant 0 : i32
      %dma_wait3A_1351 = arith.constant 0 : i32
      %dma_wait3A_1352 = tpu.memref_slice %arg4[%dma_wait3A_1350, %dma_wait3A_1351] : memref<32x1000001xf32, #tpu.memory_space<hbm>> -> memref<32x128xf32, #tpu.memory_space<hbm>>
      tpu.wait_dma2 semaphore(%arg15 : memref<!tpu.dma_semaphore, #tpu.memory_space<semaphore_mem>>) src(%dma_wait3A_1352 : memref<32x128xf32, #tpu.memory_space<hbm>>) dst(%dma_wait3A_1349 : memref<32x128xf32, #tpu.memory_space<vmem>>)
      %dma_wait3A_1353 = arith.constant 2 : i32
      %dma_wait3A_1354 = arith.constant 0 : i32
      %dma_wait3A_1355 = arith.constant 0 : i32
      %dma_wait3A_1356 = tpu.memref_slice %arg9[%dma_wait3A_1353, %dma_wait3A_1354, %dma_wait3A_1355] : memref<16x32x128xf32, #tpu.memory_space<vmem>> -> memref<1x32x128xf32, #tpu.memory_space<vmem>>
      %dma_wait3A_1357 = tpu.memref_squeeze %dma_wait3A_1356 : memref<1x32x128xf32, #tpu.memory_space<vmem>> -> memref<32x128xf32, #tpu.memory_space<vmem>>
      %dma_wait3A_1358 = arith.constant 0 : i32
      %dma_wait3A_1359 = arith.constant 0 : i32
      %dma_wait3A_1360 = tpu.memref_slice %arg4[%dma_wait3A_1358, %dma_wait3A_1359] : memref<32x1000001xf32, #tpu.memory_space<hbm>> -> memref<32x128xf32, #tpu.memory_space<hbm>>
      %dma_wait3A_1361 = arith.constant 0 : i32
      %dma_wait3A_1362 = arith.constant 0 : i32
      %dma_wait3A_1363 = tpu.memref_slice %arg9[%dma_wait3A_1353, %dma_wait3A_1361, %dma_wait3A_1362] : memref<16x32x128xf32, #tpu.memory_space<vmem>> -> memref<1x32x128xf32, #tpu.memory_space<vmem>>
      %dma_wait3A_1364 = tpu.memref_squeeze %dma_wait3A_1363 : memref<1x32x128xf32, #tpu.memory_space<vmem>> -> memref<32x128xf32, #tpu.memory_space<vmem>>
      %dma_wait3A_1365 = arith.constant 0 : i32
      %dma_wait3A_1366 = arith.constant 0 : i32
      %dma_wait3A_1367 = tpu.memref_slice %arg4[%dma_wait3A_1365, %dma_wait3A_1366] : memref<32x1000001xf32, #tpu.memory_space<hbm>> -> memref<32x128xf32, #tpu.memory_space<hbm>>
      tpu.wait_dma2 semaphore(%arg15 : memref<!tpu.dma_semaphore, #tpu.memory_space<semaphore_mem>>) src(%dma_wait3A_1367 : memref<32x128xf32, #tpu.memory_space<hbm>>) dst(%dma_wait3A_1364 : memref<32x128xf32, #tpu.memory_space<vmem>>)
      %dma_wait3A_1368 = arith.constant 3 : i32
      %dma_wait3A_1369 = arith.constant 0 : i32
      %dma_wait3A_1370 = arith.constant 0 : i32
      %dma_wait3A_1371 = tpu.memref_slice %arg9[%dma_wait3A_1368, %dma_wait3A_1369, %dma_wait3A_1370] : memref<16x32x128xf32, #tpu.memory_space<vmem>> -> memref<1x32x128xf32, #tpu.memory_space<vmem>>
      %dma_wait3A_1372 = tpu.memref_squeeze %dma_wait3A_1371 : memref<1x32x128xf32, #tpu.memory_space<vmem>> -> memref<32x128xf32, #tpu.memory_space<vmem>>
      %dma_wait3A_1373 = arith.constant 0 : i32
      %dma_wait3A_1374 = arith.constant 0 : i32
      %dma_wait3A_1375 = tpu.memref_slice %arg4[%dma_wait3A_1373, %dma_wait3A_1374] : memref<32x1000001xf32, #tpu.memory_space<hbm>> -> memref<32x128xf32, #tpu.memory_space<hbm>>
      %dma_wait3A_1376 = arith.constant 0 : i32
      %dma_wait3A_1377 = arith.constant 0 : i32
      %dma_wait3A_1378 = tpu.memref_slice %arg9[%dma_wait3A_1368, %dma_wait3A_1376, %dma_wait3A_1377] : memref<16x32x128xf32, #tpu.memory_space<vmem>> -> memref<1x32x128xf32, #tpu.memory_space<vmem>>
      %dma_wait3A_1379 = tpu.memref_squeeze %dma_wait3A_1378 : memref<1x32x128xf32, #tpu.memory_space<vmem>> -> memref<32x128xf32, #tpu.memory_space<vmem>>
      %dma_wait3A_1380 = arith.constant 0 : i32
      %dma_wait3A_1381 = arith.constant 0 : i32
      %dma_wait3A_1382 = tpu.memref_slice %arg4[%dma_wait3A_1380, %dma_wait3A_1381] : memref<32x1000001xf32, #tpu.memory_space<hbm>> -> memref<32x128xf32, #tpu.memory_space<hbm>>
      tpu.wait_dma2 semaphore(%arg15 : memref<!tpu.dma_semaphore, #tpu.memory_space<semaphore_mem>>) src(%dma_wait3A_1382 : memref<32x128xf32, #tpu.memory_space<hbm>>) dst(%dma_wait3A_1379 : memref<32x128xf32, #tpu.memory_space<vmem>>)
      %dma_wait3A_1383 = arith.constant 4 : i32
      %dma_wait3A_1384 = arith.constant 0 : i32
      %dma_wait3A_1385 = arith.constant 0 : i32
      %dma_wait3A_1386 = tpu.memref_slice %arg9[%dma_wait3A_1383, %dma_wait3A_1384, %dma_wait3A_1385] : memref<16x32x128xf32, #tpu.memory_space<vmem>> -> memref<1x32x128xf32, #tpu.memory_space<vmem>>
      %dma_wait3A_1387 = tpu.memref_squeeze %dma_wait3A_1386 : memref<1x32x128xf32, #tpu.memory_space<vmem>> -> memref<32x128xf32, #tpu.memory_space<vmem>>
      %dma_wait3A_1388 = arith.constant 0 : i32
      %dma_wait3A_1389 = arith.constant 0 : i32
      %dma_wait3A_1390 = tpu.memref_slice %arg4[%dma_wait3A_1388, %dma_wait3A_1389] : memref<32x1000001xf32, #tpu.memory_space<hbm>> -> memref<32x128xf32, #tpu.memory_space<hbm>>
      %dma_wait3A_1391 = arith.constant 0 : i32
      %dma_wait3A_1392 = arith.constant 0 : i32
      %dma_wait3A_1393 = tpu.memref_slice %arg9[%dma_wait3A_1383, %dma_wait3A_1391, %dma_wait3A_1392] : memref<16x32x128xf32, #tpu.memory_space<vmem>> -> memref<1x32x128xf32, #tpu.memory_space<vmem>>
      %dma_wait3A_1394 = tpu.memref_squeeze %dma_wait3A_1393 : memref<1x32x128xf32, #tpu.memory_space<vmem>> -> memref<32x128xf32, #tpu.memory_space<vmem>>
      %dma_wait3A_1395 = arith.constant 0 : i32
      %dma_wait3A_1396 = arith.constant 0 : i32
      %dma_wait3A_1397 = tpu.memref_slice %arg4[%dma_wait3A_1395, %dma_wait3A_1396] : memref<32x1000001xf32, #tpu.memory_space<hbm>> -> memref<32x128xf32, #tpu.memory_space<hbm>>
      tpu.wait_dma2 semaphore(%arg15 : memref<!tpu.dma_semaphore, #tpu.memory_space<semaphore_mem>>) src(%dma_wait3A_1397 : memref<32x128xf32, #tpu.memory_space<hbm>>) dst(%dma_wait3A_1394 : memref<32x128xf32, #tpu.memory_space<vmem>>)
      %dma_wait3A_1398 = arith.constant 5 : i32
      %dma_wait3A_1399 = arith.constant 0 : i32
      %dma_wait3A_1400 = arith.constant 0 : i32
      %dma_wait3A_1401 = tpu.memref_slice %arg9[%dma_wait3A_1398, %dma_wait3A_1399, %dma_wait3A_1400] : memref<16x32x128xf32, #tpu.memory_space<vmem>> -> memref<1x32x128xf32, #tpu.memory_space<vmem>>
      %dma_wait3A_1402 = tpu.memref_squeeze %dma_wait3A_1401 : memref<1x32x128xf32, #tpu.memory_space<vmem>> -> memref<32x128xf32, #tpu.memory_space<vmem>>
      %dma_wait3A_1403 = arith.constant 0 : i32
      %dma_wait3A_1404 = arith.constant 0 : i32
      %dma_wait3A_1405 = tpu.memref_slice %arg4[%dma_wait3A_1403, %dma_wait3A_1404] : memref<32x1000001xf32, #tpu.memory_space<hbm>> -> memref<32x128xf32, #tpu.memory_space<hbm>>
      %dma_wait3A_1406 = arith.constant 0 : i32
      %dma_wait3A_1407 = arith.constant 0 : i32
      %dma_wait3A_1408 = tpu.memref_slice %arg9[%dma_wait3A_1398, %dma_wait3A_1406, %dma_wait3A_1407] : memref<16x32x128xf32, #tpu.memory_space<vmem>> -> memref<1x32x128xf32, #tpu.memory_space<vmem>>
      %dma_wait3A_1409 = tpu.memref_squeeze %dma_wait3A_1408 : memref<1x32x128xf32, #tpu.memory_space<vmem>> -> memref<32x128xf32, #tpu.memory_space<vmem>>
      %dma_wait3A_1410 = arith.constant 0 : i32
      %dma_wait3A_1411 = arith.constant 0 : i32
      %dma_wait3A_1412 = tpu.memref_slice %arg4[%dma_wait3A_1410, %dma_wait3A_1411] : memref<32x1000001xf32, #tpu.memory_space<hbm>> -> memref<32x128xf32, #tpu.memory_space<hbm>>
      tpu.wait_dma2 semaphore(%arg15 : memref<!tpu.dma_semaphore, #tpu.memory_space<semaphore_mem>>) src(%dma_wait3A_1412 : memref<32x128xf32, #tpu.memory_space<hbm>>) dst(%dma_wait3A_1409 : memref<32x128xf32, #tpu.memory_space<vmem>>)
      %dma_wait3A_1413 = arith.constant 6 : i32
      %dma_wait3A_1414 = arith.constant 0 : i32
      %dma_wait3A_1415 = arith.constant 0 : i32
      %dma_wait3A_1416 = tpu.memref_slice %arg9[%dma_wait3A_1413, %dma_wait3A_1414, %dma_wait3A_1415] : memref<16x32x128xf32, #tpu.memory_space<vmem>> -> memref<1x32x128xf32, #tpu.memory_space<vmem>>
      %dma_wait3A_1417 = tpu.memref_squeeze %dma_wait3A_1416 : memref<1x32x128xf32, #tpu.memory_space<vmem>> -> memref<32x128xf32, #tpu.memory_space<vmem>>
      %dma_wait3A_1418 = arith.constant 0 : i32
      %dma_wait3A_1419 = arith.constant 0 : i32
      %dma_wait3A_1420 = tpu.memref_slice %arg4[%dma_wait3A_1418, %dma_wait3A_1419] : memref<32x1000001xf32, #tpu.memory_space<hbm>> -> memref<32x128xf32, #tpu.memory_space<hbm>>
      %dma_wait3A_1421 = arith.constant 0 : i32
      %dma_wait3A_1422 = arith.constant 0 : i32
      %dma_wait3A_1423 = tpu.memref_slice %arg9[%dma_wait3A_1413, %dma_wait3A_1421, %dma_wait3A_1422] : memref<16x32x128xf32, #tpu.memory_space<vmem>> -> memref<1x32x128xf32, #tpu.memory_space<vmem>>
      %dma_wait3A_1424 = tpu.memref_squeeze %dma_wait3A_1423 : memref<1x32x128xf32, #tpu.memory_space<vmem>> -> memref<32x128xf32, #tpu.memory_space<vmem>>
      %dma_wait3A_1425 = arith.constant 0 : i32
      %dma_wait3A_1426 = arith.constant 0 : i32
      %dma_wait3A_1427 = tpu.memref_slice %arg4[%dma_wait3A_1425, %dma_wait3A_1426] : memref<32x1000001xf32, #tpu.memory_space<hbm>> -> memref<32x128xf32, #tpu.memory_space<hbm>>
      tpu.wait_dma2 semaphore(%arg15 : memref<!tpu.dma_semaphore, #tpu.memory_space<semaphore_mem>>) src(%dma_wait3A_1427 : memref<32x128xf32, #tpu.memory_space<hbm>>) dst(%dma_wait3A_1424 : memref<32x128xf32, #tpu.memory_space<vmem>>)
      %dma_wait3A_1428 = arith.constant 7 : i32
      %dma_wait3A_1429 = arith.constant 0 : i32
      %dma_wait3A_1430 = arith.constant 0 : i32
      %dma_wait3A_1431 = tpu.memref_slice %arg9[%dma_wait3A_1428, %dma_wait3A_1429, %dma_wait3A_1430] : memref<16x32x128xf32, #tpu.memory_space<vmem>> -> memref<1x32x128xf32, #tpu.memory_space<vmem>>
      %dma_wait3A_1432 = tpu.memref_squeeze %dma_wait3A_1431 : memref<1x32x128xf32, #tpu.memory_space<vmem>> -> memref<32x128xf32, #tpu.memory_space<vmem>>
      %dma_wait3A_1433 = arith.constant 0 : i32
      %dma_wait3A_1434 = arith.constant 0 : i32
      %dma_wait3A_1435 = tpu.memref_slice %arg4[%dma_wait3A_1433, %dma_wait3A_1434] : memref<32x1000001xf32, #tpu.memory_space<hbm>> -> memref<32x128xf32, #tpu.memory_space<hbm>>
      %dma_wait3A_1436 = arith.constant 0 : i32
      %dma_wait3A_1437 = arith.constant 0 : i32
      %dma_wait3A_1438 = tpu.memref_slice %arg9[%dma_wait3A_1428, %dma_wait3A_1436, %dma_wait3A_1437] : memref<16x32x128xf32, #tpu.memory_space<vmem>> -> memref<1x32x128xf32, #tpu.memory_space<vmem>>
      %dma_wait3A_1439 = tpu.memref_squeeze %dma_wait3A_1438 : memref<1x32x128xf32, #tpu.memory_space<vmem>> -> memref<32x128xf32, #tpu.memory_space<vmem>>
      %dma_wait3A_1440 = arith.constant 0 : i32
      %dma_wait3A_1441 = arith.constant 0 : i32
      %dma_wait3A_1442 = tpu.memref_slice %arg4[%dma_wait3A_1440, %dma_wait3A_1441] : memref<32x1000001xf32, #tpu.memory_space<hbm>> -> memref<32x128xf32, #tpu.memory_space<hbm>>
      tpu.wait_dma2 semaphore(%arg15 : memref<!tpu.dma_semaphore, #tpu.memory_space<semaphore_mem>>) src(%dma_wait3A_1442 : memref<32x128xf32, #tpu.memory_space<hbm>>) dst(%dma_wait3A_1439 : memref<32x128xf32, #tpu.memory_space<vmem>>)
      %dma_wait3A_1443 = arith.constant 8 : i32
      %dma_wait3A_1444 = arith.constant 0 : i32
      %dma_wait3A_1445 = arith.constant 0 : i32
      %dma_wait3A_1446 = tpu.memref_slice %arg9[%dma_wait3A_1443, %dma_wait3A_1444, %dma_wait3A_1445] : memref<16x32x128xf32, #tpu.memory_space<vmem>> -> memref<1x32x128xf32, #tpu.memory_space<vmem>>
      %dma_wait3A_1447 = tpu.memref_squeeze %dma_wait3A_1446 : memref<1x32x128xf32, #tpu.memory_space<vmem>> -> memref<32x128xf32, #tpu.memory_space<vmem>>
      %dma_wait3A_1448 = arith.constant 0 : i32
      %dma_wait3A_1449 = arith.constant 0 : i32
      %dma_wait3A_1450 = tpu.memref_slice %arg4[%dma_wait3A_1448, %dma_wait3A_1449] : memref<32x1000001xf32, #tpu.memory_space<hbm>> -> memref<32x128xf32, #tpu.memory_space<hbm>>
      %dma_wait3A_1451 = arith.constant 0 : i32
      %dma_wait3A_1452 = arith.constant 0 : i32
      %dma_wait3A_1453 = tpu.memref_slice %arg9[%dma_wait3A_1443, %dma_wait3A_1451, %dma_wait3A_1452] : memref<16x32x128xf32, #tpu.memory_space<vmem>> -> memref<1x32x128xf32, #tpu.memory_space<vmem>>
      %dma_wait3A_1454 = tpu.memref_squeeze %dma_wait3A_1453 : memref<1x32x128xf32, #tpu.memory_space<vmem>> -> memref<32x128xf32, #tpu.memory_space<vmem>>
      %dma_wait3A_1455 = arith.constant 0 : i32
      %dma_wait3A_1456 = arith.constant 0 : i32
      %dma_wait3A_1457 = tpu.memref_slice %arg4[%dma_wait3A_1455, %dma_wait3A_1456] : memref<32x1000001xf32, #tpu.memory_space<hbm>> -> memref<32x128xf32, #tpu.memory_space<hbm>>
      tpu.wait_dma2 semaphore(%arg15 : memref<!tpu.dma_semaphore, #tpu.memory_space<semaphore_mem>>) src(%dma_wait3A_1457 : memref<32x128xf32, #tpu.memory_space<hbm>>) dst(%dma_wait3A_1454 : memref<32x128xf32, #tpu.memory_space<vmem>>)
      %dma_wait3A_1458 = arith.constant 9 : i32
      %dma_wait3A_1459 = arith.constant 0 : i32
      %dma_wait3A_1460 = arith.constant 0 : i32
      %dma_wait3A_1461 = tpu.memref_slice %arg9[%dma_wait3A_1458, %dma_wait3A_1459, %dma_wait3A_1460] : memref<16x32x128xf32, #tpu.memory_space<vmem>> -> memref<1x32x128xf32, #tpu.memory_space<vmem>>
      %dma_wait3A_1462 = tpu.memref_squeeze %dma_wait3A_1461 : memref<1x32x128xf32, #tpu.memory_space<vmem>> -> memref<32x128xf32, #tpu.memory_space<vmem>>
      %dma_wait3A_1463 = arith.constant 0 : i32
      %dma_wait3A_1464 = arith.constant 0 : i32
      %dma_wait3A_1465 = tpu.memref_slice %arg4[%dma_wait3A_1463, %dma_wait3A_1464] : memref<32x1000001xf32, #tpu.memory_space<hbm>> -> memref<32x128xf32, #tpu.memory_space<hbm>>
      %dma_wait3A_1466 = arith.constant 0 : i32
      %dma_wait3A_1467 = arith.constant 0 : i32
      %dma_wait3A_1468 = tpu.memref_slice %arg9[%dma_wait3A_1458, %dma_wait3A_1466, %dma_wait3A_1467] : memref<16x32x128xf32, #tpu.memory_space<vmem>> -> memref<1x32x128xf32, #tpu.memory_space<vmem>>
      %dma_wait3A_1469 = tpu.memref_squeeze %dma_wait3A_1468 : memref<1x32x128xf32, #tpu.memory_space<vmem>> -> memref<32x128xf32, #tpu.memory_space<vmem>>
      %dma_wait3A_1470 = arith.constant 0 : i32
      %dma_wait3A_1471 = arith.constant 0 : i32
      %dma_wait3A_1472 = tpu.memref_slice %arg4[%dma_wait3A_1470, %dma_wait3A_1471] : memref<32x1000001xf32, #tpu.memory_space<hbm>> -> memref<32x128xf32, #tpu.memory_space<hbm>>
      tpu.wait_dma2 semaphore(%arg15 : memref<!tpu.dma_semaphore, #tpu.memory_space<semaphore_mem>>) src(%dma_wait3A_1472 : memref<32x128xf32, #tpu.memory_space<hbm>>) dst(%dma_wait3A_1469 : memref<32x128xf32, #tpu.memory_space<vmem>>)
      %dma_wait3A_1473 = arith.constant 10 : i32
      %dma_wait3A_1474 = arith.constant 0 : i32
      %dma_wait3A_1475 = arith.constant 0 : i32
      %dma_wait3A_1476 = tpu.memref_slice %arg9[%dma_wait3A_1473, %dma_wait3A_1474, %dma_wait3A_1475] : memref<16x32x128xf32, #tpu.memory_space<vmem>> -> memref<1x32x128xf32, #tpu.memory_space<vmem>>
      %dma_wait3A_1477 = tpu.memref_squeeze %dma_wait3A_1476 : memref<1x32x128xf32, #tpu.memory_space<vmem>> -> memref<32x128xf32, #tpu.memory_space<vmem>>
      %dma_wait3A_1478 = arith.constant 0 : i32
      %dma_wait3A_1479 = arith.constant 0 : i32
      %dma_wait3A_1480 = tpu.memref_slice %arg4[%dma_wait3A_1478, %dma_wait3A_1479] : memref<32x1000001xf32, #tpu.memory_space<hbm>> -> memref<32x128xf32, #tpu.memory_space<hbm>>
      %dma_wait3A_1481 = arith.constant 0 : i32
      %dma_wait3A_1482 = arith.constant 0 : i32
      %dma_wait3A_1483 = tpu.memref_slice %arg9[%dma_wait3A_1473, %dma_wait3A_1481, %dma_wait3A_1482] : memref<16x32x128xf32, #tpu.memory_space<vmem>> -> memref<1x32x128xf32, #tpu.memory_space<vmem>>
      %dma_wait3A_1484 = tpu.memref_squeeze %dma_wait3A_1483 : memref<1x32x128xf32, #tpu.memory_space<vmem>> -> memref<32x128xf32, #tpu.memory_space<vmem>>
      %dma_wait3A_1485 = arith.constant 0 : i32
      %dma_wait3A_1486 = arith.constant 0 : i32
      %dma_wait3A_1487 = tpu.memref_slice %arg4[%dma_wait3A_1485, %dma_wait3A_1486] : memref<32x1000001xf32, #tpu.memory_space<hbm>> -> memref<32x128xf32, #tpu.memory_space<hbm>>
      tpu.wait_dma2 semaphore(%arg15 : memref<!tpu.dma_semaphore, #tpu.memory_space<semaphore_mem>>) src(%dma_wait3A_1487 : memref<32x128xf32, #tpu.memory_space<hbm>>) dst(%dma_wait3A_1484 : memref<32x128xf32, #tpu.memory_space<vmem>>)
      %dma_wait3A_1488 = arith.constant 11 : i32
      %dma_wait3A_1489 = arith.constant 0 : i32
      %dma_wait3A_1490 = arith.constant 0 : i32
      %dma_wait3A_1491 = tpu.memref_slice %arg9[%dma_wait3A_1488, %dma_wait3A_1489, %dma_wait3A_1490] : memref<16x32x128xf32, #tpu.memory_space<vmem>> -> memref<1x32x128xf32, #tpu.memory_space<vmem>>
      %dma_wait3A_1492 = tpu.memref_squeeze %dma_wait3A_1491 : memref<1x32x128xf32, #tpu.memory_space<vmem>> -> memref<32x128xf32, #tpu.memory_space<vmem>>
      %dma_wait3A_1493 = arith.constant 0 : i32
      %dma_wait3A_1494 = arith.constant 0 : i32
      %dma_wait3A_1495 = tpu.memref_slice %arg4[%dma_wait3A_1493, %dma_wait3A_1494] : memref<32x1000001xf32, #tpu.memory_space<hbm>> -> memref<32x128xf32, #tpu.memory_space<hbm>>
      %dma_wait3A_1496 = arith.constant 0 : i32
      %dma_wait3A_1497 = arith.constant 0 : i32
      %dma_wait3A_1498 = tpu.memref_slice %arg9[%dma_wait3A_1488, %dma_wait3A_1496, %dma_wait3A_1497] : memref<16x32x128xf32, #tpu.memory_space<vmem>> -> memref<1x32x128xf32, #tpu.memory_space<vmem>>
      %dma_wait3A_1499 = tpu.memref_squeeze %dma_wait3A_1498 : memref<1x32x128xf32, #tpu.memory_space<vmem>> -> memref<32x128xf32, #tpu.memory_space<vmem>>
      %dma_wait3A_1500 = arith.constant 0 : i32
      %dma_wait3A_1501 = arith.constant 0 : i32
      %dma_wait3A_1502 = tpu.memref_slice %arg4[%dma_wait3A_1500, %dma_wait3A_1501] : memref<32x1000001xf32, #tpu.memory_space<hbm>> -> memref<32x128xf32, #tpu.memory_space<hbm>>
      tpu.wait_dma2 semaphore(%arg15 : memref<!tpu.dma_semaphore, #tpu.memory_space<semaphore_mem>>) src(%dma_wait3A_1502 : memref<32x128xf32, #tpu.memory_space<hbm>>) dst(%dma_wait3A_1499 : memref<32x128xf32, #tpu.memory_space<vmem>>)
      %dma_wait3A_1503 = arith.constant 12 : i32
      %dma_wait3A_1504 = arith.constant 0 : i32
      %dma_wait3A_1505 = arith.constant 0 : i32
      %dma_wait3A_1506 = tpu.memref_slice %arg9[%dma_wait3A_1503, %dma_wait3A_1504, %dma_wait3A_1505] : memref<16x32x128xf32, #tpu.memory_space<vmem>> -> memref<1x32x128xf32, #tpu.memory_space<vmem>>
      %dma_wait3A_1507 = tpu.memref_squeeze %dma_wait3A_1506 : memref<1x32x128xf32, #tpu.memory_space<vmem>> -> memref<32x128xf32, #tpu.memory_space<vmem>>
      %dma_wait3A_1508 = arith.constant 0 : i32
      %dma_wait3A_1509 = arith.constant 0 : i32
      %dma_wait3A_1510 = tpu.memref_slice %arg4[%dma_wait3A_1508, %dma_wait3A_1509] : memref<32x1000001xf32, #tpu.memory_space<hbm>> -> memref<32x128xf32, #tpu.memory_space<hbm>>
      %dma_wait3A_1511 = arith.constant 0 : i32
      %dma_wait3A_1512 = arith.constant 0 : i32
      %dma_wait3A_1513 = tpu.memref_slice %arg9[%dma_wait3A_1503, %dma_wait3A_1511, %dma_wait3A_1512] : memref<16x32x128xf32, #tpu.memory_space<vmem>> -> memref<1x32x128xf32, #tpu.memory_space<vmem>>
      %dma_wait3A_1514 = tpu.memref_squeeze %dma_wait3A_1513 : memref<1x32x128xf32, #tpu.memory_space<vmem>> -> memref<32x128xf32, #tpu.memory_space<vmem>>
      %dma_wait3A_1515 = arith.constant 0 : i32
      %dma_wait3A_1516 = arith.constant 0 : i32
      %dma_wait3A_1517 = tpu.memref_slice %arg4[%dma_wait3A_1515, %dma_wait3A_1516] : memref<32x1000001xf32, #tpu.memory_space<hbm>> -> memref<32x128xf32, #tpu.memory_space<hbm>>
      tpu.wait_dma2 semaphore(%arg15 : memref<!tpu.dma_semaphore, #tpu.memory_space<semaphore_mem>>) src(%dma_wait3A_1517 : memref<32x128xf32, #tpu.memory_space<hbm>>) dst(%dma_wait3A_1514 : memref<32x128xf32, #tpu.memory_space<vmem>>)
      %dma_wait3A_1518 = arith.constant 13 : i32
      %dma_wait3A_1519 = arith.constant 0 : i32
      %dma_wait3A_1520 = arith.constant 0 : i32
      %dma_wait3A_1521 = tpu.memref_slice %arg9[%dma_wait3A_1518, %dma_wait3A_1519, %dma_wait3A_1520] : memref<16x32x128xf32, #tpu.memory_space<vmem>> -> memref<1x32x128xf32, #tpu.memory_space<vmem>>
      %dma_wait3A_1522 = tpu.memref_squeeze %dma_wait3A_1521 : memref<1x32x128xf32, #tpu.memory_space<vmem>> -> memref<32x128xf32, #tpu.memory_space<vmem>>
      %dma_wait3A_1523 = arith.constant 0 : i32
      %dma_wait3A_1524 = arith.constant 0 : i32
      %dma_wait3A_1525 = tpu.memref_slice %arg4[%dma_wait3A_1523, %dma_wait3A_1524] : memref<32x1000001xf32, #tpu.memory_space<hbm>> -> memref<32x128xf32, #tpu.memory_space<hbm>>
      %dma_wait3A_1526 = arith.constant 0 : i32
      %dma_wait3A_1527 = arith.constant 0 : i32
      %dma_wait3A_1528 = tpu.memref_slice %arg9[%dma_wait3A_1518, %dma_wait3A_1526, %dma_wait3A_1527] : memref<16x32x128xf32, #tpu.memory_space<vmem>> -> memref<1x32x128xf32, #tpu.memory_space<vmem>>
      %dma_wait3A_1529 = tpu.memref_squeeze %dma_wait3A_1528 : memref<1x32x128xf32, #tpu.memory_space<vmem>> -> memref<32x128xf32, #tpu.memory_space<vmem>>
      %dma_wait3A_1530 = arith.constant 0 : i32
      %dma_wait3A_1531 = arith.constant 0 : i32
      %dma_wait3A_1532 = tpu.memref_slice %arg4[%dma_wait3A_1530, %dma_wait3A_1531] : memref<32x1000001xf32, #tpu.memory_space<hbm>> -> memref<32x128xf32, #tpu.memory_space<hbm>>
      tpu.wait_dma2 semaphore(%arg15 : memref<!tpu.dma_semaphore, #tpu.memory_space<semaphore_mem>>) src(%dma_wait3A_1532 : memref<32x128xf32, #tpu.memory_space<hbm>>) dst(%dma_wait3A_1529 : memref<32x128xf32, #tpu.memory_space<vmem>>)
      %dma_wait3A_1533 = arith.constant 14 : i32
      %dma_wait3A_1534 = arith.constant 0 : i32
      %dma_wait3A_1535 = arith.constant 0 : i32
      %dma_wait3A_1536 = tpu.memref_slice %arg9[%dma_wait3A_1533, %dma_wait3A_1534, %dma_wait3A_1535] : memref<16x32x128xf32, #tpu.memory_space<vmem>> -> memref<1x32x128xf32, #tpu.memory_space<vmem>>
      %dma_wait3A_1537 = tpu.memref_squeeze %dma_wait3A_1536 : memref<1x32x128xf32, #tpu.memory_space<vmem>> -> memref<32x128xf32, #tpu.memory_space<vmem>>
      %dma_wait3A_1538 = arith.constant 0 : i32
      %dma_wait3A_1539 = arith.constant 0 : i32
      %dma_wait3A_1540 = tpu.memref_slice %arg4[%dma_wait3A_1538, %dma_wait3A_1539] : memref<32x1000001xf32, #tpu.memory_space<hbm>> -> memref<32x128xf32, #tpu.memory_space<hbm>>
      %dma_wait3A_1541 = arith.constant 0 : i32
      %dma_wait3A_1542 = arith.constant 0 : i32
      %dma_wait3A_1543 = tpu.memref_slice %arg9[%dma_wait3A_1533, %dma_wait3A_1541, %dma_wait3A_1542] : memref<16x32x128xf32, #tpu.memory_space<vmem>> -> memref<1x32x128xf32, #tpu.memory_space<vmem>>
      %dma_wait3A_1544 = tpu.memref_squeeze %dma_wait3A_1543 : memref<1x32x128xf32, #tpu.memory_space<vmem>> -> memref<32x128xf32, #tpu.memory_space<vmem>>
      %dma_wait3A_1545 = arith.constant 0 : i32
      %dma_wait3A_1546 = arith.constant 0 : i32
      %dma_wait3A_1547 = tpu.memref_slice %arg4[%dma_wait3A_1545, %dma_wait3A_1546] : memref<32x1000001xf32, #tpu.memory_space<hbm>> -> memref<32x128xf32, #tpu.memory_space<hbm>>
      tpu.wait_dma2 semaphore(%arg15 : memref<!tpu.dma_semaphore, #tpu.memory_space<semaphore_mem>>) src(%dma_wait3A_1547 : memref<32x128xf32, #tpu.memory_space<hbm>>) dst(%dma_wait3A_1544 : memref<32x128xf32, #tpu.memory_space<vmem>>)
      %dma_wait3A_1548 = arith.constant 15 : i32
      %dma_wait3A_1549 = arith.constant 0 : i32
      %dma_wait3A_1550 = arith.constant 0 : i32
      %dma_wait3A_1551 = tpu.memref_slice %arg9[%dma_wait3A_1548, %dma_wait3A_1549, %dma_wait3A_1550] : memref<16x32x128xf32, #tpu.memory_space<vmem>> -> memref<1x32x128xf32, #tpu.memory_space<vmem>>
      %dma_wait3A_1552 = tpu.memref_squeeze %dma_wait3A_1551 : memref<1x32x128xf32, #tpu.memory_space<vmem>> -> memref<32x128xf32, #tpu.memory_space<vmem>>
      %dma_wait3A_1553 = arith.constant 0 : i32
      %dma_wait3A_1554 = arith.constant 0 : i32
      %dma_wait3A_1555 = tpu.memref_slice %arg4[%dma_wait3A_1553, %dma_wait3A_1554] : memref<32x1000001xf32, #tpu.memory_space<hbm>> -> memref<32x128xf32, #tpu.memory_space<hbm>>
      %dma_wait3A_1556 = arith.constant 0 : i32
      %dma_wait3A_1557 = arith.constant 0 : i32
      %dma_wait3A_1558 = tpu.memref_slice %arg9[%dma_wait3A_1548, %dma_wait3A_1556, %dma_wait3A_1557] : memref<16x32x128xf32, #tpu.memory_space<vmem>> -> memref<1x32x128xf32, #tpu.memory_space<vmem>>
      %dma_wait3A_1559 = tpu.memref_squeeze %dma_wait3A_1558 : memref<1x32x128xf32, #tpu.memory_space<vmem>> -> memref<32x128xf32, #tpu.memory_space<vmem>>
      %dma_wait3A_1560 = arith.constant 0 : i32
      %dma_wait3A_1561 = arith.constant 0 : i32
      %dma_wait3A_1562 = tpu.memref_slice %arg4[%dma_wait3A_1560, %dma_wait3A_1561] : memref<32x1000001xf32, #tpu.memory_space<hbm>> -> memref<32x128xf32, #tpu.memory_space<hbm>>
      tpu.wait_dma2 semaphore(%arg15 : memref<!tpu.dma_semaphore, #tpu.memory_space<semaphore_mem>>) src(%dma_wait3A_1562 : memref<32x128xf32, #tpu.memory_space<hbm>>) dst(%dma_wait3A_1559 : memref<32x128xf32, #tpu.memory_space<vmem>>)
      %and3A_1563 = arith.constant 127 : i32
      %and3A_1564 = vector.broadcast %and3A_1563 : i32 to vector<16xi32>
      %and3A_1565 = arith.andi %get3A_938, %and3A_1564 : vector<16xi32>
      %ge3A_1566 = arith.constant 999936 : i32
      %ge3A_1567 = vector.broadcast %ge3A_1566 : i32 to vector<16xi32>
      %ge3A_1568 = arith.cmpi sge, %get3A_938, %ge3A_1567 : vector<16xi32>
      %sub3A_1569 = arith.constant 999872 : i32
      %sub3A_1570 = vector.broadcast %sub3A_1569 : i32 to vector<16xi32>
      %sub3A_1571 = arith.subi %get3A_938, %sub3A_1570 : vector<16xi32>
      %jit3A_1572 = arith.constant 0 : i32
      %jit3A_1573 = arith.constant 127 : i32
      %max3A_1574 = vector.broadcast %jit3A_1572 : i32 to vector<16xi32>
      %max3A_1575 = arith.maxsi %max3A_1574, %sub3A_1571 : vector<16xi32>
      %min3A_1576 = vector.broadcast %jit3A_1573 : i32 to vector<16xi32>
      %min3A_1577 = arith.minsi %min3A_1576, %max3A_1575 : vector<16xi32>
      %broadcast_in_dim3A_1578 = arith.constant 0 : i32
      %broadcast_in_dim3A_1579 = vector.broadcast %broadcast_in_dim3A_1578 : i32 to vector<16xi32>
      %gather3A_1580 = tpu.vector_load_idx %arg9[%iota3A, %broadcast_in_dim3A_1579, %and3A_1565] : memref<16x32x128xf32, #tpu.memory_space<vmem>>[vector<16xi32>, vector<16xi32>, vector<16xi32>], vector<16xf32>,
      %gather3A_1581 = tpu.vector_load_idx %arg11[%broadcast_in_dim3A_1579, %min3A_1577] : memref<32x128xf32, #tpu.memory_space<vmem>>[vector<16xi32>, vector<16xi32>], vector<16xf32>,
      %select_n3A_1582 = arith.select %ge3A_1568, %gather3A_1581, %gather3A_1580 : vector<16xi1>, vector<16xf32>
      %swap3A_1583 = arith.constant 0 : i32
      %swap3A_1584 = arith.index_cast %swap3A_1583 : i32 to index
      %swap3A_1585 = arith.constant 0 : index
      %swap3A_1586 = tpu.vector_load %arg13[%swap3A_1584, %swap3A_1585] {strides = array<i32>} : memref<32x16xf32, #tpu.memory_space<vmem>>, vector<16xf32>,
      tpu.vector_store %arg13[%swap3A_1584, %swap3A_1585], %select_n3A_1582 {strides = array<i32>} : memref<32x16xf32, #tpu.memory_space<vmem>>, vector<16xf32>,
      %broadcast_in_dim3A_1587 = arith.constant 1 : i32
      %broadcast_in_dim3A_1588 = vector.broadcast %broadcast_in_dim3A_1587 : i32 to vector<16xi32>
      %gather3A_1589 = tpu.vector_load_idx %arg9[%iota3A, %broadcast_in_dim3A_1588, %and3A_1565] : memref<16x32x128xf32, #tpu.memory_space<vmem>>[vector<16xi32>, vector<16xi32>, vector<16xi32>], vector<16xf32>,
      %gather3A_1590 = tpu.vector_load_idx %arg11[%broadcast_in_dim3A_1588, %min3A_1577] : memref<32x128xf32, #tpu.memory_space<vmem>>[vector<16xi32>, vector<16xi32>], vector<16xf32>,
      %select_n3A_1591 = arith.select %ge3A_1568, %gather3A_1590, %gather3A_1589 : vector<16xi1>, vector<16xf32>
      %swap3A_1592 = arith.constant 1 : i32
      %swap3A_1593 = arith.index_cast %swap3A_1592 : i32 to index
      %swap3A_1594 = arith.constant 0 : index
      %swap3A_1595 = tpu.vector_load %arg13[%swap3A_1593, %swap3A_1594] {strides = array<i32>} : memref<32x16xf32, #tpu.memory_space<vmem>>, vector<16xf32>,
      tpu.vector_store %arg13[%swap3A_1593, %swap3A_1594], %select_n3A_1591 {strides = array<i32>} : memref<32x16xf32, #tpu.memory_space<vmem>>, vector<16xf32>,
      %broadcast_in_dim3A_1596 = arith.constant 2 : i32
      %broadcast_in_dim3A_1597 = vector.broadcast %broadcast_in_dim3A_1596 : i32 to vector<16xi32>
      %gather3A_1598 = tpu.vector_load_idx %arg9[%iota3A, %broadcast_in_dim3A_1597, %and3A_1565] : memref<16x32x128xf32, #tpu.memory_space<vmem>>[vector<16xi32>, vector<16xi32>, vector<16xi32>], vector<16xf32>,
      %gather3A_1599 = tpu.vector_load_idx %arg11[%broadcast_in_dim3A_1597, %min3A_1577] : memref<32x128xf32, #tpu.memory_space<vmem>>[vector<16xi32>, vector<16xi32>], vector<16xf32>,
      %select_n3A_1600 = arith.select %ge3A_1568, %gather3A_1599, %gather3A_1598 : vector<16xi1>, vector<16xf32>
      %swap3A_1601 = arith.constant 2 : i32
      %swap3A_1602 = arith.index_cast %swap3A_1601 : i32 to index
      %swap3A_1603 = arith.constant 0 : index
      %swap3A_1604 = tpu.vector_load %arg13[%swap3A_1602, %swap3A_1603] {strides = array<i32>} : memref<32x16xf32, #tpu.memory_space<vmem>>, vector<16xf32>,
      tpu.vector_store %arg13[%swap3A_1602, %swap3A_1603], %select_n3A_1600 {strides = array<i32>} : memref<32x16xf32, #tpu.memory_space<vmem>>, vector<16xf32>,
      %broadcast_in_dim3A_1605 = arith.constant 3 : i32
      %broadcast_in_dim3A_1606 = vector.broadcast %broadcast_in_dim3A_1605 : i32 to vector<16xi32>
      %gather3A_1607 = tpu.vector_load_idx %arg9[%iota3A, %broadcast_in_dim3A_1606, %and3A_1565] : memref<16x32x128xf32, #tpu.memory_space<vmem>>[vector<16xi32>, vector<16xi32>, vector<16xi32>], vector<16xf32>,
      %gather3A_1608 = tpu.vector_load_idx %arg11[%broadcast_in_dim3A_1606, %min3A_1577] : memref<32x128xf32, #tpu.memory_space<vmem>>[vector<16xi32>, vector<16xi32>], vector<16xf32>,
      %select_n3A_1609 = arith.select %ge3A_1568, %gather3A_1608, %gather3A_1607 : vector<16xi1>, vector<16xf32>
      %swap3A_1610 = arith.constant 3 : i32
      %swap3A_1611 = arith.index_cast %swap3A_1610 : i32 to index
      %swap3A_1612 = arith.constant 0 : index
      %swap3A_1613 = tpu.vector_load %arg13[%swap3A_1611, %swap3A_1612] {strides = array<i32>} : memref<32x16xf32, #tpu.memory_space<vmem>>, vector<16xf32>,
      tpu.vector_store %arg13[%swap3A_1611, %swap3A_1612], %select_n3A_1609 {strides = array<i32>} : memref<32x16xf32, #tpu.memory_space<vmem>>, vector<16xf32>,
      %broadcast_in_dim3A_1614 = arith.constant 4 : i32
      %broadcast_in_dim3A_1615 = vector.broadcast %broadcast_in_dim3A_1614 : i32 to vector<16xi32>
      %gather3A_1616 = tpu.vector_load_idx %arg9[%iota3A, %broadcast_in_dim3A_1615, %and3A_1565] : memref<16x32x128xf32, #tpu.memory_space<vmem>>[vector<16xi32>, vector<16xi32>, vector<16xi32>], vector<16xf32>,
      %gather3A_1617 = tpu.vector_load_idx %arg11[%broadcast_in_dim3A_1615, %min3A_1577] : memref<32x128xf32, #tpu.memory_space<vmem>>[vector<16xi32>, vector<16xi32>], vector<16xf32>,
      %select_n3A_1618 = arith.select %ge3A_1568, %gather3A_1617, %gather3A_1616 : vector<16xi1>, vector<16xf32>
      %swap3A_1619 = arith.constant 4 : i32
      %swap3A_1620 = arith.index_cast %swap3A_1619 : i32 to index
      %swap3A_1621 = arith.constant 0 : index
      %swap3A_1622 = tpu.vector_load %arg13[%swap3A_1620, %swap3A_1621] {strides = array<i32>} : memref<32x16xf32, #tpu.memory_space<vmem>>, vector<16xf32>,
      tpu.vector_store %arg13[%swap3A_1620, %swap3A_1621], %select_n3A_1618 {strides = array<i32>} : memref<32x16xf32, #tpu.memory_space<vmem>>, vector<16xf32>,
      %broadcast_in_dim3A_1623 = arith.constant 5 : i32
      %broadcast_in_dim3A_1624 = vector.broadcast %broadcast_in_dim3A_1623 : i32 to vector<16xi32>
      %gather3A_1625 = tpu.vector_load_idx %arg9[%iota3A, %broadcast_in_dim3A_1624, %and3A_1565] : memref<16x32x128xf32, #tpu.memory_space<vmem>>[vector<16xi32>, vector<16xi32>, vector<16xi32>], vector<16xf32>,
      %gather3A_1626 = tpu.vector_load_idx %arg11[%broadcast_in_dim3A_1624, %min3A_1577] : memref<32x128xf32, #tpu.memory_space<vmem>>[vector<16xi32>, vector<16xi32>], vector<16xf32>,
      %select_n3A_1627 = arith.select %ge3A_1568, %gather3A_1626, %gather3A_1625 : vector<16xi1>, vector<16xf32>
      %swap3A_1628 = arith.constant 5 : i32
      %swap3A_1629 = arith.index_cast %swap3A_1628 : i32 to index
      %swap3A_1630 = arith.constant 0 : index
      %swap3A_1631 = tpu.vector_load %arg13[%swap3A_1629, %swap3A_1630] {strides = array<i32>} : memref<32x16xf32, #tpu.memory_space<vmem>>, vector<16xf32>,
      tpu.vector_store %arg13[%swap3A_1629, %swap3A_1630], %select_n3A_1627 {strides = array<i32>} : memref<32x16xf32, #tpu.memory_space<vmem>>, vector<16xf32>,
      %broadcast_in_dim3A_1632 = arith.constant 6 : i32
      %broadcast_in_dim3A_1633 = vector.broadcast %broadcast_in_dim3A_1632 : i32 to vector<16xi32>
      %gather3A_1634 = tpu.vector_load_idx %arg9[%iota3A, %broadcast_in_dim3A_1633, %and3A_1565] : memref<16x32x128xf32, #tpu.memory_space<vmem>>[vector<16xi32>, vector<16xi32>, vector<16xi32>], vector<16xf32>,
      %gather3A_1635 = tpu.vector_load_idx %arg11[%broadcast_in_dim3A_1633, %min3A_1577] : memref<32x128xf32, #tpu.memory_space<vmem>>[vector<16xi32>, vector<16xi32>], vector<16xf32>,
      %select_n3A_1636 = arith.select %ge3A_1568, %gather3A_1635, %gather3A_1634 : vector<16xi1>, vector<16xf32>
      %swap3A_1637 = arith.constant 6 : i32
      %swap3A_1638 = arith.index_cast %swap3A_1637 : i32 to index
      %swap3A_1639 = arith.constant 0 : index
      %swap3A_1640 = tpu.vector_load %arg13[%swap3A_1638, %swap3A_1639] {strides = array<i32>} : memref<32x16xf32, #tpu.memory_space<vmem>>, vector<16xf32>,
      tpu.vector_store %arg13[%swap3A_1638, %swap3A_1639], %select_n3A_1636 {strides = array<i32>} : memref<32x16xf32, #tpu.memory_space<vmem>>, vector<16xf32>,
      %broadcast_in_dim3A_1641 = arith.constant 7 : i32
      %broadcast_in_dim3A_1642 = vector.broadcast %broadcast_in_dim3A_1641 : i32 to vector<16xi32>
      %gather3A_1643 = tpu.vector_load_idx %arg9[%iota3A, %broadcast_in_dim3A_1642, %and3A_1565] : memref<16x32x128xf32, #tpu.memory_space<vmem>>[vector<16xi32>, vector<16xi32>, vector<16xi32>], vector<16xf32>,
      %gather3A_1644 = tpu.vector_load_idx %arg11[%broadcast_in_dim3A_1642, %min3A_1577] : memref<32x128xf32, #tpu.memory_space<vmem>>[vector<16xi32>, vector<16xi32>], vector<16xf32>,
      %select_n3A_1645 = arith.select %ge3A_1568, %gather3A_1644, %gather3A_1643 : vector<16xi1>, vector<16xf32>
      %swap3A_1646 = arith.constant 7 : i32
      %swap3A_1647 = arith.index_cast %swap3A_1646 : i32 to index
      %swap3A_1648 = arith.constant 0 : index
      %swap3A_1649 = tpu.vector_load %arg13[%swap3A_1647, %swap3A_1648] {strides = array<i32>} : memref<32x16xf32, #tpu.memory_space<vmem>>, vector<16xf32>,
      tpu.vector_store %arg13[%swap3A_1647, %swap3A_1648], %select_n3A_1645 {strides = array<i32>} : memref<32x16xf32, #tpu.memory_space<vmem>>, vector<16xf32>,
      %broadcast_in_dim3A_1650 = arith.constant 8 : i32
      %broadcast_in_dim3A_1651 = vector.broadcast %broadcast_in_dim3A_1650 : i32 to vector<16xi32>
      %gather3A_1652 = tpu.vector_load_idx %arg9[%iota3A, %broadcast_in_dim3A_1651, %and3A_1565] : memref<16x32x128xf32, #tpu.memory_space<vmem>>[vector<16xi32>, vector<16xi32>, vector<16xi32>], vector<16xf32>,
      %gather3A_1653 = tpu.vector_load_idx %arg11[%broadcast_in_dim3A_1651, %min3A_1577] : memref<32x128xf32, #tpu.memory_space<vmem>>[vector<16xi32>, vector<16xi32>], vector<16xf32>,
      %select_n3A_1654 = arith.select %ge3A_1568, %gather3A_1653, %gather3A_1652 : vector<16xi1>, vector<16xf32>
      %swap3A_1655 = arith.constant 8 : i32
      %swap3A_1656 = arith.index_cast %swap3A_1655 : i32 to index
      %swap3A_1657 = arith.constant 0 : index
      %swap3A_1658 = tpu.vector_load %arg13[%swap3A_1656, %swap3A_1657] {strides = array<i32>} : memref<32x16xf32, #tpu.memory_space<vmem>>, vector<16xf32>,
      tpu.vector_store %arg13[%swap3A_1656, %swap3A_1657], %select_n3A_1654 {strides = array<i32>} : memref<32x16xf32, #tpu.memory_space<vmem>>, vector<16xf32>,
      %broadcast_in_dim3A_1659 = arith.constant 9 : i32
      %broadcast_in_dim3A_1660 = vector.broadcast %broadcast_in_dim3A_1659 : i32 to vector<16xi32>
      %gather3A_1661 = tpu.vector_load_idx %arg9[%iota3A, %broadcast_in_dim3A_1660, %and3A_1565] : memref<16x32x128xf32, #tpu.memory_space<vmem>>[vector<16xi32>, vector<16xi32>, vector<16xi32>], vector<16xf32>,
      %gather3A_1662 = tpu.vector_load_idx %arg11[%broadcast_in_dim3A_1660, %min3A_1577] : memref<32x128xf32, #tpu.memory_space<vmem>>[vector<16xi32>, vector<16xi32>], vector<16xf32>,
      %select_n3A_1663 = arith.select %ge3A_1568, %gather3A_1662, %gather3A_1661 : vector<16xi1>, vector<16xf32>
      %swap3A_1664 = arith.constant 9 : i32
      %swap3A_1665 = arith.index_cast %swap3A_1664 : i32 to index
      %swap3A_1666 = arith.constant 0 : index
      %swap3A_1667 = tpu.vector_load %arg13[%swap3A_1665, %swap3A_1666] {strides = array<i32>} : memref<32x16xf32, #tpu.memory_space<vmem>>, vector<16xf32>,
      tpu.vector_store %arg13[%swap3A_1665, %swap3A_1666], %select_n3A_1663 {strides = array<i32>} : memref<32x16xf32, #tpu.memory_space<vmem>>, vector<16xf32>,
      %broadcast_in_dim3A_1668 = arith.constant 10 : i32
      %broadcast_in_dim3A_1669 = vector.broadcast %broadcast_in_dim3A_1668 : i32 to vector<16xi32>
      %gather3A_1670 = tpu.vector_load_idx %arg9[%iota3A, %broadcast_in_dim3A_1669, %and3A_1565] : memref<16x32x128xf32, #tpu.memory_space<vmem>>[vector<16xi32>, vector<16xi32>, vector<16xi32>], vector<16xf32>,
      %gather3A_1671 = tpu.vector_load_idx %arg11[%broadcast_in_dim3A_1669, %min3A_1577] : memref<32x128xf32, #tpu.memory_space<vmem>>[vector<16xi32>, vector<16xi32>], vector<16xf32>,
      %select_n3A_1672 = arith.select %ge3A_1568, %gather3A_1671, %gather3A_1670 : vector<16xi1>, vector<16xf32>
      %swap3A_1673 = arith.constant 10 : i32
      %swap3A_1674 = arith.index_cast %swap3A_1673 : i32 to index
      %swap3A_1675 = arith.constant 0 : index
      %swap3A_1676 = tpu.vector_load %arg13[%swap3A_1674, %swap3A_1675] {strides = array<i32>} : memref<32x16xf32, #tpu.memory_space<vmem>>, vector<16xf32>,
      tpu.vector_store %arg13[%swap3A_1674, %swap3A_1675], %select_n3A_1672 {strides = array<i32>} : memref<32x16xf32, #tpu.memory_space<vmem>>, vector<16xf32>,
      %broadcast_in_dim3A_1677 = arith.constant 11 : i32
      %broadcast_in_dim3A_1678 = vector.broadcast %broadcast_in_dim3A_1677 : i32 to vector<16xi32>
      %gather3A_1679 = tpu.vector_load_idx %arg9[%iota3A, %broadcast_in_dim3A_1678, %and3A_1565] : memref<16x32x128xf32, #tpu.memory_space<vmem>>[vector<16xi32>, vector<16xi32>, vector<16xi32>], vector<16xf32>,
      %gather3A_1680 = tpu.vector_load_idx %arg11[%broadcast_in_dim3A_1678, %min3A_1577] : memref<32x128xf32, #tpu.memory_space<vmem>>[vector<16xi32>, vector<16xi32>], vector<16xf32>,
      %select_n3A_1681 = arith.select %ge3A_1568, %gather3A_1680, %gather3A_1679 : vector<16xi1>, vector<16xf32>
      %swap3A_1682 = arith.constant 11 : i32
      %swap3A_1683 = arith.index_cast %swap3A_1682 : i32 to index
      %swap3A_1684 = arith.constant 0 : index
      %swap3A_1685 = tpu.vector_load %arg13[%swap3A_1683, %swap3A_1684] {strides = array<i32>} : memref<32x16xf32, #tpu.memory_space<vmem>>, vector<16xf32>,
      tpu.vector_store %arg13[%swap3A_1683, %swap3A_1684], %select_n3A_1681 {strides = array<i32>} : memref<32x16xf32, #tpu.memory_space<vmem>>, vector<16xf32>,
      %broadcast_in_dim3A_1686 = arith.constant 12 : i32
      %broadcast_in_dim3A_1687 = vector.broadcast %broadcast_in_dim3A_1686 : i32 to vector<16xi32>
      %gather3A_1688 = tpu.vector_load_idx %arg9[%iota3A, %broadcast_in_dim3A_1687, %and3A_1565] : memref<16x32x128xf32, #tpu.memory_space<vmem>>[vector<16xi32>, vector<16xi32>, vector<16xi32>], vector<16xf32>,
      %gather3A_1689 = tpu.vector_load_idx %arg11[%broadcast_in_dim3A_1687, %min3A_1577] : memref<32x128xf32, #tpu.memory_space<vmem>>[vector<16xi32>, vector<16xi32>], vector<16xf32>,
      %select_n3A_1690 = arith.select %ge3A_1568, %gather3A_1689, %gather3A_1688 : vector<16xi1>, vector<16xf32>
      %swap3A_1691 = arith.constant 12 : i32
      %swap3A_1692 = arith.index_cast %swap3A_1691 : i32 to index
      %swap3A_1693 = arith.constant 0 : index
      %swap3A_1694 = tpu.vector_load %arg13[%swap3A_1692, %swap3A_1693] {strides = array<i32>} : memref<32x16xf32, #tpu.memory_space<vmem>>, vector<16xf32>,
      tpu.vector_store %arg13[%swap3A_1692, %swap3A_1693], %select_n3A_1690 {strides = array<i32>} : memref<32x16xf32, #tpu.memory_space<vmem>>, vector<16xf32>,
      %broadcast_in_dim3A_1695 = arith.constant 13 : i32
      %broadcast_in_dim3A_1696 = vector.broadcast %broadcast_in_dim3A_1695 : i32 to vector<16xi32>
      %gather3A_1697 = tpu.vector_load_idx %arg9[%iota3A, %broadcast_in_dim3A_1696, %and3A_1565] : memref<16x32x128xf32, #tpu.memory_space<vmem>>[vector<16xi32>, vector<16xi32>, vector<16xi32>], vector<16xf32>,
      %gather3A_1698 = tpu.vector_load_idx %arg11[%broadcast_in_dim3A_1696, %min3A_1577] : memref<32x128xf32, #tpu.memory_space<vmem>>[vector<16xi32>, vector<16xi32>], vector<16xf32>,
      %select_n3A_1699 = arith.select %ge3A_1568, %gather3A_1698, %gather3A_1697 : vector<16xi1>, vector<16xf32>
      %swap3A_1700 = arith.constant 13 : i32
      %swap3A_1701 = arith.index_cast %swap3A_1700 : i32 to index
      %swap3A_1702 = arith.constant 0 : index
      %swap3A_1703 = tpu.vector_load %arg13[%swap3A_1701, %swap3A_1702] {strides = array<i32>} : memref<32x16xf32, #tpu.memory_space<vmem>>, vector<16xf32>,
      tpu.vector_store %arg13[%swap3A_1701, %swap3A_1702], %select_n3A_1699 {strides = array<i32>} : memref<32x16xf32, #tpu.memory_space<vmem>>, vector<16xf32>,
      %broadcast_in_dim3A_1704 = arith.constant 14 : i32
      %broadcast_in_dim3A_1705 = vector.broadcast %broadcast_in_dim3A_1704 : i32 to vector<16xi32>
      %gather3A_1706 = tpu.vector_load_idx %arg9[%iota3A, %broadcast_in_dim3A_1705, %and3A_1565] : memref<16x32x128xf32, #tpu.memory_space<vmem>>[vector<16xi32>, vector<16xi32>, vector<16xi32>], vector<16xf32>,
      %gather3A_1707 = tpu.vector_load_idx %arg11[%broadcast_in_dim3A_1705, %min3A_1577] : memref<32x128xf32, #tpu.memory_space<vmem>>[vector<16xi32>, vector<16xi32>], vector<16xf32>,
      %select_n3A_1708 = arith.select %ge3A_1568, %gather3A_1707, %gather3A_1706 : vector<16xi1>, vector<16xf32>
      %swap3A_1709 = arith.constant 14 : i32
      %swap3A_1710 = arith.index_cast %swap3A_1709 : i32 to index
      %swap3A_1711 = arith.constant 0 : index
      %swap3A_1712 = tpu.vector_load %arg13[%swap3A_1710, %swap3A_1711] {strides = array<i32>} : memref<32x16xf32, #tpu.memory_space<vmem>>, vector<16xf32>,
      tpu.vector_store %arg13[%swap3A_1710, %swap3A_1711], %select_n3A_1708 {strides = array<i32>} : memref<32x16xf32, #tpu.memory_space<vmem>>, vector<16xf32>,
      %broadcast_in_dim3A_1713 = arith.constant 15 : i32
      %broadcast_in_dim3A_1714 = vector.broadcast %broadcast_in_dim3A_1713 : i32 to vector<16xi32>
      %gather3A_1715 = tpu.vector_load_idx %arg9[%iota3A, %broadcast_in_dim3A_1714, %and3A_1565] : memref<16x32x128xf32, #tpu.memory_space<vmem>>[vector<16xi32>, vector<16xi32>, vector<16xi32>], vector<16xf32>,
      %gather3A_1716 = tpu.vector_load_idx %arg11[%broadcast_in_dim3A_1714, %min3A_1577] : memref<32x128xf32, #tpu.memory_space<vmem>>[vector<16xi32>, vector<16xi32>], vector<16xf32>,
      %select_n3A_1717 = arith.select %ge3A_1568, %gather3A_1716, %gather3A_1715 : vector<16xi1>, vector<16xf32>
      %swap3A_1718 = arith.constant 15 : i32
      %swap3A_1719 = arith.index_cast %swap3A_1718 : i32 to index
      %swap3A_1720 = arith.constant 0 : index
      %swap3A_1721 = tpu.vector_load %arg13[%swap3A_1719, %swap3A_1720] {strides = array<i32>} : memref<32x16xf32, #tpu.memory_space<vmem>>, vector<16xf32>,
      tpu.vector_store %arg13[%swap3A_1719, %swap3A_1720], %select_n3A_1717 {strides = array<i32>} : memref<32x16xf32, #tpu.memory_space<vmem>>, vector<16xf32>,
      %broadcast_in_dim3A_1722 = arith.constant 16 : i32
      %broadcast_in_dim3A_1723 = vector.broadcast %broadcast_in_dim3A_1722 : i32 to vector<16xi32>
      %gather3A_1724 = tpu.vector_load_idx %arg9[%iota3A, %broadcast_in_dim3A_1723, %and3A_1565] : memref<16x32x128xf32, #tpu.memory_space<vmem>>[vector<16xi32>, vector<16xi32>, vector<16xi32>], vector<16xf32>,
      %gather3A_1725 = tpu.vector_load_idx %arg11[%broadcast_in_dim3A_1723, %min3A_1577] : memref<32x128xf32, #tpu.memory_space<vmem>>[vector<16xi32>, vector<16xi32>], vector<16xf32>,
      %select_n3A_1726 = arith.select %ge3A_1568, %gather3A_1725, %gather3A_1724 : vector<16xi1>, vector<16xf32>
      %swap3A_1727 = arith.constant 16 : i32
      %swap3A_1728 = arith.index_cast %swap3A_1727 : i32 to index
      %swap3A_1729 = arith.constant 0 : index
      %swap3A_1730 = tpu.vector_load %arg13[%swap3A_1728, %swap3A_1729] {strides = array<i32>} : memref<32x16xf32, #tpu.memory_space<vmem>>, vector<16xf32>,
      tpu.vector_store %arg13[%swap3A_1728, %swap3A_1729], %select_n3A_1726 {strides = array<i32>} : memref<32x16xf32, #tpu.memory_space<vmem>>, vector<16xf32>,
      %broadcast_in_dim3A_1731 = arith.constant 17 : i32
      %broadcast_in_dim3A_1732 = vector.broadcast %broadcast_in_dim3A_1731 : i32 to vector<16xi32>
      %gather3A_1733 = tpu.vector_load_idx %arg9[%iota3A, %broadcast_in_dim3A_1732, %and3A_1565] : memref<16x32x128xf32, #tpu.memory_space<vmem>>[vector<16xi32>, vector<16xi32>, vector<16xi32>], vector<16xf32>,
      %gather3A_1734 = tpu.vector_load_idx %arg11[%broadcast_in_dim3A_1732, %min3A_1577] : memref<32x128xf32, #tpu.memory_space<vmem>>[vector<16xi32>, vector<16xi32>], vector<16xf32>,
      %select_n3A_1735 = arith.select %ge3A_1568, %gather3A_1734, %gather3A_1733 : vector<16xi1>, vector<16xf32>
      %swap3A_1736 = arith.constant 17 : i32
      %swap3A_1737 = arith.index_cast %swap3A_1736 : i32 to index
      %swap3A_1738 = arith.constant 0 : index
      %swap3A_1739 = tpu.vector_load %arg13[%swap3A_1737, %swap3A_1738] {strides = array<i32>} : memref<32x16xf32, #tpu.memory_space<vmem>>, vector<16xf32>,
      tpu.vector_store %arg13[%swap3A_1737, %swap3A_1738], %select_n3A_1735 {strides = array<i32>} : memref<32x16xf32, #tpu.memory_space<vmem>>, vector<16xf32>,
      %broadcast_in_dim3A_1740 = arith.constant 18 : i32
      %broadcast_in_dim3A_1741 = vector.broadcast %broadcast_in_dim3A_1740 : i32 to vector<16xi32>
      %gather3A_1742 = tpu.vector_load_idx %arg9[%iota3A, %broadcast_in_dim3A_1741, %and3A_1565] : memref<16x32x128xf32, #tpu.memory_space<vmem>>[vector<16xi32>, vector<16xi32>, vector<16xi32>], vector<16xf32>,
      %gather3A_1743 = tpu.vector_load_idx %arg11[%broadcast_in_dim3A_1741, %min3A_1577] : memref<32x128xf32, #tpu.memory_space<vmem>>[vector<16xi32>, vector<16xi32>], vector<16xf32>,
      %select_n3A_1744 = arith.select %ge3A_1568, %gather3A_1743, %gather3A_1742 : vector<16xi1>, vector<16xf32>
      %swap3A_1745 = arith.constant 18 : i32
      %swap3A_1746 = arith.index_cast %swap3A_1745 : i32 to index
      %swap3A_1747 = arith.constant 0 : index
      %swap3A_1748 = tpu.vector_load %arg13[%swap3A_1746, %swap3A_1747] {strides = array<i32>} : memref<32x16xf32, #tpu.memory_space<vmem>>, vector<16xf32>,
      tpu.vector_store %arg13[%swap3A_1746, %swap3A_1747], %select_n3A_1744 {strides = array<i32>} : memref<32x16xf32, #tpu.memory_space<vmem>>, vector<16xf32>,
      %broadcast_in_dim3A_1749 = arith.constant 19 : i32
      %broadcast_in_dim3A_1750 = vector.broadcast %broadcast_in_dim3A_1749 : i32 to vector<16xi32>
      %gather3A_1751 = tpu.vector_load_idx %arg9[%iota3A, %broadcast_in_dim3A_1750, %and3A_1565] : memref<16x32x128xf32, #tpu.memory_space<vmem>>[vector<16xi32>, vector<16xi32>, vector<16xi32>], vector<16xf32>,
      %gather3A_1752 = tpu.vector_load_idx %arg11[%broadcast_in_dim3A_1750, %min3A_1577] : memref<32x128xf32, #tpu.memory_space<vmem>>[vector<16xi32>, vector<16xi32>], vector<16xf32>,
      %select_n3A_1753 = arith.select %ge3A_1568, %gather3A_1752, %gather3A_1751 : vector<16xi1>, vector<16xf32>
      %swap3A_1754 = arith.constant 19 : i32
      %swap3A_1755 = arith.index_cast %swap3A_1754 : i32 to index
      %swap3A_1756 = arith.constant 0 : index
      %swap3A_1757 = tpu.vector_load %arg13[%swap3A_1755, %swap3A_1756] {strides = array<i32>} : memref<32x16xf32, #tpu.memory_space<vmem>>, vector<16xf32>,
      tpu.vector_store %arg13[%swap3A_1755, %swap3A_1756], %select_n3A_1753 {strides = array<i32>} : memref<32x16xf32, #tpu.memory_space<vmem>>, vector<16xf32>,
      %broadcast_in_dim3A_1758 = arith.constant 20 : i32
      %broadcast_in_dim3A_1759 = vector.broadcast %broadcast_in_dim3A_1758 : i32 to vector<16xi32>
      %gather3A_1760 = tpu.vector_load_idx %arg9[%iota3A, %broadcast_in_dim3A_1759, %and3A_1565] : memref<16x32x128xf32, #tpu.memory_space<vmem>>[vector<16xi32>, vector<16xi32>, vector<16xi32>], vector<16xf32>,
      %gather3A_1761 = tpu.vector_load_idx %arg11[%broadcast_in_dim3A_1759, %min3A_1577] : memref<32x128xf32, #tpu.memory_space<vmem>>[vector<16xi32>, vector<16xi32>], vector<16xf32>,
      %select_n3A_1762 = arith.select %ge3A_1568, %gather3A_1761, %gather3A_1760 : vector<16xi1>, vector<16xf32>
      %swap3A_1763 = arith.constant 20 : i32
      %swap3A_1764 = arith.index_cast %swap3A_1763 : i32 to index
      %swap3A_1765 = arith.constant 0 : index
      %swap3A_1766 = tpu.vector_load %arg13[%swap3A_1764, %swap3A_1765] {strides = array<i32>} : memref<32x16xf32, #tpu.memory_space<vmem>>, vector<16xf32>,
      tpu.vector_store %arg13[%swap3A_1764, %swap3A_1765], %select_n3A_1762 {strides = array<i32>} : memref<32x16xf32, #tpu.memory_space<vmem>>, vector<16xf32>,
      %broadcast_in_dim3A_1767 = arith.constant 21 : i32
      %broadcast_in_dim3A_1768 = vector.broadcast %broadcast_in_dim3A_1767 : i32 to vector<16xi32>
      %gather3A_1769 = tpu.vector_load_idx %arg9[%iota3A, %broadcast_in_dim3A_1768, %and3A_1565] : memref<16x32x128xf32, #tpu.memory_space<vmem>>[vector<16xi32>, vector<16xi32>, vector<16xi32>], vector<16xf32>,
      %gather3A_1770 = tpu.vector_load_idx %arg11[%broadcast_in_dim3A_1768, %min3A_1577] : memref<32x128xf32, #tpu.memory_space<vmem>>[vector<16xi32>, vector<16xi32>], vector<16xf32>,
      %select_n3A_1771 = arith.select %ge3A_1568, %gather3A_1770, %gather3A_1769 : vector<16xi1>, vector<16xf32>
      %swap3A_1772 = arith.constant 21 : i32
      %swap3A_1773 = arith.index_cast %swap3A_1772 : i32 to index
      %swap3A_1774 = arith.constant 0 : index
      %swap3A_1775 = tpu.vector_load %arg13[%swap3A_1773, %swap3A_1774] {strides = array<i32>} : memref<32x16xf32, #tpu.memory_space<vmem>>, vector<16xf32>,
      tpu.vector_store %arg13[%swap3A_1773, %swap3A_1774], %select_n3A_1771 {strides = array<i32>} : memref<32x16xf32, #tpu.memory_space<vmem>>, vector<16xf32>,
      %broadcast_in_dim3A_1776 = arith.constant 22 : i32
      %broadcast_in_dim3A_1777 = vector.broadcast %broadcast_in_dim3A_1776 : i32 to vector<16xi32>
      %gather3A_1778 = tpu.vector_load_idx %arg9[%iota3A, %broadcast_in_dim3A_1777, %and3A_1565] : memref<16x32x128xf32, #tpu.memory_space<vmem>>[vector<16xi32>, vector<16xi32>, vector<16xi32>], vector<16xf32>,
      %gather3A_1779 = tpu.vector_load_idx %arg11[%broadcast_in_dim3A_1777, %min3A_1577] : memref<32x128xf32, #tpu.memory_space<vmem>>[vector<16xi32>, vector<16xi32>], vector<16xf32>,
      %select_n3A_1780 = arith.select %ge3A_1568, %gather3A_1779, %gather3A_1778 : vector<16xi1>, vector<16xf32>
      %swap3A_1781 = arith.constant 22 : i32
      %swap3A_1782 = arith.index_cast %swap3A_1781 : i32 to index
      %swap3A_1783 = arith.constant 0 : index
      %swap3A_1784 = tpu.vector_load %arg13[%swap3A_1782, %swap3A_1783] {strides = array<i32>} : memref<32x16xf32, #tpu.memory_space<vmem>>, vector<16xf32>,
      tpu.vector_store %arg13[%swap3A_1782, %swap3A_1783], %select_n3A_1780 {strides = array<i32>} : memref<32x16xf32, #tpu.memory_space<vmem>>, vector<16xf32>,
      %broadcast_in_dim3A_1785 = arith.constant 23 : i32
      %broadcast_in_dim3A_1786 = vector.broadcast %broadcast_in_dim3A_1785 : i32 to vector<16xi32>
      %gather3A_1787 = tpu.vector_load_idx %arg9[%iota3A, %broadcast_in_dim3A_1786, %and3A_1565] : memref<16x32x128xf32, #tpu.memory_space<vmem>>[vector<16xi32>, vector<16xi32>, vector<16xi32>], vector<16xf32>,
      %gather3A_1788 = tpu.vector_load_idx %arg11[%broadcast_in_dim3A_1786, %min3A_1577] : memref<32x128xf32, #tpu.memory_space<vmem>>[vector<16xi32>, vector<16xi32>], vector<16xf32>,
      %select_n3A_1789 = arith.select %ge3A_1568, %gather3A_1788, %gather3A_1787 : vector<16xi1>, vector<16xf32>
      %swap3A_1790 = arith.constant 23 : i32
      %swap3A_1791 = arith.index_cast %swap3A_1790 : i32 to index
      %swap3A_1792 = arith.constant 0 : index
      %swap3A_1793 = tpu.vector_load %arg13[%swap3A_1791, %swap3A_1792] {strides = array<i32>} : memref<32x16xf32, #tpu.memory_space<vmem>>, vector<16xf32>,
      tpu.vector_store %arg13[%swap3A_1791, %swap3A_1792], %select_n3A_1789 {strides = array<i32>} : memref<32x16xf32, #tpu.memory_space<vmem>>, vector<16xf32>,
      %broadcast_in_dim3A_1794 = arith.constant 24 : i32
      %broadcast_in_dim3A_1795 = vector.broadcast %broadcast_in_dim3A_1794 : i32 to vector<16xi32>
      %gather3A_1796 = tpu.vector_load_idx %arg9[%iota3A, %broadcast_in_dim3A_1795, %and3A_1565] : memref<16x32x128xf32, #tpu.memory_space<vmem>>[vector<16xi32>, vector<16xi32>, vector<16xi32>], vector<16xf32>,
      %gather3A_1797 = tpu.vector_load_idx %arg11[%broadcast_in_dim3A_1795, %min3A_1577] : memref<32x128xf32, #tpu.memory_space<vmem>>[vector<16xi32>, vector<16xi32>], vector<16xf32>,
      %select_n3A_1798 = arith.select %ge3A_1568, %gather3A_1797, %gather3A_1796 : vector<16xi1>, vector<16xf32>
      %swap3A_1799 = arith.constant 24 : i32
      %swap3A_1800 = arith.index_cast %swap3A_1799 : i32 to index
      %swap3A_1801 = arith.constant 0 : index
      %swap3A_1802 = tpu.vector_load %arg13[%swap3A_1800, %swap3A_1801] {strides = array<i32>} : memref<32x16xf32, #tpu.memory_space<vmem>>, vector<16xf32>,
      tpu.vector_store %arg13[%swap3A_1800, %swap3A_1801], %select_n3A_1798 {strides = array<i32>} : memref<32x16xf32, #tpu.memory_space<vmem>>, vector<16xf32>,
      %broadcast_in_dim3A_1803 = arith.constant 25 : i32
      %broadcast_in_dim3A_1804 = vector.broadcast %broadcast_in_dim3A_1803 : i32 to vector<16xi32>
      %gather3A_1805 = tpu.vector_load_idx %arg9[%iota3A, %broadcast_in_dim3A_1804, %and3A_1565] : memref<16x32x128xf32, #tpu.memory_space<vmem>>[vector<16xi32>, vector<16xi32>, vector<16xi32>], vector<16xf32>,
      %gather3A_1806 = tpu.vector_load_idx %arg11[%broadcast_in_dim3A_1804, %min3A_1577] : memref<32x128xf32, #tpu.memory_space<vmem>>[vector<16xi32>, vector<16xi32>], vector<16xf32>,
      %select_n3A_1807 = arith.select %ge3A_1568, %gather3A_1806, %gather3A_1805 : vector<16xi1>, vector<16xf32>
      %swap3A_1808 = arith.constant 25 : i32
      %swap3A_1809 = arith.index_cast %swap3A_1808 : i32 to index
      %swap3A_1810 = arith.constant 0 : index
      %swap3A_1811 = tpu.vector_load %arg13[%swap3A_1809, %swap3A_1810] {strides = array<i32>} : memref<32x16xf32, #tpu.memory_space<vmem>>, vector<16xf32>,
      tpu.vector_store %arg13[%swap3A_1809, %swap3A_1810], %select_n3A_1807 {strides = array<i32>} : memref<32x16xf32, #tpu.memory_space<vmem>>, vector<16xf32>,
      %broadcast_in_dim3A_1812 = arith.constant 26 : i32
      %broadcast_in_dim3A_1813 = vector.broadcast %broadcast_in_dim3A_1812 : i32 to vector<16xi32>
      %gather3A_1814 = tpu.vector_load_idx %arg9[%iota3A, %broadcast_in_dim3A_1813, %and3A_1565] : memref<16x32x128xf32, #tpu.memory_space<vmem>>[vector<16xi32>, vector<16xi32>, vector<16xi32>], vector<16xf32>,
      %gather3A_1815 = tpu.vector_load_idx %arg11[%broadcast_in_dim3A_1813, %min3A_1577] : memref<32x128xf32, #tpu.memory_space<vmem>>[vector<16xi32>, vector<16xi32>], vector<16xf32>,
      %select_n3A_1816 = arith.select %ge3A_1568, %gather3A_1815, %gather3A_1814 : vector<16xi1>, vector<16xf32>
      %swap3A_1817 = arith.constant 26 : i32
      %swap3A_1818 = arith.index_cast %swap3A_1817 : i32 to index
      %swap3A_1819 = arith.constant 0 : index
      %swap3A_1820 = tpu.vector_load %arg13[%swap3A_1818, %swap3A_1819] {strides = array<i32>} : memref<32x16xf32, #tpu.memory_space<vmem>>, vector<16xf32>,
      tpu.vector_store %arg13[%swap3A_1818, %swap3A_1819], %select_n3A_1816 {strides = array<i32>} : memref<32x16xf32, #tpu.memory_space<vmem>>, vector<16xf32>,
      %broadcast_in_dim3A_1821 = arith.constant 27 : i32
      %broadcast_in_dim3A_1822 = vector.broadcast %broadcast_in_dim3A_1821 : i32 to vector<16xi32>
      %gather3A_1823 = tpu.vector_load_idx %arg9[%iota3A, %broadcast_in_dim3A_1822, %and3A_1565] : memref<16x32x128xf32, #tpu.memory_space<vmem>>[vector<16xi32>, vector<16xi32>, vector<16xi32>], vector<16xf32>,
      %gather3A_1824 = tpu.vector_load_idx %arg11[%broadcast_in_dim3A_1822, %min3A_1577] : memref<32x128xf32, #tpu.memory_space<vmem>>[vector<16xi32>, vector<16xi32>], vector<16xf32>,
      %select_n3A_1825 = arith.select %ge3A_1568, %gather3A_1824, %gather3A_1823 : vector<16xi1>, vector<16xf32>
      %swap3A_1826 = arith.constant 27 : i32
      %swap3A_1827 = arith.index_cast %swap3A_1826 : i32 to index
      %swap3A_1828 = arith.constant 0 : index
      %swap3A_1829 = tpu.vector_load %arg13[%swap3A_1827, %swap3A_1828] {strides = array<i32>} : memref<32x16xf32, #tpu.memory_space<vmem>>, vector<16xf32>,
      tpu.vector_store %arg13[%swap3A_1827, %swap3A_1828], %select_n3A_1825 {strides = array<i32>} : memref<32x16xf32, #tpu.memory_space<vmem>>, vector<16xf32>,
      %broadcast_in_dim3A_1830 = arith.constant 28 : i32
      %broadcast_in_dim3A_1831 = vector.broadcast %broadcast_in_dim3A_1830 : i32 to vector<16xi32>
      %gather3A_1832 = tpu.vector_load_idx %arg9[%iota3A, %broadcast_in_dim3A_1831, %and3A_1565] : memref<16x32x128xf32, #tpu.memory_space<vmem>>[vector<16xi32>, vector<16xi32>, vector<16xi32>], vector<16xf32>,
      %gather3A_1833 = tpu.vector_load_idx %arg11[%broadcast_in_dim3A_1831, %min3A_1577] : memref<32x128xf32, #tpu.memory_space<vmem>>[vector<16xi32>, vector<16xi32>], vector<16xf32>,
      %select_n3A_1834 = arith.select %ge3A_1568, %gather3A_1833, %gather3A_1832 : vector<16xi1>, vector<16xf32>
      %swap3A_1835 = arith.constant 28 : i32
      %swap3A_1836 = arith.index_cast %swap3A_1835 : i32 to index
      %swap3A_1837 = arith.constant 0 : index
      %swap3A_1838 = tpu.vector_load %arg13[%swap3A_1836, %swap3A_1837] {strides = array<i32>} : memref<32x16xf32, #tpu.memory_space<vmem>>, vector<16xf32>,
      tpu.vector_store %arg13[%swap3A_1836, %swap3A_1837], %select_n3A_1834 {strides = array<i32>} : memref<32x16xf32, #tpu.memory_space<vmem>>, vector<16xf32>,
      %broadcast_in_dim3A_1839 = arith.constant 29 : i32
      %broadcast_in_dim3A_1840 = vector.broadcast %broadcast_in_dim3A_1839 : i32 to vector<16xi32>
      %gather3A_1841 = tpu.vector_load_idx %arg9[%iota3A, %broadcast_in_dim3A_1840, %and3A_1565] : memref<16x32x128xf32, #tpu.memory_space<vmem>>[vector<16xi32>, vector<16xi32>, vector<16xi32>], vector<16xf32>,
      %gather3A_1842 = tpu.vector_load_idx %arg11[%broadcast_in_dim3A_1840, %min3A_1577] : memref<32x128xf32, #tpu.memory_space<vmem>>[vector<16xi32>, vector<16xi32>], vector<16xf32>,
      %select_n3A_1843 = arith.select %ge3A_1568, %gather3A_1842, %gather3A_1841 : vector<16xi1>, vector<16xf32>
      %swap3A_1844 = arith.constant 29 : i32
      %swap3A_1845 = arith.index_cast %swap3A_1844 : i32 to index
      %swap3A_1846 = arith.constant 0 : index
      %swap3A_1847 = tpu.vector_load %arg13[%swap3A_1845, %swap3A_1846] {strides = array<i32>} : memref<32x16xf32, #tpu.memory_space<vmem>>, vector<16xf32>,
      tpu.vector_store %arg13[%swap3A_1845, %swap3A_1846], %select_n3A_1843 {strides = array<i32>} : memref<32x16xf32, #tpu.memory_space<vmem>>, vector<16xf32>,
      %broadcast_in_dim3A_1848 = arith.constant 30 : i32
      %broadcast_in_dim3A_1849 = vector.broadcast %broadcast_in_dim3A_1848 : i32 to vector<16xi32>
      %gather3A_1850 = tpu.vector_load_idx %arg9[%iota3A, %broadcast_in_dim3A_1849, %and3A_1565] : memref<16x32x128xf32, #tpu.memory_space<vmem>>[vector<16xi32>, vector<16xi32>, vector<16xi32>], vector<16xf32>,
      %gather3A_1851 = tpu.vector_load_idx %arg11[%broadcast_in_dim3A_1849, %min3A_1577] : memref<32x128xf32, #tpu.memory_space<vmem>>[vector<16xi32>, vector<16xi32>], vector<16xf32>,
      %select_n3A_1852 = arith.select %ge3A_1568, %gather3A_1851, %gather3A_1850 : vector<16xi1>, vector<16xf32>
      %swap3A_1853 = arith.constant 30 : i32
      %swap3A_1854 = arith.index_cast %swap3A_1853 : i32 to index
      %swap3A_1855 = arith.constant 0 : index
      %swap3A_1856 = tpu.vector_load %arg13[%swap3A_1854, %swap3A_1855] {strides = array<i32>} : memref<32x16xf32, #tpu.memory_space<vmem>>, vector<16xf32>,
      tpu.vector_store %arg13[%swap3A_1854, %swap3A_1855], %select_n3A_1852 {strides = array<i32>} : memref<32x16xf32, #tpu.memory_space<vmem>>, vector<16xf32>,
      %broadcast_in_dim3A_1857 = arith.constant 31 : i32
      %broadcast_in_dim3A_1858 = vector.broadcast %broadcast_in_dim3A_1857 : i32 to vector<16xi32>
      %gather3A_1859 = tpu.vector_load_idx %arg9[%iota3A, %broadcast_in_dim3A_1858, %and3A_1565] : memref<16x32x128xf32, #tpu.memory_space<vmem>>[vector<16xi32>, vector<16xi32>, vector<16xi32>], vector<16xf32>,
      %gather3A_1860 = tpu.vector_load_idx %arg11[%broadcast_in_dim3A_1858, %min3A_1577] : memref<32x128xf32, #tpu.memory_space<vmem>>[vector<16xi32>, vector<16xi32>], vector<16xf32>,
      %select_n3A_1861 = arith.select %ge3A_1568, %gather3A_1860, %gather3A_1859 : vector<16xi1>, vector<16xf32>
      %swap3A_1862 = arith.constant 31 : i32
      %swap3A_1863 = arith.index_cast %swap3A_1862 : i32 to index
      %swap3A_1864 = arith.constant 0 : index
      %swap3A_1865 = tpu.vector_load %arg13[%swap3A_1863, %swap3A_1864] {strides = array<i32>} : memref<32x16xf32, #tpu.memory_space<vmem>>, vector<16xf32>,
      tpu.vector_store %arg13[%swap3A_1863, %swap3A_1864], %select_n3A_1861 {strides = array<i32>} : memref<32x16xf32, #tpu.memory_space<vmem>>, vector<16xf32>,
      %broadcast_in_dim3A_1866 = arith.constant 0.000000e+00 : f32
      %broadcast_in_dim3A_1867 = vector.broadcast %broadcast_in_dim3A_1866 : f32 to vector<16xf32>
      %get3A_1868 = arith.constant 0 : i32
      %get3A_1869 = arith.index_cast %get3A_1868 : i32 to index
      %get3A_1870 = arith.constant 0 : index
      %get3A_1871 = tpu.vector_load %arg12[%get3A_1869, %get3A_1870] {strides = array<i32>} : memref<32x16xf32, #tpu.memory_space<vmem>>, vector<16xf32>,
      %get3A_1872 = arith.constant 0 : i32
      %get3A_1873 = arith.index_cast %get3A_1872 : i32 to index
      %get3A_1874 = arith.constant 0 : index
      %get3A_1875 = tpu.vector_load %arg13[%get3A_1873, %get3A_1874] {strides = array<i32>} : memref<32x16xf32, #tpu.memory_space<vmem>>, vector<16xf32>,
      %mul3A_1876 = arith.mulf %get3A_1871, %get3A_1875 : vector<16xf32>
      %add3A_1877 = arith.addf %broadcast_in_dim3A_1867, %mul3A_1876 : vector<16xf32>
      %get3A_1878 = arith.constant 1 : i32
      %get3A_1879 = arith.index_cast %get3A_1878 : i32 to index
      %get3A_1880 = arith.constant 0 : index
      %get3A_1881 = tpu.vector_load %arg12[%get3A_1879, %get3A_1880] {strides = array<i32>} : memref<32x16xf32, #tpu.memory_space<vmem>>, vector<16xf32>,
      %get3A_1882 = arith.constant 1 : i32
      %get3A_1883 = arith.index_cast %get3A_1882 : i32 to index
      %get3A_1884 = arith.constant 0 : index
      %get3A_1885 = tpu.vector_load %arg13[%get3A_1883, %get3A_1884] {strides = array<i32>} : memref<32x16xf32, #tpu.memory_space<vmem>>, vector<16xf32>,
      %mul3A_1886 = arith.mulf %get3A_1881, %get3A_1885 : vector<16xf32>
      %add3A_1887 = arith.addf %add3A_1877, %mul3A_1886 : vector<16xf32>
      %get3A_1888 = arith.constant 2 : i32
      %get3A_1889 = arith.index_cast %get3A_1888 : i32 to index
      %get3A_1890 = arith.constant 0 : index
      %get3A_1891 = tpu.vector_load %arg12[%get3A_1889, %get3A_1890] {strides = array<i32>} : memref<32x16xf32, #tpu.memory_space<vmem>>, vector<16xf32>,
      %get3A_1892 = arith.constant 2 : i32
      %get3A_1893 = arith.index_cast %get3A_1892 : i32 to index
      %get3A_1894 = arith.constant 0 : index
      %get3A_1895 = tpu.vector_load %arg13[%get3A_1893, %get3A_1894] {strides = array<i32>} : memref<32x16xf32, #tpu.memory_space<vmem>>, vector<16xf32>,
      %mul3A_1896 = arith.mulf %get3A_1891, %get3A_1895 : vector<16xf32>
      %add3A_1897 = arith.addf %add3A_1887, %mul3A_1896 : vector<16xf32>
      %get3A_1898 = arith.constant 3 : i32
      %get3A_1899 = arith.index_cast %get3A_1898 : i32 to index
      %get3A_1900 = arith.constant 0 : index
      %get3A_1901 = tpu.vector_load %arg12[%get3A_1899, %get3A_1900] {strides = array<i32>} : memref<32x16xf32, #tpu.memory_space<vmem>>, vector<16xf32>,
      %get3A_1902 = arith.constant 3 : i32
      %get3A_1903 = arith.index_cast %get3A_1902 : i32 to index
      %get3A_1904 = arith.constant 0 : index
      %get3A_1905 = tpu.vector_load %arg13[%get3A_1903, %get3A_1904] {strides = array<i32>} : memref<32x16xf32, #tpu.memory_space<vmem>>, vector<16xf32>,
      %mul3A_1906 = arith.mulf %get3A_1901, %get3A_1905 : vector<16xf32>
      %add3A_1907 = arith.addf %add3A_1897, %mul3A_1906 : vector<16xf32>
      %get3A_1908 = arith.constant 4 : i32
      %get3A_1909 = arith.index_cast %get3A_1908 : i32 to index
      %get3A_1910 = arith.constant 0 : index
      %get3A_1911 = tpu.vector_load %arg12[%get3A_1909, %get3A_1910] {strides = array<i32>} : memref<32x16xf32, #tpu.memory_space<vmem>>, vector<16xf32>,
      %get3A_1912 = arith.constant 4 : i32
      %get3A_1913 = arith.index_cast %get3A_1912 : i32 to index
      %get3A_1914 = arith.constant 0 : index
      %get3A_1915 = tpu.vector_load %arg13[%get3A_1913, %get3A_1914] {strides = array<i32>} : memref<32x16xf32, #tpu.memory_space<vmem>>, vector<16xf32>,
      %mul3A_1916 = arith.mulf %get3A_1911, %get3A_1915 : vector<16xf32>
      %add3A_1917 = arith.addf %add3A_1907, %mul3A_1916 : vector<16xf32>
      %get3A_1918 = arith.constant 5 : i32
      %get3A_1919 = arith.index_cast %get3A_1918 : i32 to index
      %get3A_1920 = arith.constant 0 : index
      %get3A_1921 = tpu.vector_load %arg12[%get3A_1919, %get3A_1920] {strides = array<i32>} : memref<32x16xf32, #tpu.memory_space<vmem>>, vector<16xf32>,
      %get3A_1922 = arith.constant 5 : i32
      %get3A_1923 = arith.index_cast %get3A_1922 : i32 to index
      %get3A_1924 = arith.constant 0 : index
      %get3A_1925 = tpu.vector_load %arg13[%get3A_1923, %get3A_1924] {strides = array<i32>} : memref<32x16xf32, #tpu.memory_space<vmem>>, vector<16xf32>,
      %mul3A_1926 = arith.mulf %get3A_1921, %get3A_1925 : vector<16xf32>
      %add3A_1927 = arith.addf %add3A_1917, %mul3A_1926 : vector<16xf32>
      %get3A_1928 = arith.constant 6 : i32
      %get3A_1929 = arith.index_cast %get3A_1928 : i32 to index
      %get3A_1930 = arith.constant 0 : index
      %get3A_1931 = tpu.vector_load %arg12[%get3A_1929, %get3A_1930] {strides = array<i32>} : memref<32x16xf32, #tpu.memory_space<vmem>>, vector<16xf32>,
      %get3A_1932 = arith.constant 6 : i32
      %get3A_1933 = arith.index_cast %get3A_1932 : i32 to index
      %get3A_1934 = arith.constant 0 : index
      %get3A_1935 = tpu.vector_load %arg13[%get3A_1933, %get3A_1934] {strides = array<i32>} : memref<32x16xf32, #tpu.memory_space<vmem>>, vector<16xf32>,
      %mul3A_1936 = arith.mulf %get3A_1931, %get3A_1935 : vector<16xf32>
      %add3A_1937 = arith.addf %add3A_1927, %mul3A_1936 : vector<16xf32>
      %get3A_1938 = arith.constant 7 : i32
      %get3A_1939 = arith.index_cast %get3A_1938 : i32 to index
      %get3A_1940 = arith.constant 0 : index
      %get3A_1941 = tpu.vector_load %arg12[%get3A_1939, %get3A_1940] {strides = array<i32>} : memref<32x16xf32, #tpu.memory_space<vmem>>, vector<16xf32>,
      %get3A_1942 = arith.constant 7 : i32
      %get3A_1943 = arith.index_cast %get3A_1942 : i32 to index
      %get3A_1944 = arith.constant 0 : index
      %get3A_1945 = tpu.vector_load %arg13[%get3A_1943, %get3A_1944] {strides = array<i32>} : memref<32x16xf32, #tpu.memory_space<vmem>>, vector<16xf32>,
      %mul3A_1946 = arith.mulf %get3A_1941, %get3A_1945 : vector<16xf32>
      %add3A_1947 = arith.addf %add3A_1937, %mul3A_1946 : vector<16xf32>
      %get3A_1948 = arith.constant 8 : i32
      %get3A_1949 = arith.index_cast %get3A_1948 : i32 to index
      %get3A_1950 = arith.constant 0 : index
      %get3A_1951 = tpu.vector_load %arg12[%get3A_1949, %get3A_1950] {strides = array<i32>} : memref<32x16xf32, #tpu.memory_space<vmem>>, vector<16xf32>,
      %get3A_1952 = arith.constant 8 : i32
      %get3A_1953 = arith.index_cast %get3A_1952 : i32 to index
      %get3A_1954 = arith.constant 0 : index
      %get3A_1955 = tpu.vector_load %arg13[%get3A_1953, %get3A_1954] {strides = array<i32>} : memref<32x16xf32, #tpu.memory_space<vmem>>, vector<16xf32>,
      %mul3A_1956 = arith.mulf %get3A_1951, %get3A_1955 : vector<16xf32>
      %add3A_1957 = arith.addf %add3A_1947, %mul3A_1956 : vector<16xf32>
      %get3A_1958 = arith.constant 9 : i32
      %get3A_1959 = arith.index_cast %get3A_1958 : i32 to index
      %get3A_1960 = arith.constant 0 : index
      %get3A_1961 = tpu.vector_load %arg12[%get3A_1959, %get3A_1960] {strides = array<i32>} : memref<32x16xf32, #tpu.memory_space<vmem>>, vector<16xf32>,
      %get3A_1962 = arith.constant 9 : i32
      %get3A_1963 = arith.index_cast %get3A_1962 : i32 to index
      %get3A_1964 = arith.constant 0 : index
      %get3A_1965 = tpu.vector_load %arg13[%get3A_1963, %get3A_1964] {strides = array<i32>} : memref<32x16xf32, #tpu.memory_space<vmem>>, vector<16xf32>,
      %mul3A_1966 = arith.mulf %get3A_1961, %get3A_1965 : vector<16xf32>
      %add3A_1967 = arith.addf %add3A_1957, %mul3A_1966 : vector<16xf32>
      %get3A_1968 = arith.constant 10 : i32
      %get3A_1969 = arith.index_cast %get3A_1968 : i32 to index
      %get3A_1970 = arith.constant 0 : index
      %get3A_1971 = tpu.vector_load %arg12[%get3A_1969, %get3A_1970] {strides = array<i32>} : memref<32x16xf32, #tpu.memory_space<vmem>>, vector<16xf32>,
      %get3A_1972 = arith.constant 10 : i32
      %get3A_1973 = arith.index_cast %get3A_1972 : i32 to index
      %get3A_1974 = arith.constant 0 : index
      %get3A_1975 = tpu.vector_load %arg13[%get3A_1973, %get3A_1974] {strides = array<i32>} : memref<32x16xf32, #tpu.memory_space<vmem>>, vector<16xf32>,
      %mul3A_1976 = arith.mulf %get3A_1971, %get3A_1975 : vector<16xf32>
      %add3A_1977 = arith.addf %add3A_1967, %mul3A_1976 : vector<16xf32>
      %get3A_1978 = arith.constant 11 : i32
      %get3A_1979 = arith.index_cast %get3A_1978 : i32 to index
      %get3A_1980 = arith.constant 0 : index
      %get3A_1981 = tpu.vector_load %arg12[%get3A_1979, %get3A_1980] {strides = array<i32>} : memref<32x16xf32, #tpu.memory_space<vmem>>, vector<16xf32>,
      %get3A_1982 = arith.constant 11 : i32
      %get3A_1983 = arith.index_cast %get3A_1982 : i32 to index
      %get3A_1984 = arith.constant 0 : index
      %get3A_1985 = tpu.vector_load %arg13[%get3A_1983, %get3A_1984] {strides = array<i32>} : memref<32x16xf32, #tpu.memory_space<vmem>>, vector<16xf32>,
      %mul3A_1986 = arith.mulf %get3A_1981, %get3A_1985 : vector<16xf32>
      %add3A_1987 = arith.addf %add3A_1977, %mul3A_1986 : vector<16xf32>
      %get3A_1988 = arith.constant 12 : i32
      %get3A_1989 = arith.index_cast %get3A_1988 : i32 to index
      %get3A_1990 = arith.constant 0 : index
      %get3A_1991 = tpu.vector_load %arg12[%get3A_1989, %get3A_1990] {strides = array<i32>} : memref<32x16xf32, #tpu.memory_space<vmem>>, vector<16xf32>,
      %get3A_1992 = arith.constant 12 : i32
      %get3A_1993 = arith.index_cast %get3A_1992 : i32 to index
      %get3A_1994 = arith.constant 0 : index
      %get3A_1995 = tpu.vector_load %arg13[%get3A_1993, %get3A_1994] {strides = array<i32>} : memref<32x16xf32, #tpu.memory_space<vmem>>, vector<16xf32>,
      %mul3A_1996 = arith.mulf %get3A_1991, %get3A_1995 : vector<16xf32>
      %add3A_1997 = arith.addf %add3A_1987, %mul3A_1996 : vector<16xf32>
      %get3A_1998 = arith.constant 13 : i32
      %get3A_1999 = arith.index_cast %get3A_1998 : i32 to index
      %get3A_2000 = arith.constant 0 : index
      %get3A_2001 = tpu.vector_load %arg12[%get3A_1999, %get3A_2000] {strides = array<i32>} : memref<32x16xf32, #tpu.memory_space<vmem>>, vector<16xf32>,
      %get3A_2002 = arith.constant 13 : i32
      %get3A_2003 = arith.index_cast %get3A_2002 : i32 to index
      %get3A_2004 = arith.constant 0 : index
      %get3A_2005 = tpu.vector_load %arg13[%get3A_2003, %get3A_2004] {strides = array<i32>} : memref<32x16xf32, #tpu.memory_space<vmem>>, vector<16xf32>,
      %mul3A_2006 = arith.mulf %get3A_2001, %get3A_2005 : vector<16xf32>
      %add3A_2007 = arith.addf %add3A_1997, %mul3A_2006 : vector<16xf32>
      %get3A_2008 = arith.constant 14 : i32
      %get3A_2009 = arith.index_cast %get3A_2008 : i32 to index
      %get3A_2010 = arith.constant 0 : index
      %get3A_2011 = tpu.vector_load %arg12[%get3A_2009, %get3A_2010] {strides = array<i32>} : memref<32x16xf32, #tpu.memory_space<vmem>>, vector<16xf32>,
      %get3A_2012 = arith.constant 14 : i32
      %get3A_2013 = arith.index_cast %get3A_2012 : i32 to index
      %get3A_2014 = arith.constant 0 : index
      %get3A_2015 = tpu.vector_load %arg13[%get3A_2013, %get3A_2014] {strides = array<i32>} : memref<32x16xf32, #tpu.memory_space<vmem>>, vector<16xf32>,
      %mul3A_2016 = arith.mulf %get3A_2011, %get3A_2015 : vector<16xf32>
      %add3A_2017 = arith.addf %add3A_2007, %mul3A_2016 : vector<16xf32>
      %get3A_2018 = arith.constant 15 : i32
      %get3A_2019 = arith.index_cast %get3A_2018 : i32 to index
      %get3A_2020 = arith.constant 0 : index
      %get3A_2021 = tpu.vector_load %arg12[%get3A_2019, %get3A_2020] {strides = array<i32>} : memref<32x16xf32, #tpu.memory_space<vmem>>, vector<16xf32>,
      %get3A_2022 = arith.constant 15 : i32
      %get3A_2023 = arith.index_cast %get3A_2022 : i32 to index
      %get3A_2024 = arith.constant 0 : index
      %get3A_2025 = tpu.vector_load %arg13[%get3A_2023, %get3A_2024] {strides = array<i32>} : memref<32x16xf32, #tpu.memory_space<vmem>>, vector<16xf32>,
      %mul3A_2026 = arith.mulf %get3A_2021, %get3A_2025 : vector<16xf32>
      %add3A_2027 = arith.addf %add3A_2017, %mul3A_2026 : vector<16xf32>
      %get3A_2028 = arith.constant 16 : i32
      %get3A_2029 = arith.index_cast %get3A_2028 : i32 to index
      %get3A_2030 = arith.constant 0 : index
      %get3A_2031 = tpu.vector_load %arg12[%get3A_2029, %get3A_2030] {strides = array<i32>} : memref<32x16xf32, #tpu.memory_space<vmem>>, vector<16xf32>,
      %get3A_2032 = arith.constant 16 : i32
      %get3A_2033 = arith.index_cast %get3A_2032 : i32 to index
      %get3A_2034 = arith.constant 0 : index
      %get3A_2035 = tpu.vector_load %arg13[%get3A_2033, %get3A_2034] {strides = array<i32>} : memref<32x16xf32, #tpu.memory_space<vmem>>, vector<16xf32>,
      %mul3A_2036 = arith.mulf %get3A_2031, %get3A_2035 : vector<16xf32>
      %add3A_2037 = arith.addf %add3A_2027, %mul3A_2036 : vector<16xf32>
      %get3A_2038 = arith.constant 17 : i32
      %get3A_2039 = arith.index_cast %get3A_2038 : i32 to index
      %get3A_2040 = arith.constant 0 : index
      %get3A_2041 = tpu.vector_load %arg12[%get3A_2039, %get3A_2040] {strides = array<i32>} : memref<32x16xf32, #tpu.memory_space<vmem>>, vector<16xf32>,
      %get3A_2042 = arith.constant 17 : i32
      %get3A_2043 = arith.index_cast %get3A_2042 : i32 to index
      %get3A_2044 = arith.constant 0 : index
      %get3A_2045 = tpu.vector_load %arg13[%get3A_2043, %get3A_2044] {strides = array<i32>} : memref<32x16xf32, #tpu.memory_space<vmem>>, vector<16xf32>,
      %mul3A_2046 = arith.mulf %get3A_2041, %get3A_2045 : vector<16xf32>
      %add3A_2047 = arith.addf %add3A_2037, %mul3A_2046 : vector<16xf32>
      %get3A_2048 = arith.constant 18 : i32
      %get3A_2049 = arith.index_cast %get3A_2048 : i32 to index
      %get3A_2050 = arith.constant 0 : index
      %get3A_2051 = tpu.vector_load %arg12[%get3A_2049, %get3A_2050] {strides = array<i32>} : memref<32x16xf32, #tpu.memory_space<vmem>>, vector<16xf32>,
      %get3A_2052 = arith.constant 18 : i32
      %get3A_2053 = arith.index_cast %get3A_2052 : i32 to index
      %get3A_2054 = arith.constant 0 : index
      %get3A_2055 = tpu.vector_load %arg13[%get3A_2053, %get3A_2054] {strides = array<i32>} : memref<32x16xf32, #tpu.memory_space<vmem>>, vector<16xf32>,
      %mul3A_2056 = arith.mulf %get3A_2051, %get3A_2055 : vector<16xf32>
      %add3A_2057 = arith.addf %add3A_2047, %mul3A_2056 : vector<16xf32>
      %get3A_2058 = arith.constant 19 : i32
      %get3A_2059 = arith.index_cast %get3A_2058 : i32 to index
      %get3A_2060 = arith.constant 0 : index
      %get3A_2061 = tpu.vector_load %arg12[%get3A_2059, %get3A_2060] {strides = array<i32>} : memref<32x16xf32, #tpu.memory_space<vmem>>, vector<16xf32>,
      %get3A_2062 = arith.constant 19 : i32
      %get3A_2063 = arith.index_cast %get3A_2062 : i32 to index
      %get3A_2064 = arith.constant 0 : index
      %get3A_2065 = tpu.vector_load %arg13[%get3A_2063, %get3A_2064] {strides = array<i32>} : memref<32x16xf32, #tpu.memory_space<vmem>>, vector<16xf32>,
      %mul3A_2066 = arith.mulf %get3A_2061, %get3A_2065 : vector<16xf32>
      %add3A_2067 = arith.addf %add3A_2057, %mul3A_2066 : vector<16xf32>
      %get3A_2068 = arith.constant 20 : i32
      %get3A_2069 = arith.index_cast %get3A_2068 : i32 to index
      %get3A_2070 = arith.constant 0 : index
      %get3A_2071 = tpu.vector_load %arg12[%get3A_2069, %get3A_2070] {strides = array<i32>} : memref<32x16xf32, #tpu.memory_space<vmem>>, vector<16xf32>,
      %get3A_2072 = arith.constant 20 : i32
      %get3A_2073 = arith.index_cast %get3A_2072 : i32 to index
      %get3A_2074 = arith.constant 0 : index
      %get3A_2075 = tpu.vector_load %arg13[%get3A_2073, %get3A_2074] {strides = array<i32>} : memref<32x16xf32, #tpu.memory_space<vmem>>, vector<16xf32>,
      %mul3A_2076 = arith.mulf %get3A_2071, %get3A_2075 : vector<16xf32>
      %add3A_2077 = arith.addf %add3A_2067, %mul3A_2076 : vector<16xf32>
      %get3A_2078 = arith.constant 21 : i32
      %get3A_2079 = arith.index_cast %get3A_2078 : i32 to index
      %get3A_2080 = arith.constant 0 : index
      %get3A_2081 = tpu.vector_load %arg12[%get3A_2079, %get3A_2080] {strides = array<i32>} : memref<32x16xf32, #tpu.memory_space<vmem>>, vector<16xf32>,
      %get3A_2082 = arith.constant 21 : i32
      %get3A_2083 = arith.index_cast %get3A_2082 : i32 to index
      %get3A_2084 = arith.constant 0 : index
      %get3A_2085 = tpu.vector_load %arg13[%get3A_2083, %get3A_2084] {strides = array<i32>} : memref<32x16xf32, #tpu.memory_space<vmem>>, vector<16xf32>,
      %mul3A_2086 = arith.mulf %get3A_2081, %get3A_2085 : vector<16xf32>
      %add3A_2087 = arith.addf %add3A_2077, %mul3A_2086 : vector<16xf32>
      %get3A_2088 = arith.constant 22 : i32
      %get3A_2089 = arith.index_cast %get3A_2088 : i32 to index
      %get3A_2090 = arith.constant 0 : index
      %get3A_2091 = tpu.vector_load %arg12[%get3A_2089, %get3A_2090] {strides = array<i32>} : memref<32x16xf32, #tpu.memory_space<vmem>>, vector<16xf32>,
      %get3A_2092 = arith.constant 22 : i32
      %get3A_2093 = arith.index_cast %get3A_2092 : i32 to index
      %get3A_2094 = arith.constant 0 : index
      %get3A_2095 = tpu.vector_load %arg13[%get3A_2093, %get3A_2094] {strides = array<i32>} : memref<32x16xf32, #tpu.memory_space<vmem>>, vector<16xf32>,
      %mul3A_2096 = arith.mulf %get3A_2091, %get3A_2095 : vector<16xf32>
      %add3A_2097 = arith.addf %add3A_2087, %mul3A_2096 : vector<16xf32>
      %get3A_2098 = arith.constant 23 : i32
      %get3A_2099 = arith.index_cast %get3A_2098 : i32 to index
      %get3A_2100 = arith.constant 0 : index
      %get3A_2101 = tpu.vector_load %arg12[%get3A_2099, %get3A_2100] {strides = array<i32>} : memref<32x16xf32, #tpu.memory_space<vmem>>, vector<16xf32>,
      %get3A_2102 = arith.constant 23 : i32
      %get3A_2103 = arith.index_cast %get3A_2102 : i32 to index
      %get3A_2104 = arith.constant 0 : index
      %get3A_2105 = tpu.vector_load %arg13[%get3A_2103, %get3A_2104] {strides = array<i32>} : memref<32x16xf32, #tpu.memory_space<vmem>>, vector<16xf32>,
      %mul3A_2106 = arith.mulf %get3A_2101, %get3A_2105 : vector<16xf32>
      %add3A_2107 = arith.addf %add3A_2097, %mul3A_2106 : vector<16xf32>
      %get3A_2108 = arith.constant 24 : i32
      %get3A_2109 = arith.index_cast %get3A_2108 : i32 to index
      %get3A_2110 = arith.constant 0 : index
      %get3A_2111 = tpu.vector_load %arg12[%get3A_2109, %get3A_2110] {strides = array<i32>} : memref<32x16xf32, #tpu.memory_space<vmem>>, vector<16xf32>,
      %get3A_2112 = arith.constant 24 : i32
      %get3A_2113 = arith.index_cast %get3A_2112 : i32 to index
      %get3A_2114 = arith.constant 0 : index
      %get3A_2115 = tpu.vector_load %arg13[%get3A_2113, %get3A_2114] {strides = array<i32>} : memref<32x16xf32, #tpu.memory_space<vmem>>, vector<16xf32>,
      %mul3A_2116 = arith.mulf %get3A_2111, %get3A_2115 : vector<16xf32>
      %add3A_2117 = arith.addf %add3A_2107, %mul3A_2116 : vector<16xf32>
      %get3A_2118 = arith.constant 25 : i32
      %get3A_2119 = arith.index_cast %get3A_2118 : i32 to index
      %get3A_2120 = arith.constant 0 : index
      %get3A_2121 = tpu.vector_load %arg12[%get3A_2119, %get3A_2120] {strides = array<i32>} : memref<32x16xf32, #tpu.memory_space<vmem>>, vector<16xf32>,
      %get3A_2122 = arith.constant 25 : i32
      %get3A_2123 = arith.index_cast %get3A_2122 : i32 to index
      %get3A_2124 = arith.constant 0 : index
      %get3A_2125 = tpu.vector_load %arg13[%get3A_2123, %get3A_2124] {strides = array<i32>} : memref<32x16xf32, #tpu.memory_space<vmem>>, vector<16xf32>,
      %mul3A_2126 = arith.mulf %get3A_2121, %get3A_2125 : vector<16xf32>
      %add3A_2127 = arith.addf %add3A_2117, %mul3A_2126 : vector<16xf32>
      %get3A_2128 = arith.constant 26 : i32
      %get3A_2129 = arith.index_cast %get3A_2128 : i32 to index
      %get3A_2130 = arith.constant 0 : index
      %get3A_2131 = tpu.vector_load %arg12[%get3A_2129, %get3A_2130] {strides = array<i32>} : memref<32x16xf32, #tpu.memory_space<vmem>>, vector<16xf32>,
      %get3A_2132 = arith.constant 26 : i32
      %get3A_2133 = arith.index_cast %get3A_2132 : i32 to index
      %get3A_2134 = arith.constant 0 : index
      %get3A_2135 = tpu.vector_load %arg13[%get3A_2133, %get3A_2134] {strides = array<i32>} : memref<32x16xf32, #tpu.memory_space<vmem>>, vector<16xf32>,
      %mul3A_2136 = arith.mulf %get3A_2131, %get3A_2135 : vector<16xf32>
      %add3A_2137 = arith.addf %add3A_2127, %mul3A_2136 : vector<16xf32>
      %get3A_2138 = arith.constant 27 : i32
      %get3A_2139 = arith.index_cast %get3A_2138 : i32 to index
      %get3A_2140 = arith.constant 0 : index
      %get3A_2141 = tpu.vector_load %arg12[%get3A_2139, %get3A_2140] {strides = array<i32>} : memref<32x16xf32, #tpu.memory_space<vmem>>, vector<16xf32>,
      %get3A_2142 = arith.constant 27 : i32
      %get3A_2143 = arith.index_cast %get3A_2142 : i32 to index
      %get3A_2144 = arith.constant 0 : index
      %get3A_2145 = tpu.vector_load %arg13[%get3A_2143, %get3A_2144] {strides = array<i32>} : memref<32x16xf32, #tpu.memory_space<vmem>>, vector<16xf32>,
      %mul3A_2146 = arith.mulf %get3A_2141, %get3A_2145 : vector<16xf32>
      %add3A_2147 = arith.addf %add3A_2137, %mul3A_2146 : vector<16xf32>
      %get3A_2148 = arith.constant 28 : i32
      %get3A_2149 = arith.index_cast %get3A_2148 : i32 to index
      %get3A_2150 = arith.constant 0 : index
      %get3A_2151 = tpu.vector_load %arg12[%get3A_2149, %get3A_2150] {strides = array<i32>} : memref<32x16xf32, #tpu.memory_space<vmem>>, vector<16xf32>,
      %get3A_2152 = arith.constant 28 : i32
      %get3A_2153 = arith.index_cast %get3A_2152 : i32 to index
      %get3A_2154 = arith.constant 0 : index
      %get3A_2155 = tpu.vector_load %arg13[%get3A_2153, %get3A_2154] {strides = array<i32>} : memref<32x16xf32, #tpu.memory_space<vmem>>, vector<16xf32>,
      %mul3A_2156 = arith.mulf %get3A_2151, %get3A_2155 : vector<16xf32>
      %add3A_2157 = arith.addf %add3A_2147, %mul3A_2156 : vector<16xf32>
      %get3A_2158 = arith.constant 29 : i32
      %get3A_2159 = arith.index_cast %get3A_2158 : i32 to index
      %get3A_2160 = arith.constant 0 : index
      %get3A_2161 = tpu.vector_load %arg12[%get3A_2159, %get3A_2160] {strides = array<i32>} : memref<32x16xf32, #tpu.memory_space<vmem>>, vector<16xf32>,
      %get3A_2162 = arith.constant 29 : i32
      %get3A_2163 = arith.index_cast %get3A_2162 : i32 to index
      %get3A_2164 = arith.constant 0 : index
      %get3A_2165 = tpu.vector_load %arg13[%get3A_2163, %get3A_2164] {strides = array<i32>} : memref<32x16xf32, #tpu.memory_space<vmem>>, vector<16xf32>,
      %mul3A_2166 = arith.mulf %get3A_2161, %get3A_2165 : vector<16xf32>
      %add3A_2167 = arith.addf %add3A_2157, %mul3A_2166 : vector<16xf32>
      %get3A_2168 = arith.constant 30 : i32
      %get3A_2169 = arith.index_cast %get3A_2168 : i32 to index
      %get3A_2170 = arith.constant 0 : index
      %get3A_2171 = tpu.vector_load %arg12[%get3A_2169, %get3A_2170] {strides = array<i32>} : memref<32x16xf32, #tpu.memory_space<vmem>>, vector<16xf32>,
      %get3A_2172 = arith.constant 30 : i32
      %get3A_2173 = arith.index_cast %get3A_2172 : i32 to index
      %get3A_2174 = arith.constant 0 : index
      %get3A_2175 = tpu.vector_load %arg13[%get3A_2173, %get3A_2174] {strides = array<i32>} : memref<32x16xf32, #tpu.memory_space<vmem>>, vector<16xf32>,
      %mul3A_2176 = arith.mulf %get3A_2171, %get3A_2175 : vector<16xf32>
      %add3A_2177 = arith.addf %add3A_2167, %mul3A_2176 : vector<16xf32>
      %get3A_2178 = arith.constant 31 : i32
      %get3A_2179 = arith.index_cast %get3A_2178 : i32 to index
      %get3A_2180 = arith.constant 0 : index
      %get3A_2181 = tpu.vector_load %arg12[%get3A_2179, %get3A_2180] {strides = array<i32>} : memref<32x16xf32, #tpu.memory_space<vmem>>, vector<16xf32>,
      %get3A_2182 = arith.constant 31 : i32
      %get3A_2183 = arith.index_cast %get3A_2182 : i32 to index
      %get3A_2184 = arith.constant 0 : index
      %get3A_2185 = tpu.vector_load %arg13[%get3A_2183, %get3A_2184] {strides = array<i32>} : memref<32x16xf32, #tpu.memory_space<vmem>>, vector<16xf32>,
      %mul3A_2186 = arith.mulf %get3A_2181, %get3A_2185 : vector<16xf32>
      %add3A_2187 = arith.addf %add3A_2177, %mul3A_2186 : vector<16xf32>
      %mul3A_2188 = arith.constant 16 : i32
      %mul3A_2189 = arith.muli %scan3A_14, %mul3A_2188 : i32
      %swap3A_2190 = arith.index_cast %mul3A_2189 : i32 to index
      %swap3A_2191 = tpu.vector_load %arg14[%swap3A_2190] {strides = array<i32>} : memref<512xf32, #tpu.memory_space<vmem>>, vector<16xf32>,
      tpu.vector_store %arg14[%swap3A_2190], %add3A_2187 {strides = array<i32>} : memref<512xf32, #tpu.memory_space<vmem>>, vector<16xf32>,
    }
    %scan3A_13 = arith.constant 32 : i32
    "tpu.region"() ({
      %run_scoped3A = tpu.sem_alloc : memref<!tpu.dma_semaphore, #tpu.memory_space<semaphore_mem>>
      %dma_start3A_14 = tpu.memref_slice %arg7[%mul3A_2] : memref<16384xf32, #tpu.memory_space<hbm>> -> memref<512xf32, #tpu.memory_space<hbm>>
      %dma_start3A_15 = tpu.memref_slice %arg7[%mul3A_2] : memref<16384xf32, #tpu.memory_space<hbm>> -> memref<512xf32, #tpu.memory_space<hbm>>
      tpu.enqueue_dma source(%arg14 : memref<512xf32, #tpu.memory_space<vmem>>) target(%dma_start3A_15 : memref<512xf32, #tpu.memory_space<hbm>>) target_semaphore(%run_scoped3A : memref<!tpu.dma_semaphore, #tpu.memory_space<semaphore_mem>>)
      %dma_wait3A_16 = tpu.memref_slice %arg7[%mul3A_2] : memref<16384xf32, #tpu.memory_space<hbm>> -> memref<512xf32, #tpu.memory_space<hbm>>
      %dma_wait3A_17 = tpu.memref_slice %arg7[%mul3A_2] : memref<16384xf32, #tpu.memory_space<hbm>> -> memref<512xf32, #tpu.memory_space<hbm>>
      tpu.wait_dma2 semaphore(%run_scoped3A : memref<!tpu.dma_semaphore, #tpu.memory_space<semaphore_mem>>) src(%arg14 : memref<512xf32, #tpu.memory_space<vmem>>) dst(%dma_wait3A_17 : memref<512xf32, #tpu.memory_space<hbm>>)
      tpu.yield
    }) : () -> ()
    return
  }
}

</mosaic_0001>

<sc_bundles>
// kernel: kernel.3.cloned.1.call-start
scs
__scs_entry_jumppad:
0x0: {  	(pc) =	sbr.rel $0x88, $3  }
0x1: {  	(tag) =	ssettag $0x0;
	lr =	simm.s32 $0x1  }
0x2: {  	[smem:$0x3F9E] =	sst lr;
	_ =	strace $0xD0000000  }
0x3: {  	_ = 	snop  }
0x4: {  	_ = 	snop  }
0x5: {  	_ = 	snop  }
0x6: {  	_ = 	snop  }
0x7: {  	_ = 	snop  }
__scs_overlays_trampoline_lowered:
0x8: {  	[smem:$0x3FAD] =	sst s0  }
0x9: {  	[smem:$0x3FAE] =	sst s1  }
0xa: {  	[smem:$0x3FAF] =	sst s2  }
0xb: {  	[smem:$0x3FB0] =	sst s3  }
0xc: {  	[smem:$0x3FB1] =	sst s4  }
0xd: {  	[smem:$0x3FB2] =	sst s5  }
0xe: {  	[smem:$0x3FB3] =	sst s6  }
0xf: {  	[smem:$0x3FB4] =	sst s7  }
0x10: {  	[smem:$0x3FB5] =	sst s8  }
0x11: {  	[smem:$0x3FB6] =	sst s9;
	s0 =	simm.s32 @!p0 $0x0  }
0x12: {  	s1 =	sld [smem:$0x3F9C];
	s0 =	simm.s32 @p0 $0x1  }
0x13: {  	[smem:$0x3FB7] =	sst s0;
	s0 =	simm.s32 @!p1 $0x0  }
0x14: {  	s2 =	sld [smem:$0x3F9B];
	s0 =	simm.s32 @p1 $0x1  }
0x15: {  	[smem:$0x3FB8] =	sst s0;
	s0 =	simm.s32 @!p2 $0x0  }
0x16: {  	s3 =	sld [smem:$0x3FDB];
	s0 =	simm.s32 @p2 $0x1  }
0x17: {  	s4 =	simm.s32 $0x1BF5;
	[smem:$0x3FBA] =	sst s0  }
0x18: {  	s0 =	sld [smem:$0x3F9D];
	_ =	swait.ge [sflag:s4], $0x0  }
0x19: {  	s7 =	sld [smem:$0x3F9E]  }
0x1a: {  	s8 =	sadd.s32 $0xFFFFE003, lr  }
0x1b: {  	s9 =	sadd.s32 $0xFFFFFEF7, lr;
	s5 =	simm.s32 $0xFFFFFFFF;
	p2 =	slt.u32 s8, $0xFFFFF086  }
0x1c: {  	p1 =	slt.u32 s9, $0xF7A;
	s5 =	simm.s32 @!p2 $0x0  }
0x1d: {  	s5 =	simm.s32 @p1 $0x1;
	p0 =	seq.s32 s7, s2  }
0x1e: {  	s7 =	smul.u32 @!p0 $0xF7A, s2;
	p2 =	seq.s32 @!p0 s5, $0x0  }
0x1f: {  	s9 =	smul.u32 $0xF7A, s1;
	s8 =	simm.s32 @!p0 $0x1BF5;
	p2 =	por !p2, p0  }
0x20: {  	[sflag:s8] =	ssyncset.s32 @!p0 $0xFFFFF086;
	s6 =	sadd.s32 @!p0 s3, s7;
	s7 =	simm.s32 @!p0 $0x108  }
0x21: {  	s3 =	sadd.s32 s3, s9;
	s6 =	sadd.s32 @!p0 $0x88, s6;
	s7 =	simm.s32 @p2 $0x1082  }
0x22: {  	[simem:s7], [sflag:s8] =	dma.local @!p0 [hbm:s6], $0xF7A  }
0x23: {  	s9 =	sor.u32 $0xD0000000, s2;
	s6 =	simm.s32 $0x108;
	_ =	swait.ge @!p0 [sflag:s8], $0x0  }
0x24: {  	s3 =	sadd.s32 $0x88, s3;
	s6 =	simm.s32 @!p1 $0x1082;
	[sflag:s4] =	ssyncset.s32 $0xFFFFF086  }
0x25: {  	[simem:s6], [sflag:s4] =	dma.local [hbm:s3], $0xF7A  }
0x26: {  	[smem:$0x3F9E] =	sst s1;
	(tag) =	ssettag s2;
	_ =	strace s9  }
0x27: {  	s1 =	sld [smem:$0x3FAE]  }
0x28: {  	s2 =	sld [smem:$0x3FAF]  }
0x29: {  	s4 =	sld [smem:$0x3FB1]  }
0x2a: {  	p0 =	seq.s32 s5, $0x0;
	s5 =	sld [smem:$0x3FB2]  }
0x2b: {  	s6 =	sld [smem:$0x3FB3]  }
0x2c: {  	s7 =	sld [smem:$0x3FB4]  }
0x2d: {  	s3 =	simm.s32 $0x108;
	s8 =	sld [smem:$0x3FB5]  }
0x2e: {  	s3 =	simm.s32 @!p0 $0x1082;
	s9 =	sld [smem:$0x3FB6]  }
0x2f: {  	lr =	sadd.s32 s0, s3;
	s0 =	sld [smem:$0x3FAD]  }
0x30: {  	s3 =	sld [smem:$0x3FB0]  }
0x31: {  	[smem:$0x3FB9] =	sst s10  }
0x32: {  	s10 =	sld [smem:$0x3FB7];
	_ =	sdelay $0x3  }
0x33: {  	p0 =	seq.s32 s10, $0x1;
	s10 =	sld [smem:$0x3FB9];
	_ =	sdelay $0x3  }
0x34: {  	[smem:$0x3FB9] =	sst s10  }
0x35: {  	s10 =	sld [smem:$0x3FB8];
	_ =	sdelay $0x3  }
0x36: {  	p1 =	seq.s32 s10, $0x1;
	s10 =	sld [smem:$0x3FB9];
	_ =	sdelay $0x3  }
0x37: {  	[smem:$0x3FB9] =	sst s10  }
0x38: {  	s10 =	sld [smem:$0x3FBA]  }
0x39: {  	_ = 	snop;
	(pc) =	sbr.ind lr, $3  }
0x3a: {  	_ = 	snop  }
0x3b: {  	_ = 	snop  }
0x3c: {  	p2 =	seq.s32 s10, $0x1;
	s10 =	sld [smem:$0x3FB9]  }
0x3d: {  	_ =	shalt  }
0x3e: {  	_ =	shalt  }
0x3f: {  	_ =	shalt  }
0x40: {  	_ =	shalt  }
0x41: {  	_ =	shalt  }
0x42: {  	_ =	shalt  }
0x43: {  	_ =	shalt  }
0x44: {  	_ =	shalt  }
0x45: {  	_ =	shalt  }
0x46: {  	_ =	shalt  }
0x47: {  	_ =	shalt  }
0x48: {  	_ =	shalt  }
0x49: {  	_ =	shalt  }
0x4a: {  	_ =	shalt  }
0x4b: {  	_ =	shalt  }
0x4c: {  	_ =	shalt  }
0x4d: {  	_ =	shalt  }
0x4e: {  	_ =	shalt  }
0x4f: {  	_ =	shalt  }
0x50: {  	_ =	shalt  }
0x51: {  	_ =	shalt  }
0x52: {  	_ =	shalt  }
0x53: {  	_ =	shalt  }
0x54: {  	_ =	shalt  }
0x55: {  	_ =	shalt  }
0x56: {  	_ =	shalt  }
0x57: {  	_ =	shalt  }
0x58: {  	_ =	shalt  }
0x59: {  	_ =	shalt  }
0x5a: {  	_ =	shalt  }
0x5b: {  	_ =	shalt  }
0x5c: {  	_ =	shalt  }
0x5d: {  	_ =	shalt  }
0x5e: {  	_ =	shalt  }
0x5f: {  	_ =	shalt  }
0x60: {  	_ =	shalt  }
0x61: {  	_ =	shalt  }
0x62: {  	_ =	shalt  }
0x63: {  	_ =	shalt  }
0x64: {  	_ =	shalt  }
0x65: {  	_ =	shalt  }
0x66: {  	_ =	shalt  }
0x67: {  	_ =	shalt  }
0x68: {  	_ =	shalt  }
0x69: {  	_ =	shalt  }
0x6a: {  	_ =	shalt  }
0x6b: {  	_ =	shalt  }
0x6c: {  	_ =	shalt  }
0x6d: {  	_ =	shalt  }
0x6e: {  	_ =	shalt  }
0x6f: {  	_ =	shalt  }
0x70: {  	_ =	shalt  }
0x71: {  	_ =	shalt  }
0x72: {  	_ =	shalt  }
0x73: {  	_ =	shalt  }
0x74: {  	_ =	shalt  }
0x75: {  	_ =	shalt  }
0x76: {  	_ =	shalt  }
0x77: {  	_ =	shalt  }
0x78: {  	_ =	shalt  }
0x79: {  	_ =	shalt  }
0x7a: {  	_ =	shalt  }
0x7b: {  	_ =	shalt  }
0x7c: {  	_ =	shalt  }
0x7d: {  	_ =	shalt  }
0x7e: {  	_ =	shalt  }
0x7f: {  	_ =	shalt  }
0x80: {  	_ =	shalt  }
0x81: {  	_ =	shalt  }
0x82: {  	_ =	shalt  }
0x83: {  	_ =	shalt  }
0x84: {  	_ =	shalt  }
0x85: {  	_ =	shalt  }
0x86: {  	_ =	shalt  }
0x87: {  	_ =	shalt  }
.Lfunc_end0:
.L_simem_size_0:
called_computation_lowered:
.L_overlay_start_0:
0x88: {  	s2 =	sld [smem:$0x3FD9]  }
0x89: {  	s3 =	sld [smem:$0x3FFE];
	_ =	sdelay $0x1  }
0x8a: {  	s1 =	srdreg.scid  }
0x8b: {  	s0 =	sand.u32 $0x1, s1  }
0x8c: {  	s17 =	sshll.u32 s0, $0xA;
	s2 =	sadd.s32 s3, s2  }
0x8d: {  	s2 =	sadd.s32 s2, s17  }
0x8e: {  	[smem:$0x3FC5] =	sst s2  }
0x8f: {  	_ = 	snop  }
0x90: {  	s2 =	sld [smem:$0x3FC9]  }
0x91: {  	s18 =	sld [smem:$0x3FC8]  }
0x92: {  	s4 =	sld [smem:$0x3FC7]  }
0x93: {  	s5 =	sld [smem:$0x3FD0];
	(tm) =	ssettm $0x1  }
0x94: {  	s6 =	sld [smem:$0x3FFB];
	_ =	sdelay $0x3  }
0x95: {  	_ =	strace s6  }
0x96: {  	s6 =	sld [smem:$0x3FFC];
	_ =	sdelay $0x3  }
0x97: {  	_ =	strace s6  }
0x98: {  	s6 =	sld [smem:$0x3FFD];
	_ =	sdelay $0x3  }
0x99: {  	_ =	strace s6  }
0x9a: {  	_ =	strace $0x8FFFFFFF  }
0x9b: {  	s19 =	sld [smem:$0x3FDB];
	_ =	sdelay $0x1  }
0x9c: {  	s7 =	simm.s32 $_scs_section_size  }
0x9d: {  	s8 =	simm.s32 $_size__tile_overlayer_lowered;
	s9 =	simm.s32 $_tile_overlayer_lowered  }
0x9e: {  	s22 =	simm.s32 $0x1BFF;
	s21 =	sshll.u32 s9, $0x1;
	s6 =	sadd.s32 s7, s19  }
0x9f: {  	s10 =	simm.s32 $0x0;
	s20 =	sshll.u32 s8, $0x1;
	s8 =	sadd.s32 s21, s6  }
0xa0: {  	[timem:s10], [sflag:s22] =	dma.local [hbm:s8], s20  }
0xa1: {  	_ =	swait.ge [sflag:s22], s20  }
0xa2: {  	s7 =	ssub.s32 $0x0, s20;
	[sflag:s22] =	ssyncset.done $0x0  }
0xa3: {  	[sflag:s22] =	ssyncadd.s32 s7;
	_ =	sdelay $0x1  }
0xa4: {  	s23 =	simm.s32 $0x1B8B  }
0xa5: {  	_ =	swait.ge [sflag:s23], $0x1  }
0xa6: {  	[sflag:s23] =	ssyncset.done $0x0  }
0xa7: {  	s25 =	simm.s32 $0x1B8E;
	s24 =	sld [smem:$0x3FFE];
	[sflag:s23] =	ssyncadd.s32 $0xFFFFFFFF  }
0xa8: {  	s26 =	simm.s32 $execute0_lowered;
	[smem:$0x3FD2] =	sst s25  }
0xa9: {  	s8 =	sshll.u32 s26, $0x1;
	_ =	strace $0x80000046;
	[dreg:$0x1] =	wrdreg $0xFFFFFFFF  }
0xaa: {  	s28 =	simm.s32 $_size_execute0_lowered;
	s6 =	sadd.s32 s6, s8;
	[dreg:$0x0] =	wrdreg $0x0  }
0xab: {  	s8 =	sshll.u32 s28, $0x1;
	[dreg:$0x2] =	wrdreg s6  }
0xac: {  	[dreg:$0x3] =	wrdreg s8  }
0xad: {  	[dreg:$0x4] =	wrdreg $0xC0  }
0xae: {  	_ =	task [dreg:s10], $0x5FFFF  }
0xaf: {  	[dreg:$0x1] =	wrdreg $0xFFFFFFFF  }
0xb0: {  	[dreg:$0x0] =	wrdreg $0x60  }
0xb1: {  	[dreg:$0x2] =	wrdreg s2  }
0xb2: {  	[dreg:$0x3] =	wrdreg s18  }
0xb3: {  	[dreg:$0x4] =	wrdreg s4  }
0xb4: {  	[dreg:$0x5] =	wrdreg s24  }
0xb5: {  	[dreg:$0x6] =	wrdreg s5  }
0xb6: {  	[dreg:$0x7] =	wrdreg $0x9  }
0xb7: {  	_ =	task.clear_ibuf [dreg:s10], $0x8FFFF;
	_ =	strace $0x90000046  }
0xb8: {  	s29 =	simm.s32 $0x9;
	_ =	strace $0x80000048  }
0xb9: {  	_ =	swait.ge [sflag:s29], $0x1  }
0xba: {  	[sflag:s29] =	ssyncadd.s32 $0xFFFFFFFF  }
0xbb: {  	_ =	strace $0x90000048  }
0xbc: {  	_ =	sfence  }
0xbd: {  	s30 =	sld [smem:$0x0];
	_ =	sdelay $0x2  }
0xbe: {  	s31 =	sshll.u32 s1, $0xD;
	s1 =	sshrl.u32 s1, $0x2  }
0xbf: {  	s3 =	sand.u32 $0x4000, s31;
	s1 =	sadd.s32 s1, s30  }
0xc0: {  	s0 =	sor.u32 s3, s0;
	s1 =	sshll.u32 s1, $0x11  }
0xc1: {  	s0 =	sor.u32 s1, s0  }
0xc2: {  	s0 =	sadd.s32 $0x8F2B, s0  }
0xc3: {  	[sflag:s0] =	ssyncadd.remote.s32 $0x1  }
0xc4: {  	_ =	sfence.sel $0xFFFF  }
0xc5: {  	[dreg:$0x0] =	wrdreg $0xFFFFFFFF;
	(pc) =	sbr.abs _section_cstart, $3  }
0xc6: {  	[dreg:$0x1] =	wrdreg $0xFFFFFFFF  }
0xc7: {  	_ =	task.clear_ibuf [dreg:s10], $0x2FFFF;
	_ =	strace $0x9FFFFFFF  }
0xc8: {  	(tm) =	ssettm $0x7FFFFFFF  }
0xc9: {  	_ =	shalt  }
tec
execute0_lowered:
.L_overlay_start_1:
0x0: {  	(tag) =	ssettag $0x1  }
0x1: {  	s0 =	rddreg [dreg:$0x0]  }
0x2: {  	s1 =	rddreg [dreg:$0x1]  }
0x3: {  	s2 =	rddreg [dreg:$0x2]  }
0x4: {  	s4 =	rddreg [dreg:$0x3]  }
0x5: {  	s5 =	rddreg [dreg:$0x4];
	s3 =	simm.s32 $0x0;
	s6 =	srdreg.scid  }
0x6: {  	s8 =	stileid.u32;
	s10 =	simm.s32 $0x2;
	s11 =	simm.s32 $0x10400  }
0x7: {  	v0 =	vlaneseq.u32;
	s12 =	simm.s32 $0x7A1400;
	s13 =	simm.s32 $0x11400;
	s14 =	simm.s32 $0x400  }
0x8: {  	s15 =	simm.s32 $0x1400;
	s16 =	simm.s32 $0x2400;
	s17 =	simm.s32 $0x3400;
	v6 =	vmul.u32 $0x1000, v0  }
0x9: {  	s18 =	simm.s32 $0x4400;
	s19 =	simm.s32 $0x5400;
	s20 =	simm.s32 $0x6400  }
0xa: {  	s21 =	simm.s32 $0x7400;
	s28 =	simm.s32 $0xD400;
	s29 =	simm.s32 $0xE400;
	v37 =	vor.u32 $0x80, v6  }
0xb: {  	s30 =	simm.s32 $0xF400;
	s31 =	simm.s32 $0x1;
	[smem:$0x7FF] =	sst s3;
	v39 =	vor.u32 $0x100, v6;
	v5 =	vor.u32 $0x180, v6;
	v4 =	vor.u32 $0x200, v6  }
0xc: {  	s7 =	sadd.s32 $0x800, s4;
	s6 =	sand.u32 $0x1, s6;
	s8 =	sshll.u32 s8, $0xA;
	v11 =	vor.u32 $0x280, v6;
	v28 =	vor.u32 $0x300, v6;
	v13 =	vor.u32 $0x380, v6  }
0xd: {  	s4 =	sadd.s32 $0x600, s4;
	s22 =	ssub.s32 $0x2, s6;
	s6 =	sshll.u32 s6, $0x9;
	v8 =	vor.u32 $0x400, v6;
	v15 =	vor.u32 $0x480, v6;
	v10 =	vor.u32 $0x500, v6  }
0xe: {  	_ =	strace $0x80000047;
	[dreg:$0x6] =	wrdreg s7;
	s6 =	sor.u32 s6, s8;
	v17 =	vor.u32 $0x580, v6;
	v12 =	vor.u32 $0x600, v6;
	v19 =	vor.u32 $0x680, v6  }
0xf: {  	[dreg:$0x7] =	wrdreg s4;
	s23 =	sshrl.u32 s22, $0x1;
	v14 =	vor.u32 $0x700, v6;
	v2 =	vor.u32 $0x780, v6;
	v16 =	vor.u32 $0x800, v6;
	s24 =	sshrl.u32 s6, $0x2  }
0x10: {  	v1 =	vor.u32 $0x880, v6;
	v18 =	vor.u32 $0x900, v6;
	v25 =	vor.u32 $0x980, v6;
	s4 =	ssub.s32 s22, s23;
	s6 =	sshrl.u32 s6, $0x3;
	s0 =	sadd.s32 s0, s24  }
0x11: {  	v20 =	vor.u32 $0xA00, v6;
	v21 =	vor.u32 $0xA80, v6;
	v22 =	vor.u32 $0xB00, v6;
	s22 =	simm.s32 $0x8400;
	s25 =	sadd.s32 s5, s6;
	[dreg:$0x8] =	wrdreg s0  }
0x12: {  	v24 =	vor.u32 $0xB80, v6;
	v23 =	vor.u32 $0xC00, v6;
	v0 =	vor.u32 $0xC80, v6;
	s23 =	simm.s32 $0x9400;
	s26 =	smax.u32 s4, $0x1;
	[dreg:$0x9] =	wrdreg s25  }
0x13: {  	v26 =	vor.u32 $0xD00, v6;
	v61 =	vor.u32 $0xD80, v6;
	v60 =	vor.u32 $0xE00, v6;
	[tilespmem:$0x1FFE0] =	vst v0;
	s24 =	simm.s32 $0xA400;
	s4 =	simm.s32 $0x3;
	[dreg:$0xa] =	wrdreg s26  }
0x14: {  	v29 =	vor.u32 $0xE80, v6;
	v30 =	vor.u32 $0xF00, v6;
	v9 =	vmovc v6;
	v31 =	vor.u32 $0xF80, v6;
	[tilespmem:$0x1FFF0] =	vst v23;
	s25 =	simm.s32 $0xB400;
	s26 =	simm.s32 $0xC400;
	s0 =	simm.s32 $0x0  }
.LBB2_1:
0x15: {  	s5 =	rddreg [dreg:$0x8]  }
0x16: {  	[tilespmem:s3], [sflag:$0x2] =	stream.linear.gather [hbm4b:s5+s3], $0x400, $0x38;
	[tilespmem:$0x14600] =	vst v63  }
0x17: {  	_ =	swait.ge [sflag:s10], $0x400  }
0x18: {  	[sflag:s10] =	ssyncset.done $0x0  }
0x19: {  	s8 =	rddreg [dreg:$0x6];
	[sflag:s10] =	ssyncadd.s32 $0xFFFFFC00  }
0x1a: {  	[tilespmem:s11], [sflag:$0x2] =	stream.linear.gather [hbm4b:s8+s3], $0x1000, $0x38;
	[tilespmem:$0x14600] =	vst v63  }
0x1b: {  	_ =	swait.ge [sflag:s10], $0x1000  }
0x1c: {  	[sflag:s10] =	ssyncset.done $0x0  }
0x1d: {  	s9 =	rddreg [dreg:$0x7];
	[sflag:s10] =	ssyncadd.s32 $0xFFFFF000  }
0x1e: {  	[tilespmem:s13], [sflag:$0x2] =	stream.linear.gather [hbm4b:s9+s3], $0x1000, $0x38;
	[tilespmem:$0x14600] =	vst v63  }
0x1f: {  	_ =	swait.ge [sflag:s10], $0x1000  }
0x20: {  	s6 =	simm.s32 $0x0;
	[sflag:s10] =	ssyncset.done $0x0  }
0x21: {  	s7 =	simm.s32 $0x0;
	s5 =	simm.s32 $0x14400;
	[sflag:s10] =	ssyncadd.s32 $0xFFFFF000  }
.LBB2_2:
0x22: {  	s8 =	sand.u32 $0x70, s7;
	s9 =	sand.u32 $0x300, s6  }
0x23: {  	s8 =	sor.u32 s8, s9  }
0x24: {  	v34 =	vld [tilespmem:s8+$0x0];
	_ =	sdelay $0x4  }
0x25: {  	(v2sf) =	vpush v34, $0x0;
	_ =	sdelay $0x4  }
0x26: {  	(v2sf) =	vpush v34, $0x1;
	_ =	sdelay $0x4  }
0x27: {  	(v2sf) =	vpush v34, $0x2;
	_ =	sdelay $0x4  }
0x28: {  	s9 =	spop (v2sf);
	(v2sf) =	vpush v34, $0x3  }
0x29: {  	p0 =	sgt.s32 s9, $0xF41FF;
	s9 =	sand.u32 $0xFFFFF80, s9  }
0x2a: {  	s9 =	simm.s32 @p0 $0x0  }
0x2b: {  	s9 =	sadd.s32 s1, s9  }
0x2c: {  	[tilespmem:s14], [sflag:$0x1] =	stream.strided.gather [hbm4b:s9+s14], $0x1000, s12, s14, $0x38;
	[tilespmem:$0x14600] =	vst v63  }
0x2d: {  	s9 =	spop (v2sf);
	(v2sf) =	vpush v34, $0x4  }
0x2e: {  	p0 =	sgt.s32 s9, $0xF41FF;
	s9 =	sand.u32 $0xFFFFF80, s9  }
0x2f: {  	s9 =	simm.s32 @p0 $0x0  }
0x30: {  	s9 =	sadd.s32 s1, s9  }
0x31: {  	[tilespmem:s15], [sflag:$0x1] =	stream.strided.gather [hbm4b:s9+s14], $0x1000, s12, s14, $0x38;
	[tilespmem:$0x14600] =	vst v63  }
0x32: {  	s9 =	spop (v2sf);
	(v2sf) =	vpush v34, $0x5  }
0x33: {  	p0 =	sgt.s32 s9, $0xF41FF;
	s9 =	sand.u32 $0xFFFFF80, s9  }
0x34: {  	s9 =	simm.s32 @p0 $0x0  }
0x35: {  	s9 =	sadd.s32 s1, s9  }
0x36: {  	[tilespmem:s16], [sflag:$0x1] =	stream.strided.gather [hbm4b:s9+s14], $0x1000, s12, s14, $0x38;
	[tilespmem:$0x14600] =	vst v63  }
0x37: {  	s9 =	spop (v2sf);
	(v2sf) =	vpush v34, $0x6  }
0x38: {  	p0 =	sgt.s32 s9, $0xF41FF;
	s9 =	sand.u32 $0xFFFFF80, s9  }
0x39: {  	s9 =	simm.s32 @p0 $0x0  }
0x3a: {  	s9 =	sadd.s32 s1, s9  }
0x3b: {  	[tilespmem:s17], [sflag:$0x1] =	stream.strided.gather [hbm4b:s9+s14], $0x1000, s12, s14, $0x38;
	[tilespmem:$0x14600] =	vst v63  }
0x3c: {  	s9 =	spop (v2sf);
	(v2sf) =	vpush v34, $0x7  }
0x3d: {  	p0 =	sgt.s32 s9, $0xF41FF;
	s9 =	sand.u32 $0xFFFFF80, s9  }
0x3e: {  	s9 =	simm.s32 @p0 $0x0  }
0x3f: {  	s9 =	sadd.s32 s1, s9  }
0x40: {  	[tilespmem:s18], [sflag:$0x1] =	stream.strided.gather [hbm4b:s9+s14], $0x1000, s12, s14, $0x38;
	[tilespmem:$0x14600] =	vst v63  }
0x41: {  	s9 =	spop (v2sf);
	(v2sf) =	vpush v34, $0x8  }
0x42: {  	p0 =	sgt.s32 s9, $0xF41FF;
	s9 =	sand.u32 $0xFFFFF80, s9  }
0x43: {  	s9 =	simm.s32 @p0 $0x0  }
0x44: {  	s9 =	sadd.s32 s1, s9  }
0x45: {  	[tilespmem:s19], [sflag:$0x1] =	stream.strided.gather [hbm4b:s9+s14], $0x1000, s12, s14, $0x38;
	[tilespmem:$0x14600] =	vst v63  }
0x46: {  	s9 =	spop (v2sf);
	(v2sf) =	vpush v34, $0x9  }
0x47: {  	p0 =	sgt.s32 s9, $0xF41FF;
	s9 =	sand.u32 $0xFFFFF80, s9  }
0x48: {  	s9 =	simm.s32 @p0 $0x0  }
0x49: {  	s9 =	sadd.s32 s1, s9  }
0x4a: {  	[tilespmem:s20], [sflag:$0x1] =	stream.strided.gather [hbm4b:s9+s14], $0x1000, s12, s14, $0x38;
	[tilespmem:$0x14600] =	vst v63  }
0x4b: {  	s9 =	spop (v2sf);
	(v2sf) =	vpush v34, $0xA  }
0x4c: {  	p0 =	sgt.s32 s9, $0xF41FF;
	s9 =	sand.u32 $0xFFFFF80, s9  }
0x4d: {  	s9 =	simm.s32 @p0 $0x0  }
0x4e: {  	s9 =	sadd.s32 s1, s9  }
0x4f: {  	[tilespmem:s21], [sflag:$0x1] =	stream.strided.gather [hbm4b:s9+s14], $0x1000, s12, s14, $0x38;
	[tilespmem:$0x14600] =	vst v63  }
0x50: {  	s9 =	spop (v2sf);
	(v2sf) =	vpush v34, $0xB  }
0x51: {  	p0 =	sgt.s32 s9, $0xF41FF;
	s9 =	sand.u32 $0xFFFFF80, s9  }
0x52: {  	s9 =	simm.s32 @p0 $0x0  }
0x53: {  	s9 =	sadd.s32 s1, s9  }
0x54: {  	[tilespmem:s22], [sflag:$0x1] =	stream.strided.gather [hbm4b:s9+s14], $0x1000, s12, s14, $0x38;
	[tilespmem:$0x14600] =	vst v63  }
0x55: {  	s9 =	spop (v2sf);
	(v2sf) =	vpush v34, $0xC  }
0x56: {  	p0 =	sgt.s32 s9, $0xF41FF;
	s9 =	sand.u32 $0xFFFFF80, s9  }
0x57: {  	s9 =	simm.s32 @p0 $0x0  }
0x58: {  	s9 =	sadd.s32 s1, s9  }
0x59: {  	[tilespmem:s23], [sflag:$0x1] =	stream.strided.gather [hbm4b:s9+s14], $0x1000, s12, s14, $0x38;
	[tilespmem:$0x14600] =	vst v63  }
0x5a: {  	s9 =	spop (v2sf);
	(v2sf) =	vpush v34, $0xD  }
0x5b: {  	p0 =	sgt.s32 s9, $0xF41FF;
	s9 =	sand.u32 $0xFFFFF80, s9  }
0x5c: {  	s9 =	simm.s32 @p0 $0x0  }
0x5d: {  	s9 =	sadd.s32 s1, s9  }
0x5e: {  	[tilespmem:s24], [sflag:$0x1] =	stream.strided.gather [hbm4b:s9+s14], $0x1000, s12, s14, $0x38;
	[tilespmem:$0x14600] =	vst v63  }
0x5f: {  	s9 =	spop (v2sf);
	(v2sf) =	vpush v34, $0xE  }
0x60: {  	p0 =	sgt.s32 s9, $0xF41FF;
	s9 =	sand.u32 $0xFFFFF80, s9  }
0x61: {  	s9 =	simm.s32 @p0 $0x0  }
0x62: {  	s9 =	sadd.s32 s1, s9  }
0x63: {  	[tilespmem:s25], [sflag:$0x1] =	stream.strided.gather [hbm4b:s9+s14], $0x1000, s12, s14, $0x38;
	[tilespmem:$0x14600] =	vst v63  }
0x64: {  	s9 =	spop (v2sf);
	(v2sf) =	vpush v34, $0xF  }
0x65: {  	p0 =	sgt.s32 s9, $0xF41FF;
	s9 =	sand.u32 $0xFFFFF80, s9  }
0x66: {  	s9 =	simm.s32 @p0 $0x0  }
0x67: {  	s9 =	sadd.s32 s1, s9  }
0x68: {  	[tilespmem:s26], [sflag:$0x1] =	stream.strided.gather [hbm4b:s9+s14], $0x1000, s12, s14, $0x38;
	[tilespmem:$0x14600] =	vst v63  }
0x69: {  	s9 =	spop (v2sf)  }
0x6a: {  	p0 =	sgt.s32 s9, $0xF41FF;
	s9 =	sand.u32 $0xFFFFF80, s9  }
0x6b: {  	s9 =	simm.s32 @p0 $0x0  }
0x6c: {  	s9 =	sadd.s32 s1, s9  }
0x6d: {  	[tilespmem:s28], [sflag:$0x1] =	stream.strided.gather [hbm4b:s9+s14], $0x1000, s12, s14, $0x38;
	[tilespmem:$0x14600] =	vst v63  }
0x6e: {  	s9 =	spop (v2sf)  }
0x6f: {  	p0 =	sgt.s32 s9, $0xF41FF;
	s9 =	sand.u32 $0xFFFFF80, s9  }
0x70: {  	s9 =	simm.s32 @p0 $0x0  }
0x71: {  	s9 =	sadd.s32 s1, s9  }
0x72: {  	[tilespmem:s29], [sflag:$0x1] =	stream.strided.gather [hbm4b:s9+s14], $0x1000, s12, s14, $0x38;
	[tilespmem:$0x14600] =	vst v63  }
0x73: {  	s9 =	spop (v2sf)  }
0x74: {  	p0 =	sgt.s32 s9, $0xF41FF;
	s9 =	sand.u32 $0xFFFFF80, s9  }
0x75: {  	s9 =	simm.s32 @p0 $0x0  }
0x76: {  	s9 =	sadd.s32 s1, s9  }
0x77: {  	[tilespmem:s30], [sflag:$0x1] =	stream.strided.gather [hbm4b:s9+s14], $0x1000, s12, s14, $0x38;
	[tilespmem:$0x14600] =	vst v63  }
0x78: {  	_ =	swait.ge [sflag:s31], $0x1000  }
0x79: {  	[sflag:s31] =	ssyncset.done $0x0  }
0x7a: {  	[sflag:s31] =	ssyncadd.s32 $0xFFFFF000  }
0x7b: {  	_ =	swait.ge [sflag:s31], $0x1000  }
0x7c: {  	[sflag:s31] =	ssyncset.done $0x0  }
0x7d: {  	[sflag:s31] =	ssyncadd.s32 $0xFFFFF000  }
0x7e: {  	_ =	swait.ge [sflag:s31], $0x1000  }
0x7f: {  	[sflag:s31] =	ssyncset.done $0x0  }
0x80: {  	[sflag:s31] =	ssyncadd.s32 $0xFFFFF000  }
0x81: {  	_ =	swait.ge [sflag:s31], $0x1000  }
0x82: {  	[sflag:s31] =	ssyncset.done $0x0  }
0x83: {  	[sflag:s31] =	ssyncadd.s32 $0xFFFFF000  }
0x84: {  	_ =	swait.ge [sflag:s31], $0x1000  }
0x85: {  	[sflag:s31] =	ssyncset.done $0x0  }
0x86: {  	[sflag:s31] =	ssyncadd.s32 $0xFFFFF000  }
0x87: {  	_ =	swait.ge [sflag:s31], $0x1000  }
0x88: {  	[sflag:s31] =	ssyncset.done $0x0  }
0x89: {  	[sflag:s31] =	ssyncadd.s32 $0xFFFFF000  }
0x8a: {  	_ =	swait.ge [sflag:s31], $0x1000  }
0x8b: {  	[sflag:s31] =	ssyncset.done $0x0  }
0x8c: {  	[sflag:s31] =	ssyncadd.s32 $0xFFFFF000  }
0x8d: {  	_ =	swait.ge [sflag:s31], $0x1000  }
0x8e: {  	[sflag:s31] =	ssyncset.done $0x0  }
0x8f: {  	[sflag:s31] =	ssyncadd.s32 $0xFFFFF000  }
0x90: {  	_ =	swait.ge [sflag:s31], $0x1000  }
0x91: {  	[sflag:s31] =	ssyncset.done $0x0  }
0x92: {  	[sflag:s31] =	ssyncadd.s32 $0xFFFFF000  }
0x93: {  	_ =	swait.ge [sflag:s31], $0x1000  }
0x94: {  	[sflag:s31] =	ssyncset.done $0x0  }
0x95: {  	[sflag:s31] =	ssyncadd.s32 $0xFFFFF000  }
0x96: {  	_ =	swait.ge [sflag:s31], $0x1000  }
0x97: {  	[sflag:s31] =	ssyncset.done $0x0  }
0x98: {  	[sflag:s31] =	ssyncadd.s32 $0xFFFFF000  }
0x99: {  	_ =	swait.ge [sflag:s31], $0x1000  }
0x9a: {  	[sflag:s31] =	ssyncset.done $0x0  }
0x9b: {  	[sflag:s31] =	ssyncadd.s32 $0xFFFFF000  }
0x9c: {  	_ =	swait.ge [sflag:s31], $0x1000  }
0x9d: {  	[sflag:s31] =	ssyncset.done $0x0  }
0x9e: {  	[sflag:s31] =	ssyncadd.s32 $0xFFFFF000  }
0x9f: {  	_ =	swait.ge [sflag:s31], $0x1000  }
0xa0: {  	[sflag:s31] =	ssyncset.done $0x0  }
0xa1: {  	v33 =	vadd.s32 $0xFFF0BE40, v34;
	[sflag:s31] =	ssyncadd.s32 $0xFFFFF000  }
0xa2: {  	v32 =	vand.u32 $0x7F, v34;
	vm0 =	vgt.s32 v33, $0x0;
	_ =	swait.ge [sflag:s31], $0x1000  }
0xa3: {  	v35 =	vor.u32 v9, v32;
	v33 =	vnsel vm0, $0x0, v33;
	[sflag:s31] =	ssyncset.done $0x0  }
0xa4: {  	v33 =	vmin.u32 v33, $0x7F;
	[sflag:s31] =	ssyncadd.s32 $0xFFFFF000  }
0xa5: {  	_ =	swait.ge [sflag:s31], $0x1000  }
0xa6: {  	[sflag:s31] =	ssyncset.done $0x0  }
0xa7: {  	[sflag:s31] =	ssyncadd.s32 $0xFFFFF000  }
0xa8: {  	v35 =	vld.idx.msk [tilespmem:v35+s14+$0x0], $0xffff  }
0xa9: {  	v36 =	vld.idx.msk [tilespmem:v33+s11+$0x0], $0xffff;
	_ =	sdelay $0x1  }
0xaa: {  	v55 =	vor.u32 v37, v32  }
0xab: {  	v38 =	vor.u32 $0x80, v33  }
0xac: {  	vm13 =	vgt.s32 v34, $0xF41FF  }
0xad: {  	v34 =	vsel vm13, v36, v35  }
0xae: {  	[tilespmem:$0x12400] =	vst v34  }
0xaf: {  	v34 =	vld.idx.msk [tilespmem:v55+s14+$0x0], $0xffff  }
0xb0: {  	v56 =	vld.idx.msk [tilespmem:v38+s11+$0x0], $0xffff;
	_ =	sdelay $0x1  }
0xb1: {  	v57 =	vor.u32 v39, v32  }
0xb2: {  	v58 =	vor.u32 $0x100, v33;
	_ =	sdelay $0x1  }
0xb3: {  	v34 =	vsel vm13, v56, v34  }
0xb4: {  	[tilespmem:$0x12480] =	vst v34  }
0xb5: {  	v34 =	vld.idx.msk [tilespmem:v57+s14+$0x0], $0xffff  }
0xb6: {  	v59 =	vld.idx.msk [tilespmem:v58+s11+$0x0], $0xffff;
	_ =	sdelay $0x1  }
0xb7: {  	v62 =	vor.u32 v5, v32  }
0xb8: {  	v63 =	vor.u32 $0x180, v33;
	_ =	sdelay $0x1  }
0xb9: {  	v34 =	vsel vm13, v59, v34  }
0xba: {  	[tilespmem:$0x12500] =	vst v34  }
0xbb: {  	v34 =	vld.idx.msk [tilespmem:v62+s14+$0x0], $0xffff  }
0xbc: {  	v40 =	vld.idx.msk [tilespmem:v63+s11+$0x0], $0xffff;
	_ =	sdelay $0x1  }
0xbd: {  	v41 =	vor.u32 v4, v32  }
0xbe: {  	v42 =	vor.u32 $0x200, v33;
	_ =	sdelay $0x1  }
0xbf: {  	v34 =	vsel vm13, v40, v34  }
0xc0: {  	[tilespmem:$0x12580] =	vst v34  }
0xc1: {  	v34 =	vld.idx.msk [tilespmem:v41+s14+$0x0], $0xffff  }
0xc2: {  	v43 =	vld.idx.msk [tilespmem:v42+s11+$0x0], $0xffff;
	_ =	sdelay $0x1  }
0xc3: {  	v44 =	vor.u32 v11, v32  }
0xc4: {  	v45 =	vor.u32 $0x280, v33;
	_ =	sdelay $0x1  }
0xc5: {  	v34 =	vsel vm13, v43, v34  }
0xc6: {  	[tilespmem:$0x12600] =	vst v34  }
0xc7: {  	v34 =	vld.idx.msk [tilespmem:v44+s14+$0x0], $0xffff  }
0xc8: {  	v46 =	vld.idx.msk [tilespmem:v45+s11+$0x0], $0xffff;
	_ =	sdelay $0x1  }
0xc9: {  	v47 =	vor.u32 v28, v32  }
0xca: {  	v48 =	vor.u32 $0x300, v33;
	_ =	sdelay $0x1  }
0xcb: {  	v34 =	vsel vm13, v46, v34  }
0xcc: {  	[tilespmem:$0x12680] =	vst v34  }
0xcd: {  	v34 =	vld.idx.msk [tilespmem:v47+s14+$0x0], $0xffff  }
0xce: {  	v49 =	vld.idx.msk [tilespmem:v48+s11+$0x0], $0xffff;
	_ =	sdelay $0x1  }
0xcf: {  	v50 =	vor.u32 v13, v32  }
0xd0: {  	v51 =	vor.u32 $0x380, v33;
	_ =	sdelay $0x1  }
0xd1: {  	v34 =	vsel vm13, v49, v34  }
0xd2: {  	[tilespmem:$0x12700] =	vst v34  }
0xd3: {  	v34 =	vld.idx.msk [tilespmem:v50+s14+$0x0], $0xffff  }
0xd4: {  	v52 =	vld.idx.msk [tilespmem:v51+s11+$0x0], $0xffff;
	_ =	sdelay $0x1  }
0xd5: {  	v53 =	vor.u32 v8, v32  }
0xd6: {  	v54 =	vor.u32 $0x400, v33;
	_ =	sdelay $0x1  }
0xd7: {  	v34 =	vsel vm13, v52, v34  }
0xd8: {  	[tilespmem:$0x12780] =	vst v34  }
0xd9: {  	v34 =	vld.idx.msk [tilespmem:v53+s14+$0x0], $0xffff  }
0xda: {  	v55 =	vld.idx.msk [tilespmem:v54+s11+$0x0], $0xffff;
	_ =	sdelay $0x1  }
0xdb: {  	v56 =	vor.u32 v15, v32  }
0xdc: {  	v57 =	vor.u32 $0x480, v33;
	_ =	sdelay $0x1  }
0xdd: {  	v34 =	vsel vm13, v55, v34  }
0xde: {  	[tilespmem:$0x12800] =	vst v34  }
0xdf: {  	v34 =	vld.idx.msk [tilespmem:v56+s14+$0x0], $0xffff  }
0xe0: {  	v58 =	vld.idx.msk [tilespmem:v57+s11+$0x0], $0xffff;
	_ =	sdelay $0x1  }
0xe1: {  	v59 =	vor.u32 v10, v32  }
0xe2: {  	v62 =	vor.u32 $0x500, v33;
	_ =	sdelay $0x1  }
0xe3: {  	v34 =	vsel vm13, v58, v34  }
0xe4: {  	[tilespmem:$0x12880] =	vst v34  }
0xe5: {  	v34 =	vld.idx.msk [tilespmem:v59+s14+$0x0], $0xffff  }
0xe6: {  	v63 =	vld.idx.msk [tilespmem:v62+s11+$0x0], $0xffff;
	_ =	sdelay $0x1  }
0xe7: {  	v40 =	vor.u32 v17, v32  }
0xe8: {  	v41 =	vor.u32 $0x580, v33;
	_ =	sdelay $0x1  }
0xe9: {  	v34 =	vsel vm13, v63, v34  }
0xea: {  	[tilespmem:$0x12900] =	vst v34  }
0xeb: {  	v34 =	vld.idx.msk [tilespmem:v40+s14+$0x0], $0xffff  }
0xec: {  	v42 =	vld.idx.msk [tilespmem:v41+s11+$0x0], $0xffff;
	_ =	sdelay $0x1  }
0xed: {  	v43 =	vor.u32 v12, v32  }
0xee: {  	v44 =	vor.u32 $0x600, v33;
	_ =	sdelay $0x1  }
0xef: {  	v34 =	vsel vm13, v42, v34  }
0xf0: {  	[tilespmem:$0x12980] =	vst v34  }
0xf1: {  	v34 =	vld.idx.msk [tilespmem:v43+s14+$0x0], $0xffff  }
0xf2: {  	v45 =	vld.idx.msk [tilespmem:v44+s11+$0x0], $0xffff;
	_ =	sdelay $0x1  }
0xf3: {  	v46 =	vor.u32 v19, v32  }
0xf4: {  	v47 =	vor.u32 $0x680, v33;
	_ =	sdelay $0x1  }
0xf5: {  	v34 =	vsel vm13, v45, v34  }
0xf6: {  	[tilespmem:$0x12A00] =	vst v34  }
0xf7: {  	v34 =	vld.idx.msk [tilespmem:v46+s14+$0x0], $0xffff  }
0xf8: {  	v48 =	vld.idx.msk [tilespmem:v47+s11+$0x0], $0xffff;
	_ =	sdelay $0x1  }
0xf9: {  	v49 =	vor.u32 v14, v32  }
0xfa: {  	v50 =	vor.u32 $0x700, v33;
	_ =	sdelay $0x1  }
0xfb: {  	v34 =	vsel vm13, v48, v34  }
0xfc: {  	[tilespmem:$0x12A80] =	vst v34  }
0xfd: {  	v34 =	vld.idx.msk [tilespmem:v49+s14+$0x0], $0xffff  }
0xfe: {  	v51 =	vld.idx.msk [tilespmem:v50+s11+$0x0], $0xffff;
	_ =	sdelay $0x1  }
0xff: {  	v52 =	vor.u32 v2, v32  }
0x100: {  	v53 =	vor.u32 $0x780, v33;
	_ =	sdelay $0x1  }
0x101: {  	v34 =	vsel vm13, v51, v34  }
0x102: {  	[tilespmem:$0x12B00] =	vst v34  }
0x103: {  	v34 =	vld.idx.msk [tilespmem:v52+s14+$0x0], $0xffff  }
0x104: {  	v54 =	vld.idx.msk [tilespmem:v53+s11+$0x0], $0xffff;
	_ =	sdelay $0x1  }
0x105: {  	v55 =	vor.u32 v16, v32  }
0x106: {  	v56 =	vor.u32 $0x800, v33;
	_ =	sdelay $0x1  }
0x107: {  	v34 =	vsel vm13, v54, v34  }
0x108: {  	[tilespmem:$0x12B80] =	vst v34  }
0x109: {  	v34 =	vld.idx.msk [tilespmem:v55+s14+$0x0], $0xffff  }
0x10a: {  	v57 =	vld.idx.msk [tilespmem:v56+s11+$0x0], $0xffff;
	_ =	sdelay $0x1  }
0x10b: {  	v58 =	vor.u32 v1, v32  }
0x10c: {  	v59 =	vor.u32 $0x880, v33;
	_ =	sdelay $0x1  }
0x10d: {  	v34 =	vsel vm13, v57, v34  }
0x10e: {  	[tilespmem:$0x12C00] =	vst v34  }
0x10f: {  	v34 =	vld.idx.msk [tilespmem:v58+s14+$0x0], $0xffff  }
0x110: {  	v62 =	vld.idx.msk [tilespmem:v59+s11+$0x0], $0xffff;
	_ =	sdelay $0x1  }
0x111: {  	v63 =	vor.u32 v18, v32  }
0x112: {  	v40 =	vor.u32 $0x900, v33;
	_ =	sdelay $0x1  }
0x113: {  	v34 =	vsel vm13, v62, v34  }
0x114: {  	[tilespmem:$0x12C80] =	vst v34  }
0x115: {  	v34 =	vld.idx.msk [tilespmem:v63+s14+$0x0], $0xffff  }
0x116: {  	v41 =	vld.idx.msk [tilespmem:v40+s11+$0x0], $0xffff;
	_ =	sdelay $0x1  }
0x117: {  	v42 =	vor.u32 v25, v32  }
0x118: {  	v43 =	vor.u32 $0x980, v33;
	_ =	sdelay $0x1  }
0x119: {  	v34 =	vsel vm13, v41, v34  }
0x11a: {  	[tilespmem:$0x12D00] =	vst v34  }
0x11b: {  	v34 =	vld.idx.msk [tilespmem:v42+s14+$0x0], $0xffff  }
0x11c: {  	v44 =	vld.idx.msk [tilespmem:v43+s11+$0x0], $0xffff;
	_ =	sdelay $0x1  }
0x11d: {  	v45 =	vor.u32 v20, v32  }
0x11e: {  	v46 =	vor.u32 $0xA00, v33;
	_ =	sdelay $0x1  }
0x11f: {  	v34 =	vsel vm13, v44, v34  }
0x120: {  	[tilespmem:$0x12D80] =	vst v34  }
0x121: {  	v34 =	vld.idx.msk [tilespmem:v45+s14+$0x0], $0xffff  }
0x122: {  	v47 =	vld.idx.msk [tilespmem:v46+s11+$0x0], $0xffff;
	_ =	sdelay $0x1  }
0x123: {  	v48 =	vor.u32 v21, v32  }
0x124: {  	v49 =	vor.u32 $0xA80, v33;
	_ =	sdelay $0x1  }
0x125: {  	v34 =	vsel vm13, v47, v34  }
0x126: {  	[tilespmem:$0x12E00] =	vst v34  }
0x127: {  	v34 =	vld.idx.msk [tilespmem:v48+s14+$0x0], $0xffff  }
0x128: {  	v50 =	vld.idx.msk [tilespmem:v49+s11+$0x0], $0xffff;
	_ =	sdelay $0x1  }
0x129: {  	v51 =	vor.u32 v22, v32  }
0x12a: {  	v52 =	vor.u32 $0xB00, v33;
	_ =	sdelay $0x1  }
0x12b: {  	v34 =	vsel vm13, v50, v34  }
0x12c: {  	[tilespmem:$0x12E80] =	vst v34  }
0x12d: {  	v34 =	vld.idx.msk [tilespmem:v51+s14+$0x0], $0xffff  }
0x12e: {  	v53 =	vld.idx.msk [tilespmem:v52+s11+$0x0], $0xffff;
	_ =	sdelay $0x1  }
0x12f: {  	v54 =	vor.u32 v24, v32  }
0x130: {  	v55 =	vor.u32 $0xB80, v33;
	_ =	sdelay $0x1  }
0x131: {  	v34 =	vsel vm13, v53, v34  }
0x132: {  	[tilespmem:$0x12F00] =	vst v34  }
0x133: {  	v34 =	vld.idx.msk [tilespmem:v54+s14+$0x0], $0xffff  }
0x134: {  	v56 =	vld.idx.msk [tilespmem:v55+s11+$0x0], $0xffff;
	_ =	sdelay $0x1  }
0x135: {  	v57 =	vor.u32 v23, v32  }
0x136: {  	v58 =	vor.u32 $0xC00, v33;
	_ =	sdelay $0x1  }
0x137: {  	v34 =	vsel vm13, v56, v34  }
0x138: {  	[tilespmem:$0x12F80] =	vst v34  }
0x139: {  	v34 =	vld.idx.msk [tilespmem:v57+s14+$0x0], $0xffff  }
0x13a: {  	v59 =	vld.idx.msk [tilespmem:v58+s11+$0x0], $0xffff;
	_ =	sdelay $0x1  }
0x13b: {  	v62 =	vor.u32 v0, v32  }
0x13c: {  	v63 =	vor.u32 $0xC80, v33;
	_ =	sdelay $0x1  }
0x13d: {  	v34 =	vsel vm13, v59, v34  }
0x13e: {  	[tilespmem:$0x13000] =	vst v34  }
0x13f: {  	v34 =	vld.idx.msk [tilespmem:v62+s14+$0x0], $0xffff  }
0x140: {  	v40 =	vld.idx.msk [tilespmem:v63+s11+$0x0], $0xffff;
	_ =	sdelay $0x1  }
0x141: {  	v41 =	vor.u32 v26, v32  }
0x142: {  	v42 =	vor.u32 $0xD00, v33;
	_ =	sdelay $0x1  }
0x143: {  	v34 =	vsel vm13, v40, v34  }
0x144: {  	[tilespmem:$0x13080] =	vst v34  }
0x145: {  	v34 =	vld.idx.msk [tilespmem:v41+s14+$0x0], $0xffff  }
0x146: {  	v43 =	vld.idx.msk [tilespmem:v42+s11+$0x0], $0xffff;
	_ =	sdelay $0x1  }
0x147: {  	v44 =	vor.u32 v61, v32  }
0x148: {  	v45 =	vor.u32 $0xD80, v33;
	_ =	sdelay $0x1  }
0x149: {  	v34 =	vsel vm13, v43, v34  }
0x14a: {  	[tilespmem:$0x13100] =	vst v34  }
0x14b: {  	v34 =	vld.idx.msk [tilespmem:v44+s14+$0x0], $0xffff  }
0x14c: {  	v46 =	vld.idx.msk [tilespmem:v45+s11+$0x0], $0xffff;
	_ =	sdelay $0x1  }
0x14d: {  	v47 =	vor.u32 v60, v32  }
0x14e: {  	v48 =	vor.u32 $0xE00, v33;
	_ =	sdelay $0x1  }
0x14f: {  	v34 =	vsel vm13, v46, v34  }
0x150: {  	[tilespmem:$0x13180] =	vst v34  }
0x151: {  	v34 =	vld.idx.msk [tilespmem:v47+s14+$0x0], $0xffff  }
0x152: {  	v49 =	vld.idx.msk [tilespmem:v48+s11+$0x0], $0xffff;
	_ =	sdelay $0x1  }
0x153: {  	v50 =	vor.u32 v29, v32  }
0x154: {  	v51 =	vor.u32 $0xE80, v33;
	_ =	sdelay $0x1  }
0x155: {  	v34 =	vsel vm13, v49, v34  }
0x156: {  	[tilespmem:$0x13200] =	vst v34  }
0x157: {  	v34 =	vld.idx.msk [tilespmem:v50+s14+$0x0], $0xffff  }
0x158: {  	v52 =	vld.idx.msk [tilespmem:v51+s11+$0x0], $0xffff;
	_ =	sdelay $0x1  }
0x159: {  	v53 =	vor.u32 v30, v32  }
0x15a: {  	v54 =	vor.u32 $0xF00, v33;
	_ =	sdelay $0x1  }
0x15b: {  	v34 =	vsel vm13, v52, v34  }
0x15c: {  	[tilespmem:$0x13280] =	vst v34  }
0x15d: {  	v34 =	vld.idx.msk [tilespmem:v53+s14+$0x0], $0xffff  }
0x15e: {  	v55 =	vld.idx.msk [tilespmem:v54+s11+$0x0], $0xffff;
	_ =	sdelay $0x1  }
0x15f: {  	v32 =	vor.u32 v31, v32  }
0x160: {  	v33 =	vor.u32 $0xF80, v33;
	_ =	sdelay $0x1  }
0x161: {  	v34 =	vsel vm13, v55, v34  }
0x162: {  	[tilespmem:$0x13300] =	vst v34  }
0x163: {  	v32 =	vld.idx.msk [tilespmem:v32+s14+$0x0], $0xffff  }
0x164: {  	v33 =	vld.idx.msk [tilespmem:v33+s11+$0x0], $0xffff;
	_ =	sdelay $0x4  }
0x165: {  	v32 =	vsel vm13, v33, v32  }
0x166: {  	[tilespmem:$0x13380] =	vst v32  }
0x167: {  	v34 =	vld [tilespmem:s8+$0x80];
	_ =	sdelay $0x4  }
0x168: {  	(v2sf) =	vpush v34, $0x0;
	_ =	sdelay $0x4  }
0x169: {  	(v2sf) =	vpush v34, $0x1;
	_ =	sdelay $0x3  }
0x16a: {  	(v2sf) =	vpush v34, $0x2;
	_ =	sdelay $0x5  }
0x16b: {  	s9 =	spop (v2sf);
	(v2sf) =	vpush v34, $0x3;
	_ =	sdelay $0x4  }
0x16c: {  	p0 =	sgt.s32 s9, $0xF41FF;
	s8 =	sand.u32 $0xFFFFF80, s9;
	s9 =	spop (v2sf);
	(v2sf) =	vpush v34, $0x4  }
0x16d: {  	s8 =	simm.s32 @p0 $0x0  }
0x16e: {  	s8 =	sadd.s32 s2, s8  }
0x16f: {  	[tilespmem:s14], [sflag:$0x1] =	stream.strided.gather [hbm4b:s8+s14], $0x1000, s12, s14, $0x38;
	[tilespmem:$0x14600] =	vst v63  }
0x170: {  	p0 =	sgt.s32 s9, $0xF41FF;
	s8 =	sand.u32 $0xFFFFF80, s9;
	s9 =	spop (v2sf);
	(v2sf) =	vpush v34, $0x5  }
0x171: {  	_ =	sdelay $0x1  }
0x172: {  	s8 =	simm.s32 @p0 $0x0  }
0x173: {  	s8 =	sadd.s32 s2, s8  }
0x174: {  	[tilespmem:s15], [sflag:$0x1] =	stream.strided.gather [hbm4b:s8+s14], $0x1000, s12, s14, $0x38;
	[tilespmem:$0x14600] =	vst v63  }
0x175: {  	p0 =	sgt.s32 s9, $0xF41FF;
	s8 =	sand.u32 $0xFFFFF80, s9;
	s9 =	spop (v2sf);
	(v2sf) =	vpush v34, $0x6  }
0x176: {  	_ = 	snop  }
0x177: {  	s8 =	simm.s32 @p0 $0x0  }
0x178: {  	s8 =	sadd.s32 s2, s8  }
0x179: {  	[tilespmem:s16], [sflag:$0x1] =	stream.strided.gather [hbm4b:s8+s14], $0x1000, s12, s14, $0x38;
	[tilespmem:$0x14600] =	vst v63  }
0x17a: {  	p0 =	sgt.s32 s9, $0xF41FF;
	s8 =	sand.u32 $0xFFFFF80, s9;
	s9 =	spop (v2sf);
	(v2sf) =	vpush v34, $0x7  }
0x17b: {  	s8 =	simm.s32 @p0 $0x0  }
0x17c: {  	s8 =	sadd.s32 s2, s8  }
0x17d: {  	[tilespmem:s17], [sflag:$0x1] =	stream.strided.gather [hbm4b:s8+s14], $0x1000, s12, s14, $0x38;
	[tilespmem:$0x14600] =	vst v63  }
0x17e: {  	p0 =	sgt.s32 s9, $0xF41FF;
	s8 =	sand.u32 $0xFFFFF80, s9;
	s9 =	spop (v2sf);
	(v2sf) =	vpush v34, $0x8  }
0x17f: {  	_ =	sdelay $0x1  }
0x180: {  	s8 =	simm.s32 @p0 $0x0  }
0x181: {  	s8 =	sadd.s32 s2, s8  }
0x182: {  	[tilespmem:s18], [sflag:$0x1] =	stream.strided.gather [hbm4b:s8+s14], $0x1000, s12, s14, $0x38;
	[tilespmem:$0x14600] =	vst v63  }
0x183: {  	p0 =	sgt.s32 s9, $0xF41FF;
	s8 =	sand.u32 $0xFFFFF80, s9;
	s9 =	spop (v2sf);
	(v2sf) =	vpush v34, $0x9  }
0x184: {  	_ = 	snop  }
0x185: {  	s8 =	simm.s32 @p0 $0x0  }
0x186: {  	s8 =	sadd.s32 s2, s8  }
0x187: {  	[tilespmem:s19], [sflag:$0x1] =	stream.strided.gather [hbm4b:s8+s14], $0x1000, s12, s14, $0x38;
	[tilespmem:$0x14600] =	vst v63  }
0x188: {  	p0 =	sgt.s32 s9, $0xF41FF;
	s8 =	sand.u32 $0xFFFFF80, s9;
	s9 =	spop (v2sf);
	(v2sf) =	vpush v34, $0xA  }
0x189: {  	s8 =	simm.s32 @p0 $0x0  }
0x18a: {  	s8 =	sadd.s32 s2, s8  }
0x18b: {  	[tilespmem:s20], [sflag:$0x1] =	stream.strided.gather [hbm4b:s8+s14], $0x1000, s12, s14, $0x38;
	[tilespmem:$0x14600] =	vst v63  }
0x18c: {  	p0 =	sgt.s32 s9, $0xF41FF;
	s8 =	sand.u32 $0xFFFFF80, s9;
	s9 =	spop (v2sf);
	(v2sf) =	vpush v34, $0xB  }
0x18d: {  	_ =	sdelay $0x1  }
0x18e: {  	s8 =	simm.s32 @p0 $0x0  }
0x18f: {  	s8 =	sadd.s32 s2, s8  }
0x190: {  	[tilespmem:s21], [sflag:$0x1] =	stream.strided.gather [hbm4b:s8+s14], $0x1000, s12, s14, $0x38;
	[tilespmem:$0x14600] =	vst v63  }
0x191: {  	p0 =	sgt.s32 s9, $0xF41FF;
	s8 =	sand.u32 $0xFFFFF80, s9;
	s9 =	spop (v2sf);
	(v2sf) =	vpush v34, $0xC  }
0x192: {  	_ = 	snop  }
0x193: {  	s8 =	simm.s32 @p0 $0x0  }
0x194: {  	s8 =	sadd.s32 s2, s8  }
0x195: {  	[tilespmem:s22], [sflag:$0x1] =	stream.strided.gather [hbm4b:s8+s14], $0x1000, s12, s14, $0x38;
	[tilespmem:$0x14600] =	vst v63  }
0x196: {  	p0 =	sgt.s32 s9, $0xF41FF;
	s8 =	sand.u32 $0xFFFFF80, s9;
	s9 =	spop (v2sf);
	(v2sf) =	vpush v34, $0xD  }
0x197: {  	s8 =	simm.s32 @p0 $0x0  }
0x198: {  	s8 =	sadd.s32 s2, s8  }
0x199: {  	[tilespmem:s23], [sflag:$0x1] =	stream.strided.gather [hbm4b:s8+s14], $0x1000, s12, s14, $0x38;
	[tilespmem:$0x14600] =	vst v63  }
0x19a: {  	p0 =	sgt.s32 s9, $0xF41FF;
	s8 =	sand.u32 $0xFFFFF80, s9;
	s9 =	spop (v2sf);
	(v2sf) =	vpush v34, $0xE  }
0x19b: {  	_ = 	snop  }
0x19c: {  	s8 =	simm.s32 @p0 $0x0  }
0x19d: {  	s8 =	sadd.s32 s2, s8  }
0x19e: {  	[tilespmem:s24], [sflag:$0x1] =	stream.strided.gather [hbm4b:s8+s14], $0x1000, s12, s14, $0x38;
	[tilespmem:$0x14600] =	vst v63  }
0x19f: {  	p0 =	sgt.s32 s9, $0xF41FF;
	s8 =	sand.u32 $0xFFFFF80, s9  }
0x1a0: {  	s8 =	simm.s32 @p0 $0x0;
	s9 =	spop (v2sf);
	(v2sf) =	vpush v34, $0xF  }
0x1a1: {  	s8 =	sadd.s32 s2, s8  }
0x1a2: {  	[tilespmem:s25], [sflag:$0x1] =	stream.strided.gather [hbm4b:s8+s14], $0x1000, s12, s14, $0x38;
	[tilespmem:$0x14600] =	vst v63  }
0x1a3: {  	p0 =	sgt.s32 s9, $0xF41FF;
	s8 =	sand.u32 $0xFFFFF80, s9  }
0x1a4: {  	s8 =	simm.s32 @p0 $0x0  }
0x1a5: {  	s9 =	spop (v2sf);
	s8 =	sadd.s32 s2, s8  }
0x1a6: {  	[tilespmem:s26], [sflag:$0x1] =	stream.strided.gather [hbm4b:s8+s14], $0x1000, s12, s14, $0x38;
	[tilespmem:$0x14600] =	vst v63  }
0x1a7: {  	p0 =	sgt.s32 s9, $0xF41FF;
	s8 =	sand.u32 $0xFFFFF80, s9  }
0x1a8: {  	s8 =	simm.s32 @p0 $0x0  }
0x1a9: {  	s9 =	spop (v2sf);
	s8 =	sadd.s32 s2, s8  }
0x1aa: {  	[tilespmem:s28], [sflag:$0x1] =	stream.strided.gather [hbm4b:s8+s14], $0x1000, s12, s14, $0x38;
	[tilespmem:$0x14600] =	vst v63  }
0x1ab: {  	p0 =	sgt.s32 s9, $0xF41FF;
	s8 =	sand.u32 $0xFFFFF80, s9  }
0x1ac: {  	s8 =	simm.s32 @p0 $0x0  }
0x1ad: {  	s8 =	sadd.s32 s2, s8  }
0x1ae: {  	[tilespmem:s29], [sflag:$0x1] =	stream.strided.gather [hbm4b:s8+s14], $0x1000, s12, s14, $0x38;
	[tilespmem:$0x14600] =	vst v63  }
0x1af: {  	s9 =	spop (v2sf)  }
0x1b0: {  	p0 =	sgt.s32 s9, $0xF41FF;
	s8 =	sand.u32 $0xFFFFF80, s9  }
0x1b1: {  	s8 =	simm.s32 @p0 $0x0  }
0x1b2: {  	s8 =	sadd.s32 s2, s8  }
0x1b3: {  	[tilespmem:s30], [sflag:$0x1] =	stream.strided.gather [hbm4b:s8+s14], $0x1000, s12, s14, $0x38;
	[tilespmem:$0x14600] =	vst v63  }
0x1b4: {  	_ =	swait.ge [sflag:s31], $0x1000  }
0x1b5: {  	[sflag:s31] =	ssyncset.done $0x0  }
0x1b6: {  	[sflag:s31] =	ssyncadd.s32 $0xFFFFF000  }
0x1b7: {  	_ =	swait.ge [sflag:s31], $0x1000  }
0x1b8: {  	[sflag:s31] =	ssyncset.done $0x0  }
0x1b9: {  	[sflag:s31] =	ssyncadd.s32 $0xFFFFF000  }
0x1ba: {  	_ =	swait.ge [sflag:s31], $0x1000  }
0x1bb: {  	[sflag:s31] =	ssyncset.done $0x0  }
0x1bc: {  	[sflag:s31] =	ssyncadd.s32 $0xFFFFF000  }
0x1bd: {  	_ =	swait.ge [sflag:s31], $0x1000  }
0x1be: {  	[sflag:s31] =	ssyncset.done $0x0  }
0x1bf: {  	[sflag:s31] =	ssyncadd.s32 $0xFFFFF000  }
0x1c0: {  	_ =	swait.ge [sflag:s31], $0x1000  }
0x1c1: {  	[sflag:s31] =	ssyncset.done $0x0  }
0x1c2: {  	[sflag:s31] =	ssyncadd.s32 $0xFFFFF000  }
0x1c3: {  	_ =	swait.ge [sflag:s31], $0x1000  }
0x1c4: {  	[sflag:s31] =	ssyncset.done $0x0  }
0x1c5: {  	[sflag:s31] =	ssyncadd.s32 $0xFFFFF000  }
0x1c6: {  	_ =	swait.ge [sflag:s31], $0x1000  }
0x1c7: {  	[sflag:s31] =	ssyncset.done $0x0  }
0x1c8: {  	[sflag:s31] =	ssyncadd.s32 $0xFFFFF000  }
0x1c9: {  	_ =	swait.ge [sflag:s31], $0x1000  }
0x1ca: {  	[sflag:s31] =	ssyncset.done $0x0  }
0x1cb: {  	[sflag:s31] =	ssyncadd.s32 $0xFFFFF000  }
0x1cc: {  	_ =	swait.ge [sflag:s31], $0x1000  }
0x1cd: {  	[sflag:s31] =	ssyncset.done $0x0  }
0x1ce: {  	[sflag:s31] =	ssyncadd.s32 $0xFFFFF000  }
0x1cf: {  	_ =	swait.ge [sflag:s31], $0x1000  }
0x1d0: {  	[sflag:s31] =	ssyncset.done $0x0  }
0x1d1: {  	[sflag:s31] =	ssyncadd.s32 $0xFFFFF000  }
0x1d2: {  	_ =	swait.ge [sflag:s31], $0x1000  }
0x1d3: {  	[sflag:s31] =	ssyncset.done $0x0  }
0x1d4: {  	[sflag:s31] =	ssyncadd.s32 $0xFFFFF000  }
0x1d5: {  	_ =	swait.ge [sflag:s31], $0x1000  }
0x1d6: {  	[sflag:s31] =	ssyncset.done $0x0  }
0x1d7: {  	[sflag:s31] =	ssyncadd.s32 $0xFFFFF000  }
0x1d8: {  	_ =	swait.ge [sflag:s31], $0x1000  }
0x1d9: {  	[sflag:s31] =	ssyncset.done $0x0  }
0x1da: {  	[sflag:s31] =	ssyncadd.s32 $0xFFFFF000  }
0x1db: {  	_ =	swait.ge [sflag:s31], $0x1000  }
0x1dc: {  	[sflag:s31] =	ssyncset.done $0x0  }
0x1dd: {  	v56 =	vadd.s32 $0xFFF0BE40, v34;
	[sflag:s31] =	ssyncadd.s32 $0xFFFFF000  }
0x1de: {  	v3 =	vmov v9;
	v32 =	vand.u32 $0x7F, v34;
	vm14 =	vgt.s32 v56, $0x0;
	_ =	swait.ge [sflag:s31], $0x1000  }
0x1df: {  	v57 =	vor.u32 v3, v32;
	v33 =	vnsel vm14, $0x0, v56;
	[sflag:s31] =	ssyncset.done $0x0  }
0x1e0: {  	v33 =	vmin.u32 v33, $0x7F;
	[sflag:s31] =	ssyncadd.s32 $0xFFFFF000  }
0x1e1: {  	_ =	swait.ge [sflag:s31], $0x1000  }
0x1e2: {  	[sflag:s31] =	ssyncset.done $0x0  }
0x1e3: {  	[sflag:s31] =	ssyncadd.s32 $0xFFFFF000  }
0x1e4: {  	v35 =	vld.idx.msk [tilespmem:v57+s14+$0x0], $0xffff  }
0x1e5: {  	v9 =	vmov v37;
	v58 =	vld.idx.msk [tilespmem:v33+s13+$0x0], $0xffff  }
0x1e6: {  	v7 =	vmov v9  }
0x1e7: {  	v59 =	vor.u32 v7, v32  }
0x1e8: {  	v62 =	vor.u32 $0x80, v33  }
0x1e9: {  	vm15 =	vgt.s32 v34, $0xF41FF  }
0x1ea: {  	v34 =	vsel vm15, v58, v35  }
0x1eb: {  	[tilespmem:$0x13400] =	vst v34  }
0x1ec: {  	v63 =	vld.idx.msk [tilespmem:v59+s14+$0x0], $0xffff  }
0x1ed: {  	v40 =	vld.idx.msk [tilespmem:v62+s13+$0x0], $0xffff;
	_ =	sdelay $0x1  }
0x1ee: {  	v41 =	vor.u32 v39, v32  }
0x1ef: {  	v42 =	vor.u32 $0x100, v33;
	_ =	sdelay $0x1  }
0x1f0: {  	v35 =	vsel vm15, v40, v63  }
0x1f1: {  	[tilespmem:$0x13480] =	vst v35  }
0x1f2: {  	v43 =	vld.idx.msk [tilespmem:v41+s14+$0x0], $0xffff  }
0x1f3: {  	v44 =	vld.idx.msk [tilespmem:v42+s13+$0x0], $0xffff  }
0x1f4: {  	v6 =	vmov v5  }
0x1f5: {  	v45 =	vor.u32 v6, v32  }
0x1f6: {  	v46 =	vor.u32 $0x180, v33;
	_ =	sdelay $0x1  }
0x1f7: {  	v36 =	vsel vm15, v44, v43  }
0x1f8: {  	[tilespmem:$0x13500] =	vst v36  }
0x1f9: {  	v47 =	vld.idx.msk [tilespmem:v45+s14+$0x0], $0xffff  }
0x1fa: {  	v48 =	vld.idx.msk [tilespmem:v46+s13+$0x0], $0xffff  }
0x1fb: {  	v27 =	vmov v4  }
0x1fc: {  	v49 =	vor.u32 v27, v32  }
0x1fd: {  	v40 =	vor.u32 $0x200, v33;
	_ =	sdelay $0x1  }
0x1fe: {  	v37 =	vsel vm15, v48, v47  }
0x1ff: {  	[tilespmem:$0x13580] =	vst v37  }
0x200: {  	v50 =	vld.idx.msk [tilespmem:v49+s14+$0x0], $0xffff  }
0x201: {  	v51 =	vld.idx.msk [tilespmem:v40+s13+$0x0], $0xffff;
	_ =	sdelay $0x1  }
0x202: {  	v52 =	vor.u32 v11, v32  }
0x203: {  	v41 =	vor.u32 $0x280, v33;
	_ =	sdelay $0x1  }
0x204: {  	v38 =	vsel vm15, v51, v50  }
0x205: {  	[tilespmem:$0x13600] =	vst v38  }
0x206: {  	v53 =	vld.idx.msk [tilespmem:v52+s14+$0x0], $0xffff  }
0x207: {  	v54 =	vld.idx.msk [tilespmem:v41+s13+$0x0], $0xffff;
	_ =	sdelay $0x1  }
0x208: {  	v55 =	vor.u32 v28, v32  }
0x209: {  	v42 =	vor.u32 $0x300, v33;
	_ =	sdelay $0x1  }
0x20a: {  	v4 =	vmov v39;
	v39 =	vsel vm15, v54, v53  }
0x20b: {  	[tilespmem:$0x13680] =	vst v39  }
0x20c: {  	v56 =	vld.idx.msk [tilespmem:v55+s14+$0x0], $0xffff  }
0x20d: {  	v57 =	vld.idx.msk [tilespmem:v42+s13+$0x0], $0xffff;
	_ =	sdelay $0x1  }
0x20e: {  	v58 =	vor.u32 v13, v32  }
0x20f: {  	v43 =	vor.u32 $0x380, v33;
	_ =	sdelay $0x1  }
0x210: {  	v40 =	vsel vm15, v57, v56  }
0x211: {  	[tilespmem:$0x13700] =	vst v40  }
0x212: {  	v59 =	vld.idx.msk [tilespmem:v58+s14+$0x0], $0xffff  }
0x213: {  	v62 =	vld.idx.msk [tilespmem:v43+s13+$0x0], $0xffff;
	_ =	sdelay $0x1  }
0x214: {  	v63 =	vor.u32 v8, v32  }
0x215: {  	v44 =	vor.u32 $0x400, v33;
	_ =	sdelay $0x1  }
0x216: {  	v41 =	vsel vm15, v62, v59  }
0x217: {  	[tilespmem:$0x13780] =	vst v41  }
0x218: {  	v48 =	vld.idx.msk [tilespmem:v63+s14+$0x0], $0xffff  }
0x219: {  	v49 =	vld.idx.msk [tilespmem:v44+s13+$0x0], $0xffff;
	_ =	sdelay $0x1  }
0x21a: {  	v50 =	vor.u32 v15, v32  }
0x21b: {  	v45 =	vor.u32 $0x480, v33;
	_ =	sdelay $0x1  }
0x21c: {  	v42 =	vsel vm15, v49, v48  }
0x21d: {  	[tilespmem:$0x13800] =	vst v42  }
0x21e: {  	v51 =	vld.idx.msk [tilespmem:v50+s14+$0x0], $0xffff  }
0x21f: {  	v52 =	vld.idx.msk [tilespmem:v45+s13+$0x0], $0xffff;
	_ =	sdelay $0x1  }
0x220: {  	v53 =	vor.u32 v10, v32  }
0x221: {  	v46 =	vor.u32 $0x500, v33;
	_ =	sdelay $0x1  }
0x222: {  	v43 =	vsel vm15, v52, v51  }
0x223: {  	[tilespmem:$0x13880] =	vst v43  }
0x224: {  	v54 =	vld.idx.msk [tilespmem:v53+s14+$0x0], $0xffff  }
0x225: {  	v55 =	vld.idx.msk [tilespmem:v46+s13+$0x0], $0xffff;
	_ =	sdelay $0x1  }
0x226: {  	v56 =	vor.u32 v17, v32  }
0x227: {  	v47 =	vor.u32 $0x580, v33;
	_ =	sdelay $0x1  }
0x228: {  	v44 =	vsel vm15, v55, v54  }
0x229: {  	[tilespmem:$0x13900] =	vst v44  }
0x22a: {  	v57 =	vld.idx.msk [tilespmem:v56+s14+$0x0], $0xffff  }
0x22b: {  	v58 =	vld.idx.msk [tilespmem:v47+s13+$0x0], $0xffff;
	_ =	sdelay $0x1  }
0x22c: {  	v59 =	vor.u32 v12, v32  }
0x22d: {  	v48 =	vor.u32 $0x600, v33;
	_ =	sdelay $0x1  }
0x22e: {  	v45 =	vsel vm15, v58, v57  }
0x22f: {  	[tilespmem:$0x13980] =	vst v45  }
0x230: {  	v62 =	vld.idx.msk [tilespmem:v59+s14+$0x0], $0xffff  }
0x231: {  	v63 =	vld.idx.msk [tilespmem:v48+s13+$0x0], $0xffff;
	_ =	sdelay $0x1  }
0x232: {  	v52 =	vor.u32 v19, v32  }
0x233: {  	v49 =	vor.u32 $0x680, v33;
	_ =	sdelay $0x1  }
0x234: {  	v46 =	vsel vm15, v63, v62  }
0x235: {  	[tilespmem:$0x13A00] =	vst v46  }
0x236: {  	v53 =	vld.idx.msk [tilespmem:v52+s14+$0x0], $0xffff  }
0x237: {  	v54 =	vld.idx.msk [tilespmem:v49+s13+$0x0], $0xffff;
	_ =	sdelay $0x1  }
0x238: {  	v55 =	vor.u32 v14, v32  }
0x239: {  	v50 =	vor.u32 $0x700, v33;
	_ =	sdelay $0x1  }
0x23a: {  	v47 =	vsel vm15, v54, v53  }
0x23b: {  	[tilespmem:$0x13A80] =	vst v47  }
0x23c: {  	v56 =	vld.idx.msk [tilespmem:v55+s14+$0x0], $0xffff  }
0x23d: {  	v57 =	vld.idx.msk [tilespmem:v50+s13+$0x0], $0xffff;
	_ =	sdelay $0x1  }
0x23e: {  	v58 =	vor.u32 v2, v32  }
0x23f: {  	v51 =	vor.u32 $0x780, v33;
	_ =	sdelay $0x1  }
0x240: {  	v48 =	vsel vm15, v57, v56  }
0x241: {  	[tilespmem:$0x13B00] =	vst v48  }
0x242: {  	v59 =	vld.idx.msk [tilespmem:v58+s14+$0x0], $0xffff  }
0x243: {  	v62 =	vld.idx.msk [tilespmem:v51+s13+$0x0], $0xffff;
	_ =	sdelay $0x1  }
0x244: {  	v63 =	vor.u32 v16, v32  }
0x245: {  	v52 =	vor.u32 $0x800, v33;
	_ =	sdelay $0x1  }
0x246: {  	v49 =	vsel vm15, v62, v59  }
0x247: {  	[tilespmem:$0x13B80] =	vst v49  }
0x248: {  	v56 =	vld.idx.msk [tilespmem:v63+s14+$0x0], $0xffff  }
0x249: {  	v57 =	vld.idx.msk [tilespmem:v52+s13+$0x0], $0xffff;
	_ =	sdelay $0x1  }
0x24a: {  	v58 =	vor.u32 v1, v32  }
0x24b: {  	v53 =	vor.u32 $0x880, v33;
	_ =	sdelay $0x1  }
0x24c: {  	v50 =	vsel vm15, v57, v56  }
0x24d: {  	[tilespmem:$0x13C00] =	vst v50  }
0x24e: {  	v59 =	vld.idx.msk [tilespmem:v58+s14+$0x0], $0xffff  }
0x24f: {  	v62 =	vld.idx.msk [tilespmem:v53+s13+$0x0], $0xffff;
	_ =	sdelay $0x1  }
0x250: {  	v63 =	vor.u32 v18, v32  }
0x251: {  	v54 =	vor.u32 $0x900, v33;
	_ =	sdelay $0x1  }
0x252: {  	v51 =	vsel vm15, v62, v59  }
0x253: {  	[tilespmem:$0x13C80] =	vst v51  }
0x254: {  	v57 =	vld.idx.msk [tilespmem:v63+s14+$0x0], $0xffff  }
0x255: {  	v58 =	vld.idx.msk [tilespmem:v54+s13+$0x0], $0xffff;
	_ =	sdelay $0x1  }
0x256: {  	v59 =	vor.u32 v25, v32  }
0x257: {  	v55 =	vor.u32 $0x980, v33;
	_ =	sdelay $0x1  }
0x258: {  	v52 =	vsel vm15, v58, v57  }
0x259: {  	[tilespmem:$0x13D00] =	vst v52  }
0x25a: {  	v53 =	vld.idx.msk [tilespmem:v59+s14+$0x0], $0xffff  }
0x25b: {  	v62 =	vld.idx.msk [tilespmem:v55+s13+$0x0], $0xffff;
	_ =	sdelay $0x1  }
0x25c: {  	v63 =	vor.u32 v20, v32  }
0x25d: {  	v56 =	vor.u32 $0xA00, v33;
	_ =	sdelay $0x1  }
0x25e: {  	v53 =	vsel vm15, v62, v53  }
0x25f: {  	[tilespmem:$0x13D80] =	vst v53  }
0x260: {  	v54 =	vld.idx.msk [tilespmem:v63+s14+$0x0], $0xffff  }
0x261: {  	v62 =	vld.idx.msk [tilespmem:v56+s13+$0x0], $0xffff;
	_ =	sdelay $0x1  }
0x262: {  	v63 =	vor.u32 v21, v32  }
0x263: {  	v57 =	vor.u32 $0xA80, v33;
	_ =	sdelay $0x1  }
0x264: {  	v54 =	vsel vm15, v62, v54  }
0x265: {  	[tilespmem:$0x13E00] =	vst v54  }
0x266: {  	v55 =	vld.idx.msk [tilespmem:v63+s14+$0x0], $0xffff  }
0x267: {  	v62 =	vld.idx.msk [tilespmem:v57+s13+$0x0], $0xffff;
	_ =	sdelay $0x1  }
0x268: {  	v63 =	vor.u32 v22, v32  }
0x269: {  	v58 =	vor.u32 $0xB00, v33;
	_ =	sdelay $0x1  }
0x26a: {  	v55 =	vsel vm15, v62, v55  }
0x26b: {  	[tilespmem:$0x13E80] =	vst v55  }
0x26c: {  	v56 =	vld.idx.msk [tilespmem:v63+s14+$0x0], $0xffff  }
0x26d: {  	v62 =	vld.idx.msk [tilespmem:v58+s13+$0x0], $0xffff;
	_ =	sdelay $0x1  }
0x26e: {  	v63 =	vor.u32 v24, v32  }
0x26f: {  	v59 =	vor.u32 $0xB80, v33;
	_ =	sdelay $0x1  }
0x270: {  	v56 =	vsel vm15, v62, v56  }
0x271: {  	[tilespmem:$0x13F00] =	vst v56  }
0x272: {  	v57 =	vld.idx.msk [tilespmem:v63+s14+$0x0], $0xffff  }
0x273: {  	v58 =	vld.idx.msk [tilespmem:v59+s13+$0x0], $0xffff;
	_ =	sdelay $0x1  }
0x274: {  	v59 =	vor.u32 v23, v32  }
0x275: {  	v9 =	vmovc v3;
	v3 =	vmovc v31;
	v31 =	vmov v29;
	v29 =	vmov v60;
	v60 =	vor.u32 $0xC00, v33;
	_ =	sdelay $0x1  }
0x276: {  	v57 =	vsel vm15, v58, v57  }
0x277: {  	[tilespmem:$0x13F80] =	vst v57  }
0x278: {  	v58 =	vld.idx.msk [tilespmem:v59+s14+$0x0], $0xffff  }
0x279: {  	v59 =	vld.idx.msk [tilespmem:v60+s13+$0x0], $0xffff;
	_ =	sdelay $0x1  }
0x27a: {  	v60 =	vor.u32 v0, v32;
	_ =	sdelay $0x2  }
0x27b: {  	v58 =	vsel vm15, v59, v58  }
0x27c: {  	v0 =	vmov v30;
	v30 =	vmov v61;
	v61 =	vor.u32 $0xC80, v33;
	[tilespmem:$0x14000] =	vst v58  }
0x27d: {  	v59 =	vld.idx.msk [tilespmem:v60+s14+$0x0], $0xffff  }
0x27e: {  	v60 =	vld [tilespmem:$0x12400]  }
0x27f: {  	v5 =	vmovc v7;
	v7 =	vmovc v6;
	v6 =	vmov v27;
	v27 =	vmov v21;
	v21 =	vmov v2;
	v2 =	vld [tilespmem:$0x12580]  }
0x280: {  	v62 =	vld [tilespmem:$0x12480]  }
0x281: {  	v61 =	vld.idx.msk [tilespmem:v61+s13+$0x0], $0xffff  }
0x282: {  	v23 =	vmov v1;
	v1 =	vld [tilespmem:$0x12500]  }
0x283: {  	v34 =	vmul.f32 v60, v34  }
0x284: {  	v63 =	vor.u32 v26, v32  }
0x285: {  	v35 =	vmul.f32 v62, v35;
	v60 =	vor.u32 $0xD00, v33;
	v34 =	vadd.f32 $0.0e+00, v34  }
0x286: {  	v59 =	vsel vm15, v61, v59;
	v61 =	vld [tilespmem:$0x12600]  }
0x287: {  	v2 =	vmul.f32 v2, v37;
	v37 =	vld [tilespmem:$0x12700];
	v1 =	vmul.f32 v1, v36;
	v34 =	vadd.f32 v35, v34  }
0x288: {  	v36 =	vld [tilespmem:$0x12680];
	[tilespmem:$0x14080] =	vst v59  }
0x289: {  	v35 =	vld.idx.msk [tilespmem:v63+s14+$0x0], $0xffff;
	v1 =	vadd.f32 v1, v34  }
0x28a: {  	v34 =	vld.idx.msk [tilespmem:v60+s13+$0x0], $0xffff  }
0x28b: {  	v1 =	vadd.f32 v2, v1;
	v2 =	vmul.f32 v61, v38;
	v61 =	vmov v30  }
0x28c: {  	v60 =	vld [tilespmem:$0x12780];
	v38 =	vor.u32 v61, v32  }
0x28d: {  	v1 =	vadd.f32 v2, v1;
	v2 =	vmul.f32 v36, v39  }
0x28e: {  	v39 =	vld [tilespmem:$0x12800]  }
0x28f: {  	v34 =	vsel vm15, v34, v35;
	v1 =	vadd.f32 v2, v1;
	v2 =	vmul.f32 v37, v40  }
0x290: {  	v35 =	vld [tilespmem:$0x12880];
	[tilespmem:$0x14100] =	vst v34  }
0x291: {  	v36 =	vor.u32 $0xD80, v33;
	v41 =	vmul.f32 v60, v41;
	v1 =	vadd.f32 v2, v1;
	v2 =	vld.idx.msk [tilespmem:v38+s14+$0x0], $0xffff  }
0x292: {  	v38 =	vld [tilespmem:$0x12900]  }
0x293: {  	v62 =	vmul.f32 v39, v42;
	v1 =	vadd.f32 v41, v1  }
0x294: {  	v63 =	vld [tilespmem:$0x12980]  }
0x295: {  	v40 =	vld [tilespmem:$0x12A00];
	v35 =	vmul.f32 v35, v43;
	v1 =	vadd.f32 v62, v1  }
0x296: {  	v36 =	vld.idx.msk [tilespmem:v36+s13+$0x0], $0xffff  }
0x297: {  	v60 =	vmov v29;
	v44 =	vmul.f32 v38, v44;
	v1 =	vadd.f32 v35, v1  }
0x298: {  	v37 =	vor.u32 v60, v32;
	v41 =	vld [tilespmem:$0x12A80]  }
0x299: {  	v62 =	vmul.f32 v63, v45;
	v38 =	vor.u32 $0xE00, v33;
	v1 =	vadd.f32 v44, v1  }
0x29a: {  	v63 =	vld [tilespmem:$0x12B00]  }
0x29b: {  	v43 =	vmul.f32 v40, v46;
	v46 =	vld [tilespmem:$0x12C00];
	v2 =	vsel vm15, v36, v2;
	v1 =	vadd.f32 v62, v1  }
0x29c: {  	[tilespmem:$0x14180] =	vst v2;
	v44 =	vld [tilespmem:$0x12B80]  }
0x29d: {  	v45 =	vmul.f32 v41, v47;
	v35 =	vld.idx.msk [tilespmem:v37+s14+$0x0], $0xffff;
	v1 =	vadd.f32 v43, v1  }
0x29e: {  	v37 =	vld.idx.msk [tilespmem:v38+s13+$0x0], $0xffff  }
0x29f: {  	v29 =	vmov v31;
	v36 =	vmul.f32 v63, v48;
	v1 =	vadd.f32 v45, v1  }
0x2a0: {  	v47 =	vor.u32 v29, v32;
	v48 =	vld [tilespmem:$0x12C80]  }
0x2a1: {  	v49 =	vmul.f32 v44, v49;
	v1 =	vadd.f32 v36, v1  }
0x2a2: {  	v63 =	vld [tilespmem:$0x12D00]  }
0x2a3: {  	v44 =	vmul.f32 v46, v50;
	v35 =	vsel vm15, v37, v35;
	v1 =	vadd.f32 v49, v1  }
0x2a4: {  	v62 =	vor.u32 $0xE80, v33;
	v45 =	vld [tilespmem:$0x12D80];
	[tilespmem:$0x14200] =	vst v35  }
0x2a5: {  	v46 =	vld.idx.msk [tilespmem:v47+s14+$0x0], $0xffff;
	v47 =	vmul.f32 v48, v51;
	v1 =	vadd.f32 v44, v1  }
0x2a6: {  	v48 =	vld [tilespmem:$0x12E00]  }
0x2a7: {  	v50 =	vmul.f32 v63, v52;
	v1 =	vadd.f32 v47, v1  }
0x2a8: {  	v51 =	vld [tilespmem:$0x12E80]  }
0x2a9: {  	v49 =	vld.idx.msk [tilespmem:v62+s13+$0x0], $0xffff;
	v37 =	vmul.f32 v45, v53;
	v1 =	vadd.f32 v50, v1  }
0x2aa: {  	v53 =	vld [tilespmem:$0x12F00]  }
0x2ab: {  	v54 =	vmul.f32 v48, v54;
	v1 =	vadd.f32 v37, v1  }
0x2ac: {  	v52 =	vor.u32 v0, v32;
	v63 =	vld [tilespmem:$0x12F80]  }
0x2ad: {  	v45 =	vmul.f32 v51, v55;
	v1 =	vadd.f32 v54, v1  }
0x2ae: {  	v62 =	vor.u32 $0xF00, v33;
	v36 =	vsel vm15, v49, v46;
	v46 =	vld [tilespmem:$0x13000]  }
0x2af: {  	v48 =	vmul.f32 v53, v56;
	v1 =	vadd.f32 v45, v1  }
0x2b0: {  	v49 =	vld [tilespmem:$0x13080];
	[tilespmem:$0x14280] =	vst v36  }
0x2b1: {  	v51 =	vmul.f32 v63, v57;
	v47 =	vld.idx.msk [tilespmem:v52+s14+$0x0], $0xffff;
	v1 =	vadd.f32 v48, v1  }
0x2b2: {  	v52 =	vld [tilespmem:$0x13100]  }
0x2b3: {  	v50 =	vld.idx.msk [tilespmem:v62+s13+$0x0], $0xffff;
	v38 =	vmul.f32 v46, v58;
	v1 =	vadd.f32 v51, v1  }
0x2b4: {  	v53 =	vld [tilespmem:$0x13180]  }
0x2b5: {  	v32 =	vor.u32 v3, v32;
	v54 =	vmul.f32 v49, v59;
	v1 =	vadd.f32 v38, v1  }
0x2b6: {  	v33 =	vor.u32 $0xF80, v33;
	v55 =	vld [tilespmem:$0x13200]  }
0x2b7: {  	v34 =	vmul.f32 v52, v34;
	v1 =	vadd.f32 v54, v1  }
0x2b8: {  	v56 =	vld [tilespmem:$0x13280];
	v37 =	vsel vm15, v50, v47  }
0x2b9: {  	v57 =	vld [tilespmem:$0x13300];
	v2 =	vmul.f32 v53, v2;
	[tilespmem:$0x14300] =	vst v37;
	v1 =	vadd.f32 v34, v1  }
0x2ba: {  	v32 =	vld.idx.msk [tilespmem:v32+s14+$0x0], $0xffff  }
0x2bb: {  	v58 =	vmul.f32 v55, v35;
	v1 =	vadd.f32 v2, v1;
	v2 =	vld.idx.msk [tilespmem:v33+s13+$0x0], $0xffff  }
0x2bc: {  	v59 =	vld [tilespmem:$0x13380]  }
0x2bd: {  	v62 =	vmul.f32 v56, v36;
	v1 =	vadd.f32 v58, v1;
	_ =	sdelay $0x1  }
0x2be: {  	v63 =	vmul.f32 v57, v37;
	v1 =	vadd.f32 v62, v1  }
0x2bf: {  	v2 =	vsel vm15, v2, v32  }
0x2c0: {  	v1 =	vadd.f32 v63, v1;
	v32 =	vmul.f32 v59, v2  }
0x2c1: {  	p0 =	sne.s32 s7, $0x1F0  }
.Ltmp0:
0x2c2: {  	v1 =	vadd.f32 v32, v1;
	(pc) =	sbr.rel @p0 .LBB2_2-.Ltmp0, $3  }
0x2c3: {  	_ =	sdelay $0x1  }
0x2c4: {  	v30 =	vmovc v0;
	v31 =	vmov v3;
	v39 =	vmov v4;
	v4 =	vmov v6;
	v0 =	vld [tilespmem:$0x1FFE0];
	[tilespmem:$0x14380] =	vst v2  }
0x2c5: {  	s6 =	sadd.s32 $0x20, s6;
	s7 =	sadd.s32 $0x10, s7;
	v37 =	vmovc v5;
	v5 =	vmovc v7;
	v2 =	vmov v21;
	v21 =	vmov v27;
	[tilespmem:s5+$0x0] =	vst v1;
	s5 =	sadd.s32 $0x10, s5;
	v1 =	vmov v23;
	v23 =	vld [tilespmem:$0x1FFF0]  }
0x2c6: {  	s5 =	rddreg [dreg:$0x9];
	s6 =	simm.s32 $0x14400  }
0x2c7: {  	[hbm4b:s5+s3] =	stream.linear.scatter [tilespmem:s6], [sflag:$0x3], $0x200, $0x38;
	[tilespmem:$0x14600] =	vst v63  }
0x2c8: {  	_ =	swait.ge [sflag:s4], $0x200  }
0x2c9: {  	s0 =	sadd.s32 $0x1, s0;
	s9 =	rddreg [dreg:$0xa]  }
0x2ca: {  	p0 =	sne.s32 s0, s9  }
.Ltmp1:
0x2cb: {  	_ = 	snop;
	(pc) =	sbr.rel @p0 .LBB2_1-.Ltmp1, $3  }
0x2cc: {  	_ =	sdelay $0x1  }
0x2cd: {  	[sflag:s4] =	ssyncset.done $0x0  }
0x2ce: {  	[sflag:s4] =	ssyncadd.s32 $0xFFFFFE00  }
0x2cf: {  	_ =	sfence.sel $0x180000  }
0x2d0: {  	[bflag:$0x0] =	sbarrier.arrive $0xFFFF  }
0x2d1: {  	_ =	strace $0x90000047  }
0x2d2: {  	s0 =	stileid.u32;
	[bflag:$0x2] =	sbarrier.arrive $0xFFFF  }
0x2d3: {  	p0 =	sne.s32 s0, $0x0;
	s0 =	rddreg [dreg:$0x5]  }
0x2d4: {  	s0 =	sadd.s32 @!p0 $0x100000, s0  }
0x2d5: {  	[sflag:s0] =	ssyncadd.tile.s32 @!p0 $0x1;
	_ =	shalt  }
.Lfunc_end2:
_tile_overlayer_lowered:
.L_overlay_start_2:
0x2d6: {  	(tag) =	ssettag $0x2  }
0x2d7: {  	s0 =	rddreg [dreg:$0x0];
	s2 =	stileid.u32  }
0x2d8: {  	s1 =	rddreg [dreg:$0x1];
	p0 =	sne.s32 s2, $0x0  }
0x2d9: {  	s3 =	rddreg [dreg:$0x2];
	[bflag:$0x3] =	sbarrier.arrive $0xFFFF;
	s2 =	simm.s32 @!p0 $0x1C03  }
0x2da: {  	[timem:s3], [sflag:s2] =	dma.local @!p0 [hbm:s0], s1  }
0x2db: {  	s0 =	simm.s32 @!p0 $0x3  }
0x2dc: {  	_ =	swait.ge @!p0 [sflag:s0], s1  }
0x2dd: {  	s1 =	ssub.s32 @!p0 $0x0, s1;
	[sflag:s0] =	ssyncset.done @!p0 $0x0  }
0x2de: {  	[sflag:s0] =	ssyncadd.s32 @!p0 s1  }
0x2df: {  	[bflag:$0x3] =	sbarrier.arrive $0xFFFF  }
0x2e0: {  	_ =	shalt  }

</sc_bundles>
